<compile_context>
chip_gen: v7x
topology: tpu7x:2x2x1
jax: 0.10.2.dev20260603
libtpu: 0.0.44.dev20260713+nightly
codegen_flags: <defaults>
</compile_context>

<pallas_src>
import functools
import jax
import jax.numpy as jnp
from jax import lax
from jax.experimental import pallas as pl
from jax.experimental.pallas import tpu as pltpu
from jax.experimental.pallas import tpu_sc as plsc

NC = 2
NS = 16
LANES = 16


def _sc_mesh():
    return plsc.VectorSubcoreMesh(core_axis_name="c", subcore_axis_name="s",
                                  num_cores=NC, num_subcores=NS)


def _node_span(n_nodes):
    return (((n_nodes + NS - 1) // NS) + LANES - 1) // LANES * LANES


def _make_deg_kernel(n_pad, n_chunks_pad):
    NW = NC * NS
    n_fire = n_chunks_pad // NW
    span = n_pad // NS

    @functools.partial(
        pl.kernel,
        out_type=jax.ShapeDtypeStruct((NC, n_pad), jnp.float32),
        mesh=_sc_mesh(),
        scratch_types=[
            pltpu.VMEM_SHARED((n_pad,), jnp.float32),
            pltpu.VMEM((span,), jnp.float32),
            pltpu.VMEM((128,), jnp.float32),
            pltpu.VMEM((n_fire, 1, 128), jnp.int32),
            pltpu.SemaphoreType.DMA,
        ],
    )
    def deg_kernel(dst_hbm, degp_hbm, deg_sh, zbuf, ones_v, idxb, sem):
        c = lax.axis_index("c")
        s = lax.axis_index("s")
        for k in range(span // LANES):
            zbuf[pl.ds(k * LANES, LANES)] = jnp.zeros((LANES,), jnp.float32)
        for k in range(128 // LANES):
            ones_v[pl.ds(k * LANES, LANES)] = jnp.ones((LANES,), jnp.float32)
        w = c * NS + s
        lo = w * n_fire
        pltpu.sync_copy(dst_hbm.at[pl.ds(lo, n_fire)], idxb)
        pltpu.sync_copy(zbuf, deg_sh.at[pl.ds(span * s, span)])
        plsc.subcore_barrier()

        def fire(t, _):
            pltpu.make_async_copy(ones_v, deg_sh.at[idxb.at[t, 0]], sem
                                  ).start(add=True)
            return ()

        def drain(t, _):
            pltpu.make_async_copy(ones_v, deg_sh.at[idxb.at[0, 0]], sem).wait()
            return ()

        lax.fori_loop(0, n_fire, fire, ())
        lax.fori_loop(0, n_fire, drain, ())
        plsc.subcore_barrier()

        pltpu.sync_copy(deg_sh.at[pl.ds(span * s, span)],
                        degp_hbm.at[c, pl.ds(span * s, span)])

    return deg_kernel


def _tc_scale_matmul(x, W, degp, n_pad, blk):
    n, d_in = x.shape
    d_out = W.shape[1]
    dh = d_out // NC

    def body(x_ref, w_ref, degp_ref, o_ref):
        deg = degp_ref[0][:, 0:1] + degp_ref[1][:, 0:1] + 1.0
        dinv = jnp.where(deg > 0, lax.rsqrt(deg), 0.0)
        h = jnp.dot(x_ref[...], w_ref[...], preferred_element_type=jnp.float32)
        g = h * dinv
        for cc in range(NC):
            o_ref[cc] = g[:, cc * dh:(cc + 1) * dh]

    return pl.pallas_call(
        body,
        grid=(n // blk,),
        in_specs=[
            pl.BlockSpec((blk, d_in), lambda i: (i, 0)),
            pl.BlockSpec((d_in, d_out), lambda i: (0, 0)),
            pl.BlockSpec((NC, blk, 1), lambda i: (0, i, 0)),
        ],
        out_specs=pl.BlockSpec((NC, blk, dh), lambda i: (0, i, 0)),
        out_shape=jax.ShapeDtypeStruct((NC, n_pad, dh), jnp.float32),
    )(x, W, degp)


def _make_agg_kernel(n_nodes, n_pad, n_chunks_pad, dh):
    nch = n_chunks_pad // NS
    assert nch % 2 == 0
    pairs = nch // 2
    span = _node_span(n_nodes)
    last = n_nodes - span * (NS - 1)
    i_ch = 128

    @functools.partial(
        pl.kernel,
        out_type=jax.ShapeDtypeStruct((NC, n_nodes, dh), jnp.float32),
        mesh=_sc_mesh(),
        scratch_types=[
            pltpu.VMEM_SHARED((n_pad, dh), jnp.float32),
            pltpu.VMEM((128, dh), jnp.float32),
            pltpu.VMEM((128, dh), jnp.float32),
            pltpu.VMEM((128,), jnp.int32),
            pltpu.VMEM((128,), jnp.int32),
            pltpu.VMEM((128,), jnp.int32),
            pltpu.VMEM((128,), jnp.int32),
            pltpu.SemaphoreType.DMA,
            pltpu.SemaphoreType.DMA,
            pltpu.SemaphoreType.DMA,
            pltpu.SemaphoreType.DMA,
            pltpu.SemaphoreType.DMA,
            pltpu.SemaphoreType.DMA,
            pltpu.SemaphoreType.DMA,
            pltpu.SemaphoreType.DMA,
        ],
    )
    def agg_kernel(g_hbm, src_hbm, dst_hbm, acc_hbm, acc_sh,
                   buf_a, buf_b, si_a, si_b, di_a, di_b,
                   sg_a, sg_b, ss_a, ss_b, ssi_a, ssi_b, sdi_a, sdi_b):
        c = lax.axis_index("c")
        s = lax.axis_index("s")
        row0 = s * span
        ebase = s * (nch * 128)
        off = c * n_nodes

        def init_chunk(rbase, cnt):
            pltpu.sync_copy(g_hbm.at[pl.ds(c * n_nodes + rbase, cnt)],
                            buf_a.at[pl.ds(0, cnt)])
            pltpu.sync_copy(buf_a.at[pl.ds(0, cnt)],
                            acc_sh.at[pl.ds(rbase, cnt)])

        def out_chunk(rbase, cnt):
            pltpu.sync_copy(acc_sh.at[pl.ds(rbase, cnt)],
                            buf_a.at[pl.ds(0, cnt)])
            pltpu.sync_copy(buf_a.at[pl.ds(0, cnt)],
                            acc_hbm.at[c, pl.ds(rbase, cnt)])

        def my_chunks(fn):
            @pl.when(s < NS - 1)
            def _():
                def body(k, _):
                    fn(row0 + k * i_ch, i_ch)
                    return ()
                lax.fori_loop(0, span // i_ch, body, ())
            @pl.when(s == NS - 1)
            def _():
                for k in range(0, last - (last % i_ch), i_ch):
                    fn(row0 + k, i_ch)
                if last % i_ch:
                    fn(row0 + last - (last % i_ch), last % i_ch)

        my_chunks(init_chunk)
        plsc.subcore_barrier()

        def load_si(j, si, sem):
            pltpu.make_async_copy(src_hbm.at[pl.ds(ebase + j * 128, 128)],
                                  si, sem).start()

        def wait_adj_si(si, sem):
            pltpu.make_async_copy(src_hbm.at[pl.ds(0, 128)], si, sem).wait()
            for k in range(128 // LANES):
                sl = pl.ds(k * LANES, LANES)
                si[sl] = si[sl] + off

        def load_di(j, di, sem):
            pltpu.make_async_copy(dst_hbm.at[pl.ds(ebase + j * 128, 128)],
                                  di, sem).start()

        def wait_di(di, sem):
            pltpu.make_async_copy(dst_hbm.at[pl.ds(0, 128)], di, sem).wait()

        def gather(buf, si, sem):
            pltpu.make_async_copy(g_hbm.at[si], buf, sem).start()

        def wait_gather(buf, si, sem):
            pltpu.make_async_copy(g_hbm.at[si], buf, sem).wait()

        def scat(buf, di, sem):
            pltpu.make_async_copy(buf, acc_sh.at[di], sem).start(add=True)

        def wait_scat(buf, di, sem):
            pltpu.make_async_copy(buf, acc_sh.at[di], sem).wait()

        load_si(0, si_a, ssi_a)
        wait_adj_si(si_a, ssi_a)
        load_di(0, di_a, sdi_a)
        gather(buf_a, si_a, sg_a)
        load_si(1, si_b, ssi_b)

        def pair(t, _):
            wait_gather(buf_a, si_a, sg_a)
            @pl.when(t < pairs - 1)
            def _():
                load_si(2 * t + 2, si_a, ssi_a)
            wait_adj_si(si_b, ssi_b)
            @pl.when(t > 0)
            def _():
                wait_scat(buf_b, di_b, ss_b)
            load_di(2 * t + 1, di_b, sdi_b)
            gather(buf_b, si_b, sg_b)
            wait_di(di_a, sdi_a)
            scat(buf_a, di_a, ss_a)
            wait_gather(buf_b, si_b, sg_b)
            @pl.when(t < pairs - 1)
            def _():
                load_si(2 * t + 3, si_b, ssi_b)
            wait_scat(buf_a, di_a, ss_a)
            @pl.when(t < pairs - 1)
            def _():
                load_di(2 * t + 2, di_a, sdi_a)
                wait_adj_si(si_a, ssi_a)
                gather(buf_a, si_a, sg_a)
            wait_di(di_b, sdi_b)
            scat(buf_b, di_b, ss_b)
            return ()

        lax.fori_loop(0, pairs, pair, ())
        wait_scat(buf_b, di_b, ss_b)
        plsc.subcore_barrier()

        my_chunks(out_chunk)

    return agg_kernel


def _tc_pool(acc2, degp, ctb2, b2, n, n_types, blk):
    dh = acc2.shape[2]
    d = NC * dh
    nk = n // blk

    def body(a_ref, degp_ref, t_ref, b_ref, o_ref, acc, cnt):
        k = pl.program_id(0)
        deg = degp_ref[0][:, 0:1] + degp_ref[1][:, 0:1] + 1.0
        dinv = jnp.where(deg > 0, lax.rsqrt(deg), 0.0)
        a = jnp.concatenate([a_ref[0], a_ref[1]], axis=1)
        r = jnp.maximum(a * dinv + b_ref[...], 0.0)
        tids = lax.broadcasted_iota(jnp.int32, (blk, n_types), 1)
        m = (t_ref[...] == tids).astype(jnp.float32)
        part = lax.dot_general(m, r, (((0,), (0,)), ((), ())),
                               preferred_element_type=jnp.float32,
                               precision=lax.Precision.HIGHEST)
        cpart = lax.dot_general(m, jnp.ones((blk, 1), jnp.float32),
                                (((0,), (0,)), ((), ())),
                                preferred_element_type=jnp.float32,
                                precision=lax.Precision.HIGHEST)

        @pl.when(k == 0)
        def _():
            acc[...] = jnp.zeros_like(acc)
            cnt[...] = jnp.zeros_like(cnt)

        acc[...] += part
        cnt[...] += cpart

        @pl.when(k == nk - 1)
        def _():
            o_ref[...] = acc[...] / jnp.maximum(cnt[...], 1.0)

    return pl.pallas_call(
        body,
        grid=(nk,),
        in_specs=[
            pl.BlockSpec((NC, blk, dh), lambda i: (0, i, 0)),
            pl.BlockSpec((NC, blk, 1), lambda i: (0, i, 0)),
            pl.BlockSpec((blk, 1), lambda i: (i, 0)),
            pl.BlockSpec((1, d), lambda i: (0, 0)),
        ],
        out_specs=pl.BlockSpec((n_types, d), lambda i: (0, 0)),
        out_shape=jax.ShapeDtypeStruct((n_types, d), jnp.float32),
        scratch_shapes=[
            pltpu.VMEM((n_types, d), jnp.float32),
            pltpu.VMEM((n_types, 1), jnp.float32),
        ],
    )(acc2, degp, ctb2, b2)


def kernel(x, edge_index, batch, cell_type_batch, W, b):
    n, d_in = x.shape
    d_out = W.shape[1]
    dh = d_out // NC
    e = edge_index.shape[1]
    n_types = 100

    span = _node_span(n)
    n_pad = span * NS
    chunk_e = 128 * NC * NS
    e_pad = (e + chunk_e - 1) // chunk_e * chunk_e
    n_chunks_pad = e_pad // 128

    src = edge_index[0]
    dst = edge_index[1]
    pad_rows = n_pad - n
    pad_iota = jax.lax.iota(jnp.int32, e_pad - e)
    dst_p = jnp.concatenate([dst, n + pad_iota % pad_rows])
    src_p = jnp.concatenate([src, pad_iota * 79 % n])
    dst3 = dst_p.reshape(n_chunks_pad, 1, 128)

    degp2 = _make_deg_kernel(n_pad, n_chunks_pad)(dst3)
    degp = degp2.reshape(NC, n_pad, 1)

    g2 = _tc_scale_matmul(x, W, degp, n, blk=1000)
    g_flat = g2.reshape(NC * n, dh)
    acc2 = _make_agg_kernel(n, n_pad, n_chunks_pad, dh)(g_flat, src_p, dst_p)

    pooled = _tc_pool(acc2, degp,
                      cell_type_batch.reshape(n, 1).astype(jnp.int32),
                      b.reshape(1, d_out), n, n_types, blk=1000)
    return pooled

# --- scband reference (transcript-rebuilt; emitter-appended) ---
"""Pipeline reference for scband-hierarchical-gnn-17635135717843 (READ-ONLY COPY).

The authoritative reference and input builder live on the scoring server;
editing this copy changes nothing except your own understanding.
"""

import jax, jax.numpy as jnp
import numpy as np

N = 10000
E = 160000
D_IN = 256
D_HID = 256
N_TYPES = 100


def setup_inputs(seed: int = 0) -> dict:
    key = jax.random.key(seed)
    k1, k2, k3, k4 = jax.random.split(key, 4)
    x = jax.random.normal(k1, (N, D_IN), dtype=jnp.float32)
    edge_index = jax.random.randint(k2, (2, E), 0, N, dtype=jnp.int32)
    batch = jnp.zeros((N,), dtype=jnp.int32)
    cell_type_batch = jnp.sort(jax.random.randint(k3, (N,), 0, N_TYPES, dtype=jnp.int32))
    # cell_conv params (GCNConv: lin weight [in,out] without bias + separate bias)
    W = jax.random.normal(k4, (D_IN, D_HID), dtype=jnp.float32) * 0.05
    b = jnp.zeros((D_HID,), dtype=jnp.float32)
    return {"x": x, "edge_index": edge_index, "batch": batch,
            "cell_type_batch": cell_type_batch, "W": W, "b": b}


def _gcn_conv(x, edge_index, W, b):
    n = x.shape[0]
    loops = jnp.arange(n, dtype=edge_index.dtype)
    src = jnp.concatenate([edge_index[0], loops])
    dst = jnp.concatenate([edge_index[1], loops])
    deg = jax.ops.segment_sum(jnp.ones_like(dst, dtype=x.dtype), dst, num_segments=n)
    dinv = jnp.where(deg > 0, 1.0 / jnp.sqrt(deg), 0.0)
    norm = dinv[src] * dinv[dst]
    h = x @ W
    msg = h[src] * norm[:, None]
    out = jax.ops.segment_sum(msg, dst, num_segments=n)
    return out + b


def reference(x, edge_index, batch, cell_type_batch, W, b):
    # cell-level GCN conv + ReLU
    h = jax.nn.relu(_gcn_conv(x, edge_index, W, b))
    # global_mean_pool over cell_type_batch (scatter-mean, count clamped at 1)
    s = jax.ops.segment_sum(h, cell_type_batch, num_segments=N_TYPES)
    cnt = jax.ops.segment_sum(jnp.ones((h.shape[0],), dtype=h.dtype), cell_type_batch, num_segments=N_TYPES)
    pooled = s / jnp.maximum(cnt, 1.0)[:, None]
    return pooled

if __name__ == "__main__":
    import jax
    _d = setup_inputs()
    print(jax.jit(kernel)(*tuple(_d.values())))

</pallas_src>

<mosaic_0001>
#map = affine_map<(d0, d1) -> (0, 0, 0)>
#map1 = affine_map<(d0, d1) -> (0, 0)>
module attributes {stable_mosaic.version = 14 : i64} {
  func.func @deg_kernel(%arg0: i32, %arg1: i32, %arg2: memref<1280x1x128xi32, #tpu.memory_space<hbm>>, %arg3: memref<2x10240xf32, #tpu.memory_space<hbm>>, %arg4: memref<10240xf32, #tpu.memory_space<vmem_shared>>, %arg5: memref<640xf32, #tpu.memory_space<vmem>>, %arg6: memref<128xf32, #tpu.memory_space<vmem>>, %arg7: memref<40x1x128xi32, #tpu.memory_space<vmem>>, %arg8: memref<!tpu.dma_semaphore, #tpu.memory_space<semaphore_mem>>) attributes {dimension_semantics = [#tpu.dimension_semantics<core_parallel>, #tpu.dimension_semantics<subcore_parallel>], iteration_bounds = array<i64: 2, 16>, scalar_prefetch = 0 : i64, scratch_operands = 5 : i64, tpu.core_type = #tpu.core_type<sc_vector_subcore>, window_params = [{transform_indices = #map}, {transform_indices = #map1}]} {
    %broadcast_in_dim3A = arith.constant 0.000000e+00 : f32
    %broadcast_in_dim3A_0 = vector.broadcast %broadcast_in_dim3A : f32 to vector<16xf32>
    %swap3A = arith.constant 0 : index
    %swap3A_1 = tpu.vector_load %arg5[%swap3A] {strides = array<i32>} : memref<640xf32, #tpu.memory_space<vmem>>, vector<16xf32>,
    %swap3A_2 = vector.shape_cast %swap3A_1 : vector<16xf32> to vector<16xf32>
    %swap3A_3 = vector.shape_cast %broadcast_in_dim3A_0 : vector<16xf32> to vector<16xf32>
    tpu.vector_store %arg5[%swap3A], %swap3A_3 {strides = array<i32>} : memref<640xf32, #tpu.memory_space<vmem>>, vector<16xf32>,
    %broadcast_in_dim3A_4 = arith.constant 0.000000e+00 : f32
    %broadcast_in_dim3A_5 = vector.broadcast %broadcast_in_dim3A_4 : f32 to vector<16xf32>
    %swap3A_6 = arith.constant 16 : index
    %swap3A_7 = tpu.vector_load %arg5[%swap3A_6] {strides = array<i32>} : memref<640xf32, #tpu.memory_space<vmem>>, vector<16xf32>,
    %swap3A_8 = vector.shape_cast %swap3A_7 : vector<16xf32> to vector<16xf32>
    %swap3A_9 = vector.shape_cast %broadcast_in_dim3A_5 : vector<16xf32> to vector<16xf32>
    tpu.vector_store %arg5[%swap3A_6], %swap3A_9 {strides = array<i32>} : memref<640xf32, #tpu.memory_space<vmem>>, vector<16xf32>,
    %broadcast_in_dim3A_10 = arith.constant 0.000000e+00 : f32
    %broadcast_in_dim3A_11 = vector.broadcast %broadcast_in_dim3A_10 : f32 to vector<16xf32>
    %swap3A_12 = arith.constant 32 : index
    %swap3A_13 = tpu.vector_load %arg5[%swap3A_12] {strides = array<i32>} : memref<640xf32, #tpu.memory_space<vmem>>, vector<16xf32>,
    %swap3A_14 = vector.shape_cast %swap3A_13 : vector<16xf32> to vector<16xf32>
    %swap3A_15 = vector.shape_cast %broadcast_in_dim3A_11 : vector<16xf32> to vector<16xf32>
    tpu.vector_store %arg5[%swap3A_12], %swap3A_15 {strides = array<i32>} : memref<640xf32, #tpu.memory_space<vmem>>, vector<16xf32>,
    %broadcast_in_dim3A_16 = arith.constant 0.000000e+00 : f32
    %broadcast_in_dim3A_17 = vector.broadcast %broadcast_in_dim3A_16 : f32 to vector<16xf32>
    %swap3A_18 = arith.constant 48 : index
    %swap3A_19 = tpu.vector_load %arg5[%swap3A_18] {strides = array<i32>} : memref<640xf32, #tpu.memory_space<vmem>>, vector<16xf32>,
    %swap3A_20 = vector.shape_cast %swap3A_19 : vector<16xf32> to vector<16xf32>
    %swap3A_21 = vector.shape_cast %broadcast_in_dim3A_17 : vector<16xf32> to vector<16xf32>
    tpu.vector_store %arg5[%swap3A_18], %swap3A_21 {strides = array<i32>} : memref<640xf32, #tpu.memory_space<vmem>>, vector<16xf32>,
    %broadcast_in_dim3A_22 = arith.constant 0.000000e+00 : f32
    %broadcast_in_dim3A_23 = vector.broadcast %broadcast_in_dim3A_22 : f32 to vector<16xf32>
    %swap3A_24 = arith.constant 64 : index
    %swap3A_25 = tpu.vector_load %arg5[%swap3A_24] {strides = array<i32>} : memref<640xf32, #tpu.memory_space<vmem>>, vector<16xf32>,
    %swap3A_26 = vector.shape_cast %swap3A_25 : vector<16xf32> to vector<16xf32>
    %swap3A_27 = vector.shape_cast %broadcast_in_dim3A_23 : vector<16xf32> to vector<16xf32>
    tpu.vector_store %arg5[%swap3A_24], %swap3A_27 {strides = array<i32>} : memref<640xf32, #tpu.memory_space<vmem>>, vector<16xf32>,
    %broadcast_in_dim3A_28 = arith.constant 0.000000e+00 : f32
    %broadcast_in_dim3A_29 = vector.broadcast %broadcast_in_dim3A_28 : f32 to vector<16xf32>
    %swap3A_30 = arith.constant 80 : index
    %swap3A_31 = tpu.vector_load %arg5[%swap3A_30] {strides = array<i32>} : memref<640xf32, #tpu.memory_space<vmem>>, vector<16xf32>,
    %swap3A_32 = vector.shape_cast %swap3A_31 : vector<16xf32> to vector<16xf32>
    %swap3A_33 = vector.shape_cast %broadcast_in_dim3A_29 : vector<16xf32> to vector<16xf32>
    tpu.vector_store %arg5[%swap3A_30], %swap3A_33 {strides = array<i32>} : memref<640xf32, #tpu.memory_space<vmem>>, vector<16xf32>,
    %broadcast_in_dim3A_34 = arith.constant 0.000000e+00 : f32
    %broadcast_in_dim3A_35 = vector.broadcast %broadcast_in_dim3A_34 : f32 to vector<16xf32>
    %swap3A_36 = arith.constant 96 : index
    %swap3A_37 = tpu.vector_load %arg5[%swap3A_36] {strides = array<i32>} : memref<640xf32, #tpu.memory_space<vmem>>, vector<16xf32>,
    %swap3A_38 = vector.shape_cast %swap3A_37 : vector<16xf32> to vector<16xf32>
    %swap3A_39 = vector.shape_cast %broadcast_in_dim3A_35 : vector<16xf32> to vector<16xf32>
    tpu.vector_store %arg5[%swap3A_36], %swap3A_39 {strides = array<i32>} : memref<640xf32, #tpu.memory_space<vmem>>, vector<16xf32>,
    %broadcast_in_dim3A_40 = arith.constant 0.000000e+00 : f32
    %broadcast_in_dim3A_41 = vector.broadcast %broadcast_in_dim3A_40 : f32 to vector<16xf32>
    %swap3A_42 = arith.constant 112 : index
    %swap3A_43 = tpu.vector_load %arg5[%swap3A_42] {strides = array<i32>} : memref<640xf32, #tpu.memory_space<vmem>>, vector<16xf32>,
    %swap3A_44 = vector.shape_cast %swap3A_43 : vector<16xf32> to vector<16xf32>
    %swap3A_45 = vector.shape_cast %broadcast_in_dim3A_41 : vector<16xf32> to vector<16xf32>
    tpu.vector_store %arg5[%swap3A_42], %swap3A_45 {strides = array<i32>} : memref<640xf32, #tpu.memory_space<vmem>>, vector<16xf32>,
    %broadcast_in_dim3A_46 = arith.constant 0.000000e+00 : f32
    %broadcast_in_dim3A_47 = vector.broadcast %broadcast_in_dim3A_46 : f32 to vector<16xf32>
    %swap3A_48 = arith.constant 128 : index
    %swap3A_49 = tpu.vector_load %arg5[%swap3A_48] {strides = array<i32>} : memref<640xf32, #tpu.memory_space<vmem>>, vector<16xf32>,
    %swap3A_50 = vector.shape_cast %swap3A_49 : vector<16xf32> to vector<16xf32>
    %swap3A_51 = vector.shape_cast %broadcast_in_dim3A_47 : vector<16xf32> to vector<16xf32>
    tpu.vector_store %arg5[%swap3A_48], %swap3A_51 {strides = array<i32>} : memref<640xf32, #tpu.memory_space<vmem>>, vector<16xf32>,
    %broadcast_in_dim3A_52 = arith.constant 0.000000e+00 : f32
    %broadcast_in_dim3A_53 = vector.broadcast %broadcast_in_dim3A_52 : f32 to vector<16xf32>
    %swap3A_54 = arith.constant 144 : index
    %swap3A_55 = tpu.vector_load %arg5[%swap3A_54] {strides = array<i32>} : memref<640xf32, #tpu.memory_space<vmem>>, vector<16xf32>,
    %swap3A_56 = vector.shape_cast %swap3A_55 : vector<16xf32> to vector<16xf32>
    %swap3A_57 = vector.shape_cast %broadcast_in_dim3A_53 : vector<16xf32> to vector<16xf32>
    tpu.vector_store %arg5[%swap3A_54], %swap3A_57 {strides = array<i32>} : memref<640xf32, #tpu.memory_space<vmem>>, vector<16xf32>,
    %broadcast_in_dim3A_58 = arith.constant 0.000000e+00 : f32
    %broadcast_in_dim3A_59 = vector.broadcast %broadcast_in_dim3A_58 : f32 to vector<16xf32>
    %swap3A_60 = arith.constant 160 : index
    %swap3A_61 = tpu.vector_load %arg5[%swap3A_60] {strides = array<i32>} : memref<640xf32, #tpu.memory_space<vmem>>, vector<16xf32>,
    %swap3A_62 = vector.shape_cast %swap3A_61 : vector<16xf32> to vector<16xf32>
    %swap3A_63 = vector.shape_cast %broadcast_in_dim3A_59 : vector<16xf32> to vector<16xf32>
    tpu.vector_store %arg5[%swap3A_60], %swap3A_63 {strides = array<i32>} : memref<640xf32, #tpu.memory_space<vmem>>, vector<16xf32>,
    %broadcast_in_dim3A_64 = arith.constant 0.000000e+00 : f32
    %broadcast_in_dim3A_65 = vector.broadcast %broadcast_in_dim3A_64 : f32 to vector<16xf32>
    %swap3A_66 = arith.constant 176 : index
    %swap3A_67 = tpu.vector_load %arg5[%swap3A_66] {strides = array<i32>} : memref<640xf32, #tpu.memory_space<vmem>>, vector<16xf32>,
    %swap3A_68 = vector.shape_cast %swap3A_67 : vector<16xf32> to vector<16xf32>
    %swap3A_69 = vector.shape_cast %broadcast_in_dim3A_65 : vector<16xf32> to vector<16xf32>
    tpu.vector_store %arg5[%swap3A_66], %swap3A_69 {strides = array<i32>} : memref<640xf32, #tpu.memory_space<vmem>>, vector<16xf32>,
    %broadcast_in_dim3A_70 = arith.constant 0.000000e+00 : f32
    %broadcast_in_dim3A_71 = vector.broadcast %broadcast_in_dim3A_70 : f32 to vector<16xf32>
    %swap3A_72 = arith.constant 192 : index
    %swap3A_73 = tpu.vector_load %arg5[%swap3A_72] {strides = array<i32>} : memref<640xf32, #tpu.memory_space<vmem>>, vector<16xf32>,
    %swap3A_74 = vector.shape_cast %swap3A_73 : vector<16xf32> to vector<16xf32>
    %swap3A_75 = vector.shape_cast %broadcast_in_dim3A_71 : vector<16xf32> to vector<16xf32>
    tpu.vector_store %arg5[%swap3A_72], %swap3A_75 {strides = array<i32>} : memref<640xf32, #tpu.memory_space<vmem>>, vector<16xf32>,
    %broadcast_in_dim3A_76 = arith.constant 0.000000e+00 : f32
    %broadcast_in_dim3A_77 = vector.broadcast %broadcast_in_dim3A_76 : f32 to vector<16xf32>
    %swap3A_78 = arith.constant 208 : index
    %swap3A_79 = tpu.vector_load %arg5[%swap3A_78] {strides = array<i32>} : memref<640xf32, #tpu.memory_space<vmem>>, vector<16xf32>,
    %swap3A_80 = vector.shape_cast %swap3A_79 : vector<16xf32> to vector<16xf32>
    %swap3A_81 = vector.shape_cast %broadcast_in_dim3A_77 : vector<16xf32> to vector<16xf32>
    tpu.vector_store %arg5[%swap3A_78], %swap3A_81 {strides = array<i32>} : memref<640xf32, #tpu.memory_space<vmem>>, vector<16xf32>,
    %broadcast_in_dim3A_82 = arith.constant 0.000000e+00 : f32
    %broadcast_in_dim3A_83 = vector.broadcast %broadcast_in_dim3A_82 : f32 to vector<16xf32>
    %swap3A_84 = arith.constant 224 : index
    %swap3A_85 = tpu.vector_load %arg5[%swap3A_84] {strides = array<i32>} : memref<640xf32, #tpu.memory_space<vmem>>, vector<16xf32>,
    %swap3A_86 = vector.shape_cast %swap3A_85 : vector<16xf32> to vector<16xf32>
    %swap3A_87 = vector.shape_cast %broadcast_in_dim3A_83 : vector<16xf32> to vector<16xf32>
    tpu.vector_store %arg5[%swap3A_84], %swap3A_87 {strides = array<i32>} : memref<640xf32, #tpu.memory_space<vmem>>, vector<16xf32>,
    %broadcast_in_dim3A_88 = arith.constant 0.000000e+00 : f32
    %broadcast_in_dim3A_89 = vector.broadcast %broadcast_in_dim3A_88 : f32 to vector<16xf32>
    %swap3A_90 = arith.constant 240 : index
    %swap3A_91 = tpu.vector_load %arg5[%swap3A_90] {strides = array<i32>} : memref<640xf32, #tpu.memory_space<vmem>>, vector<16xf32>,
    %swap3A_92 = vector.shape_cast %swap3A_91 : vector<16xf32> to vector<16xf32>
    %swap3A_93 = vector.shape_cast %broadcast_in_dim3A_89 : vector<16xf32> to vector<16xf32>
    tpu.vector_store %arg5[%swap3A_90], %swap3A_93 {strides = array<i32>} : memref<640xf32, #tpu.memory_space<vmem>>, vector<16xf32>,
    %broadcast_in_dim3A_94 = arith.constant 0.000000e+00 : f32
    %broadcast_in_dim3A_95 = vector.broadcast %broadcast_in_dim3A_94 : f32 to vector<16xf32>
    %swap3A_96 = arith.constant 256 : index
    %swap3A_97 = tpu.vector_load %arg5[%swap3A_96] {strides = array<i32>} : memref<640xf32, #tpu.memory_space<vmem>>, vector<16xf32>,
    %swap3A_98 = vector.shape_cast %swap3A_97 : vector<16xf32> to vector<16xf32>
    %swap3A_99 = vector.shape_cast %broadcast_in_dim3A_95 : vector<16xf32> to vector<16xf32>
    tpu.vector_store %arg5[%swap3A_96], %swap3A_99 {strides = array<i32>} : memref<640xf32, #tpu.memory_space<vmem>>, vector<16xf32>,
    %broadcast_in_dim3A_100 = arith.constant 0.000000e+00 : f32
    %broadcast_in_dim3A_101 = vector.broadcast %broadcast_in_dim3A_100 : f32 to vector<16xf32>
    %swap3A_102 = arith.constant 272 : index
    %swap3A_103 = tpu.vector_load %arg5[%swap3A_102] {strides = array<i32>} : memref<640xf32, #tpu.memory_space<vmem>>, vector<16xf32>,
    %swap3A_104 = vector.shape_cast %swap3A_103 : vector<16xf32> to vector<16xf32>
    %swap3A_105 = vector.shape_cast %broadcast_in_dim3A_101 : vector<16xf32> to vector<16xf32>
    tpu.vector_store %arg5[%swap3A_102], %swap3A_105 {strides = array<i32>} : memref<640xf32, #tpu.memory_space<vmem>>, vector<16xf32>,
    %broadcast_in_dim3A_106 = arith.constant 0.000000e+00 : f32
    %broadcast_in_dim3A_107 = vector.broadcast %broadcast_in_dim3A_106 : f32 to vector<16xf32>
    %swap3A_108 = arith.constant 288 : index
    %swap3A_109 = tpu.vector_load %arg5[%swap3A_108] {strides = array<i32>} : memref<640xf32, #tpu.memory_space<vmem>>, vector<16xf32>,
    %swap3A_110 = vector.shape_cast %swap3A_109 : vector<16xf32> to vector<16xf32>
    %swap3A_111 = vector.shape_cast %broadcast_in_dim3A_107 : vector<16xf32> to vector<16xf32>
    tpu.vector_store %arg5[%swap3A_108], %swap3A_111 {strides = array<i32>} : memref<640xf32, #tpu.memory_space<vmem>>, vector<16xf32>,
    %broadcast_in_dim3A_112 = arith.constant 0.000000e+00 : f32
    %broadcast_in_dim3A_113 = vector.broadcast %broadcast_in_dim3A_112 : f32 to vector<16xf32>
    %swap3A_114 = arith.constant 304 : index
    %swap3A_115 = tpu.vector_load %arg5[%swap3A_114] {strides = array<i32>} : memref<640xf32, #tpu.memory_space<vmem>>, vector<16xf32>,
    %swap3A_116 = vector.shape_cast %swap3A_115 : vector<16xf32> to vector<16xf32>
    %swap3A_117 = vector.shape_cast %broadcast_in_dim3A_113 : vector<16xf32> to vector<16xf32>
    tpu.vector_store %arg5[%swap3A_114], %swap3A_117 {strides = array<i32>} : memref<640xf32, #tpu.memory_space<vmem>>, vector<16xf32>,
    %broadcast_in_dim3A_118 = arith.constant 0.000000e+00 : f32
    %broadcast_in_dim3A_119 = vector.broadcast %broadcast_in_dim3A_118 : f32 to vector<16xf32>
    %swap3A_120 = arith.constant 320 : index
    %swap3A_121 = tpu.vector_load %arg5[%swap3A_120] {strides = array<i32>} : memref<640xf32, #tpu.memory_space<vmem>>, vector<16xf32>,
    %swap3A_122 = vector.shape_cast %swap3A_121 : vector<16xf32> to vector<16xf32>
    %swap3A_123 = vector.shape_cast %broadcast_in_dim3A_119 : vector<16xf32> to vector<16xf32>
    tpu.vector_store %arg5[%swap3A_120], %swap3A_123 {strides = array<i32>} : memref<640xf32, #tpu.memory_space<vmem>>, vector<16xf32>,
    %broadcast_in_dim3A_124 = arith.constant 0.000000e+00 : f32
    %broadcast_in_dim3A_125 = vector.broadcast %broadcast_in_dim3A_124 : f32 to vector<16xf32>
    %swap3A_126 = arith.constant 336 : index
    %swap3A_127 = tpu.vector_load %arg5[%swap3A_126] {strides = array<i32>} : memref<640xf32, #tpu.memory_space<vmem>>, vector<16xf32>,
    %swap3A_128 = vector.shape_cast %swap3A_127 : vector<16xf32> to vector<16xf32>
    %swap3A_129 = vector.shape_cast %broadcast_in_dim3A_125 : vector<16xf32> to vector<16xf32>
    tpu.vector_store %arg5[%swap3A_126], %swap3A_129 {strides = array<i32>} : memref<640xf32, #tpu.memory_space<vmem>>, vector<16xf32>,
    %broadcast_in_dim3A_130 = arith.constant 0.000000e+00 : f32
    %broadcast_in_dim3A_131 = vector.broadcast %broadcast_in_dim3A_130 : f32 to vector<16xf32>
    %swap3A_132 = arith.constant 352 : index
    %swap3A_133 = tpu.vector_load %arg5[%swap3A_132] {strides = array<i32>} : memref<640xf32, #tpu.memory_space<vmem>>, vector<16xf32>,
    %swap3A_134 = vector.shape_cast %swap3A_133 : vector<16xf32> to vector<16xf32>
    %swap3A_135 = vector.shape_cast %broadcast_in_dim3A_131 : vector<16xf32> to vector<16xf32>
    tpu.vector_store %arg5[%swap3A_132], %swap3A_135 {strides = array<i32>} : memref<640xf32, #tpu.memory_space<vmem>>, vector<16xf32>,
    %broadcast_in_dim3A_136 = arith.constant 0.000000e+00 : f32
    %broadcast_in_dim3A_137 = vector.broadcast %broadcast_in_dim3A_136 : f32 to vector<16xf32>
    %swap3A_138 = arith.constant 368 : index
    %swap3A_139 = tpu.vector_load %arg5[%swap3A_138] {strides = array<i32>} : memref<640xf32, #tpu.memory_space<vmem>>, vector<16xf32>,
    %swap3A_140 = vector.shape_cast %swap3A_139 : vector<16xf32> to vector<16xf32>
    %swap3A_141 = vector.shape_cast %broadcast_in_dim3A_137 : vector<16xf32> to vector<16xf32>
    tpu.vector_store %arg5[%swap3A_138], %swap3A_141 {strides = array<i32>} : memref<640xf32, #tpu.memory_space<vmem>>, vector<16xf32>,
    %broadcast_in_dim3A_142 = arith.constant 0.000000e+00 : f32
    %broadcast_in_dim3A_143 = vector.broadcast %broadcast_in_dim3A_142 : f32 to vector<16xf32>
    %swap3A_144 = arith.constant 384 : index
    %swap3A_145 = tpu.vector_load %arg5[%swap3A_144] {strides = array<i32>} : memref<640xf32, #tpu.memory_space<vmem>>, vector<16xf32>,
    %swap3A_146 = vector.shape_cast %swap3A_145 : vector<16xf32> to vector<16xf32>
    %swap3A_147 = vector.shape_cast %broadcast_in_dim3A_143 : vector<16xf32> to vector<16xf32>
    tpu.vector_store %arg5[%swap3A_144], %swap3A_147 {strides = array<i32>} : memref<640xf32, #tpu.memory_space<vmem>>, vector<16xf32>,
    %broadcast_in_dim3A_148 = arith.constant 0.000000e+00 : f32
    %broadcast_in_dim3A_149 = vector.broadcast %broadcast_in_dim3A_148 : f32 to vector<16xf32>
    %swap3A_150 = arith.constant 400 : index
    %swap3A_151 = tpu.vector_load %arg5[%swap3A_150] {strides = array<i32>} : memref<640xf32, #tpu.memory_space<vmem>>, vector<16xf32>,
    %swap3A_152 = vector.shape_cast %swap3A_151 : vector<16xf32> to vector<16xf32>
    %swap3A_153 = vector.shape_cast %broadcast_in_dim3A_149 : vector<16xf32> to vector<16xf32>
    tpu.vector_store %arg5[%swap3A_150], %swap3A_153 {strides = array<i32>} : memref<640xf32, #tpu.memory_space<vmem>>, vector<16xf32>,
    %broadcast_in_dim3A_154 = arith.constant 0.000000e+00 : f32
    %broadcast_in_dim3A_155 = vector.broadcast %broadcast_in_dim3A_154 : f32 to vector<16xf32>
    %swap3A_156 = arith.constant 416 : index
    %swap3A_157 = tpu.vector_load %arg5[%swap3A_156] {strides = array<i32>} : memref<640xf32, #tpu.memory_space<vmem>>, vector<16xf32>,
    %swap3A_158 = vector.shape_cast %swap3A_157 : vector<16xf32> to vector<16xf32>
    %swap3A_159 = vector.shape_cast %broadcast_in_dim3A_155 : vector<16xf32> to vector<16xf32>
    tpu.vector_store %arg5[%swap3A_156], %swap3A_159 {strides = array<i32>} : memref<640xf32, #tpu.memory_space<vmem>>, vector<16xf32>,
    %broadcast_in_dim3A_160 = arith.constant 0.000000e+00 : f32
    %broadcast_in_dim3A_161 = vector.broadcast %broadcast_in_dim3A_160 : f32 to vector<16xf32>
    %swap3A_162 = arith.constant 432 : index
    %swap3A_163 = tpu.vector_load %arg5[%swap3A_162] {strides = array<i32>} : memref<640xf32, #tpu.memory_space<vmem>>, vector<16xf32>,
    %swap3A_164 = vector.shape_cast %swap3A_163 : vector<16xf32> to vector<16xf32>
    %swap3A_165 = vector.shape_cast %broadcast_in_dim3A_161 : vector<16xf32> to vector<16xf32>
    tpu.vector_store %arg5[%swap3A_162], %swap3A_165 {strides = array<i32>} : memref<640xf32, #tpu.memory_space<vmem>>, vector<16xf32>,
    %broadcast_in_dim3A_166 = arith.constant 0.000000e+00 : f32
    %broadcast_in_dim3A_167 = vector.broadcast %broadcast_in_dim3A_166 : f32 to vector<16xf32>
    %swap3A_168 = arith.constant 448 : index
    %swap3A_169 = tpu.vector_load %arg5[%swap3A_168] {strides = array<i32>} : memref<640xf32, #tpu.memory_space<vmem>>, vector<16xf32>,
    %swap3A_170 = vector.shape_cast %swap3A_169 : vector<16xf32> to vector<16xf32>
    %swap3A_171 = vector.shape_cast %broadcast_in_dim3A_167 : vector<16xf32> to vector<16xf32>
    tpu.vector_store %arg5[%swap3A_168], %swap3A_171 {strides = array<i32>} : memref<640xf32, #tpu.memory_space<vmem>>, vector<16xf32>,
    %broadcast_in_dim3A_172 = arith.constant 0.000000e+00 : f32
    %broadcast_in_dim3A_173 = vector.broadcast %broadcast_in_dim3A_172 : f32 to vector<16xf32>
    %swap3A_174 = arith.constant 464 : index
    %swap3A_175 = tpu.vector_load %arg5[%swap3A_174] {strides = array<i32>} : memref<640xf32, #tpu.memory_space<vmem>>, vector<16xf32>,
    %swap3A_176 = vector.shape_cast %swap3A_175 : vector<16xf32> to vector<16xf32>
    %swap3A_177 = vector.shape_cast %broadcast_in_dim3A_173 : vector<16xf32> to vector<16xf32>
    tpu.vector_store %arg5[%swap3A_174], %swap3A_177 {strides = array<i32>} : memref<640xf32, #tpu.memory_space<vmem>>, vector<16xf32>,
    %broadcast_in_dim3A_178 = arith.constant 0.000000e+00 : f32
    %broadcast_in_dim3A_179 = vector.broadcast %broadcast_in_dim3A_178 : f32 to vector<16xf32>
    %swap3A_180 = arith.constant 480 : index
    %swap3A_181 = tpu.vector_load %arg5[%swap3A_180] {strides = array<i32>} : memref<640xf32, #tpu.memory_space<vmem>>, vector<16xf32>,
    %swap3A_182 = vector.shape_cast %swap3A_181 : vector<16xf32> to vector<16xf32>
    %swap3A_183 = vector.shape_cast %broadcast_in_dim3A_179 : vector<16xf32> to vector<16xf32>
    tpu.vector_store %arg5[%swap3A_180], %swap3A_183 {strides = array<i32>} : memref<640xf32, #tpu.memory_space<vmem>>, vector<16xf32>,
    %broadcast_in_dim3A_184 = arith.constant 0.000000e+00 : f32
    %broadcast_in_dim3A_185 = vector.broadcast %broadcast_in_dim3A_184 : f32 to vector<16xf32>
    %swap3A_186 = arith.constant 496 : index
    %swap3A_187 = tpu.vector_load %arg5[%swap3A_186] {strides = array<i32>} : memref<640xf32, #tpu.memory_space<vmem>>, vector<16xf32>,
    %swap3A_188 = vector.shape_cast %swap3A_187 : vector<16xf32> to vector<16xf32>
    %swap3A_189 = vector.shape_cast %broadcast_in_dim3A_185 : vector<16xf32> to vector<16xf32>
    tpu.vector_store %arg5[%swap3A_186], %swap3A_189 {strides = array<i32>} : memref<640xf32, #tpu.memory_space<vmem>>, vector<16xf32>,
    %broadcast_in_dim3A_190 = arith.constant 0.000000e+00 : f32
    %broadcast_in_dim3A_191 = vector.broadcast %broadcast_in_dim3A_190 : f32 to vector<16xf32>
    %swap3A_192 = arith.constant 512 : index
    %swap3A_193 = tpu.vector_load %arg5[%swap3A_192] {strides = array<i32>} : memref<640xf32, #tpu.memory_space<vmem>>, vector<16xf32>,
    %swap3A_194 = vector.shape_cast %swap3A_193 : vector<16xf32> to vector<16xf32>
    %swap3A_195 = vector.shape_cast %broadcast_in_dim3A_191 : vector<16xf32> to vector<16xf32>
    tpu.vector_store %arg5[%swap3A_192], %swap3A_195 {strides = array<i32>} : memref<640xf32, #tpu.memory_space<vmem>>, vector<16xf32>,
    %broadcast_in_dim3A_196 = arith.constant 0.000000e+00 : f32
    %broadcast_in_dim3A_197 = vector.broadcast %broadcast_in_dim3A_196 : f32 to vector<16xf32>
    %swap3A_198 = arith.constant 528 : index
    %swap3A_199 = tpu.vector_load %arg5[%swap3A_198] {strides = array<i32>} : memref<640xf32, #tpu.memory_space<vmem>>, vector<16xf32>,
    %swap3A_200 = vector.shape_cast %swap3A_199 : vector<16xf32> to vector<16xf32>
    %swap3A_201 = vector.shape_cast %broadcast_in_dim3A_197 : vector<16xf32> to vector<16xf32>
    tpu.vector_store %arg5[%swap3A_198], %swap3A_201 {strides = array<i32>} : memref<640xf32, #tpu.memory_space<vmem>>, vector<16xf32>,
    %broadcast_in_dim3A_202 = arith.constant 0.000000e+00 : f32
    %broadcast_in_dim3A_203 = vector.broadcast %broadcast_in_dim3A_202 : f32 to vector<16xf32>
    %swap3A_204 = arith.constant 544 : index
    %swap3A_205 = tpu.vector_load %arg5[%swap3A_204] {strides = array<i32>} : memref<640xf32, #tpu.memory_space<vmem>>, vector<16xf32>,
    %swap3A_206 = vector.shape_cast %swap3A_205 : vector<16xf32> to vector<16xf32>
    %swap3A_207 = vector.shape_cast %broadcast_in_dim3A_203 : vector<16xf32> to vector<16xf32>
    tpu.vector_store %arg5[%swap3A_204], %swap3A_207 {strides = array<i32>} : memref<640xf32, #tpu.memory_space<vmem>>, vector<16xf32>,
    %broadcast_in_dim3A_208 = arith.constant 0.000000e+00 : f32
    %broadcast_in_dim3A_209 = vector.broadcast %broadcast_in_dim3A_208 : f32 to vector<16xf32>
    %swap3A_210 = arith.constant 560 : index
    %swap3A_211 = tpu.vector_load %arg5[%swap3A_210] {strides = array<i32>} : memref<640xf32, #tpu.memory_space<vmem>>, vector<16xf32>,
    %swap3A_212 = vector.shape_cast %swap3A_211 : vector<16xf32> to vector<16xf32>
    %swap3A_213 = vector.shape_cast %broadcast_in_dim3A_209 : vector<16xf32> to vector<16xf32>
    tpu.vector_store %arg5[%swap3A_210], %swap3A_213 {strides = array<i32>} : memref<640xf32, #tpu.memory_space<vmem>>, vector<16xf32>,
    %broadcast_in_dim3A_214 = arith.constant 0.000000e+00 : f32
    %broadcast_in_dim3A_215 = vector.broadcast %broadcast_in_dim3A_214 : f32 to vector<16xf32>
    %swap3A_216 = arith.constant 576 : index
    %swap3A_217 = tpu.vector_load %arg5[%swap3A_216] {strides = array<i32>} : memref<640xf32, #tpu.memory_space<vmem>>, vector<16xf32>,
    %swap3A_218 = vector.shape_cast %swap3A_217 : vector<16xf32> to vector<16xf32>
    %swap3A_219 = vector.shape_cast %broadcast_in_dim3A_215 : vector<16xf32> to vector<16xf32>
    tpu.vector_store %arg5[%swap3A_216], %swap3A_219 {strides = array<i32>} : memref<640xf32, #tpu.memory_space<vmem>>, vector<16xf32>,
    %broadcast_in_dim3A_220 = arith.constant 0.000000e+00 : f32
    %broadcast_in_dim3A_221 = vector.broadcast %broadcast_in_dim3A_220 : f32 to vector<16xf32>
    %swap3A_222 = arith.constant 592 : index
    %swap3A_223 = tpu.vector_load %arg5[%swap3A_222] {strides = array<i32>} : memref<640xf32, #tpu.memory_space<vmem>>, vector<16xf32>,
    %swap3A_224 = vector.shape_cast %swap3A_223 : vector<16xf32> to vector<16xf32>
    %swap3A_225 = vector.shape_cast %broadcast_in_dim3A_221 : vector<16xf32> to vector<16xf32>
    tpu.vector_store %arg5[%swap3A_222], %swap3A_225 {strides = array<i32>} : memref<640xf32, #tpu.memory_space<vmem>>, vector<16xf32>,
    %broadcast_in_dim3A_226 = arith.constant 0.000000e+00 : f32
    %broadcast_in_dim3A_227 = vector.broadcast %broadcast_in_dim3A_226 : f32 to vector<16xf32>
    %swap3A_228 = arith.constant 608 : index
    %swap3A_229 = tpu.vector_load %arg5[%swap3A_228] {strides = array<i32>} : memref<640xf32, #tpu.memory_space<vmem>>, vector<16xf32>,
    %swap3A_230 = vector.shape_cast %swap3A_229 : vector<16xf32> to vector<16xf32>
    %swap3A_231 = vector.shape_cast %broadcast_in_dim3A_227 : vector<16xf32> to vector<16xf32>
    tpu.vector_store %arg5[%swap3A_228], %swap3A_231 {strides = array<i32>} : memref<640xf32, #tpu.memory_space<vmem>>, vector<16xf32>,
    %broadcast_in_dim3A_232 = arith.constant 0.000000e+00 : f32
    %broadcast_in_dim3A_233 = vector.broadcast %broadcast_in_dim3A_232 : f32 to vector<16xf32>
    %swap3A_234 = arith.constant 624 : index
    %swap3A_235 = tpu.vector_load %arg5[%swap3A_234] {strides = array<i32>} : memref<640xf32, #tpu.memory_space<vmem>>, vector<16xf32>,
    %swap3A_236 = vector.shape_cast %swap3A_235 : vector<16xf32> to vector<16xf32>
    %swap3A_237 = vector.shape_cast %broadcast_in_dim3A_233 : vector<16xf32> to vector<16xf32>
    tpu.vector_store %arg5[%swap3A_234], %swap3A_237 {strides = array<i32>} : memref<640xf32, #tpu.memory_space<vmem>>, vector<16xf32>,
    %broadcast_in_dim3A_238 = arith.constant 1.000000e+00 : f32
    %broadcast_in_dim3A_239 = vector.broadcast %broadcast_in_dim3A_238 : f32 to vector<16xf32>
    %swap3A_240 = arith.constant 0 : index
    %swap3A_241 = tpu.vector_load %arg6[%swap3A_240] {strides = array<i32>} : memref<128xf32, #tpu.memory_space<vmem>>, vector<16xf32>,
    %swap3A_242 = vector.shape_cast %swap3A_241 : vector<16xf32> to vector<16xf32>
    %swap3A_243 = vector.shape_cast %broadcast_in_dim3A_239 : vector<16xf32> to vector<16xf32>
    tpu.vector_store %arg6[%swap3A_240], %swap3A_243 {strides = array<i32>} : memref<128xf32, #tpu.memory_space<vmem>>, vector<16xf32>,
    %broadcast_in_dim3A_244 = arith.constant 1.000000e+00 : f32
    %broadcast_in_dim3A_245 = vector.broadcast %broadcast_in_dim3A_244 : f32 to vector<16xf32>
    %swap3A_246 = arith.constant 16 : index
    %swap3A_247 = tpu.vector_load %arg6[%swap3A_246] {strides = array<i32>} : memref<128xf32, #tpu.memory_space<vmem>>, vector<16xf32>,
    %swap3A_248 = vector.shape_cast %swap3A_247 : vector<16xf32> to vector<16xf32>
    %swap3A_249 = vector.shape_cast %broadcast_in_dim3A_245 : vector<16xf32> to vector<16xf32>
    tpu.vector_store %arg6[%swap3A_246], %swap3A_249 {strides = array<i32>} : memref<128xf32, #tpu.memory_space<vmem>>, vector<16xf32>,
    %broadcast_in_dim3A_250 = arith.constant 1.000000e+00 : f32
    %broadcast_in_dim3A_251 = vector.broadcast %broadcast_in_dim3A_250 : f32 to vector<16xf32>
    %swap3A_252 = arith.constant 32 : index
    %swap3A_253 = tpu.vector_load %arg6[%swap3A_252] {strides = array<i32>} : memref<128xf32, #tpu.memory_space<vmem>>, vector<16xf32>,
    %swap3A_254 = vector.shape_cast %swap3A_253 : vector<16xf32> to vector<16xf32>
    %swap3A_255 = vector.shape_cast %broadcast_in_dim3A_251 : vector<16xf32> to vector<16xf32>
    tpu.vector_store %arg6[%swap3A_252], %swap3A_255 {strides = array<i32>} : memref<128xf32, #tpu.memory_space<vmem>>, vector<16xf32>,
    %broadcast_in_dim3A_256 = arith.constant 1.000000e+00 : f32
    %broadcast_in_dim3A_257 = vector.broadcast %broadcast_in_dim3A_256 : f32 to vector<16xf32>
    %swap3A_258 = arith.constant 48 : index
    %swap3A_259 = tpu.vector_load %arg6[%swap3A_258] {strides = array<i32>} : memref<128xf32, #tpu.memory_space<vmem>>, vector<16xf32>,
    %swap3A_260 = vector.shape_cast %swap3A_259 : vector<16xf32> to vector<16xf32>
    %swap3A_261 = vector.shape_cast %broadcast_in_dim3A_257 : vector<16xf32> to vector<16xf32>
    tpu.vector_store %arg6[%swap3A_258], %swap3A_261 {strides = array<i32>} : memref<128xf32, #tpu.memory_space<vmem>>, vector<16xf32>,
    %broadcast_in_dim3A_262 = arith.constant 1.000000e+00 : f32
    %broadcast_in_dim3A_263 = vector.broadcast %broadcast_in_dim3A_262 : f32 to vector<16xf32>
    %swap3A_264 = arith.constant 64 : index
    %swap3A_265 = tpu.vector_load %arg6[%swap3A_264] {strides = array<i32>} : memref<128xf32, #tpu.memory_space<vmem>>, vector<16xf32>,
    %swap3A_266 = vector.shape_cast %swap3A_265 : vector<16xf32> to vector<16xf32>
    %swap3A_267 = vector.shape_cast %broadcast_in_dim3A_263 : vector<16xf32> to vector<16xf32>
    tpu.vector_store %arg6[%swap3A_264], %swap3A_267 {strides = array<i32>} : memref<128xf32, #tpu.memory_space<vmem>>, vector<16xf32>,
    %broadcast_in_dim3A_268 = arith.constant 1.000000e+00 : f32
    %broadcast_in_dim3A_269 = vector.broadcast %broadcast_in_dim3A_268 : f32 to vector<16xf32>
    %swap3A_270 = arith.constant 80 : index
    %swap3A_271 = tpu.vector_load %arg6[%swap3A_270] {strides = array<i32>} : memref<128xf32, #tpu.memory_space<vmem>>, vector<16xf32>,
    %swap3A_272 = vector.shape_cast %swap3A_271 : vector<16xf32> to vector<16xf32>
    %swap3A_273 = vector.shape_cast %broadcast_in_dim3A_269 : vector<16xf32> to vector<16xf32>
    tpu.vector_store %arg6[%swap3A_270], %swap3A_273 {strides = array<i32>} : memref<128xf32, #tpu.memory_space<vmem>>, vector<16xf32>,
    %broadcast_in_dim3A_274 = arith.constant 1.000000e+00 : f32
    %broadcast_in_dim3A_275 = vector.broadcast %broadcast_in_dim3A_274 : f32 to vector<16xf32>
    %swap3A_276 = arith.constant 96 : index
    %swap3A_277 = tpu.vector_load %arg6[%swap3A_276] {strides = array<i32>} : memref<128xf32, #tpu.memory_space<vmem>>, vector<16xf32>,
    %swap3A_278 = vector.shape_cast %swap3A_277 : vector<16xf32> to vector<16xf32>
    %swap3A_279 = vector.shape_cast %broadcast_in_dim3A_275 : vector<16xf32> to vector<16xf32>
    tpu.vector_store %arg6[%swap3A_276], %swap3A_279 {strides = array<i32>} : memref<128xf32, #tpu.memory_space<vmem>>, vector<16xf32>,
    %broadcast_in_dim3A_280 = arith.constant 1.000000e+00 : f32
    %broadcast_in_dim3A_281 = vector.broadcast %broadcast_in_dim3A_280 : f32 to vector<16xf32>
    %swap3A_282 = arith.constant 112 : index
    %swap3A_283 = tpu.vector_load %arg6[%swap3A_282] {strides = array<i32>} : memref<128xf32, #tpu.memory_space<vmem>>, vector<16xf32>,
    %swap3A_284 = vector.shape_cast %swap3A_283 : vector<16xf32> to vector<16xf32>
    %swap3A_285 = vector.shape_cast %broadcast_in_dim3A_281 : vector<16xf32> to vector<16xf32>
    tpu.vector_store %arg6[%swap3A_282], %swap3A_285 {strides = array<i32>} : memref<128xf32, #tpu.memory_space<vmem>>, vector<16xf32>,
    %mul3A = arith.constant 16 : i32
    %mul3A_286 = arith.muli %arg0, %mul3A : i32
    %add3A = arith.addi %mul3A_286, %arg1 : i32
    %mul3A_287 = arith.constant 40 : i32
    %mul3A_288 = arith.muli %add3A, %mul3A_287 : i32
    "tpu.region"() ({
      %run_scoped3A = tpu.sem_alloc : memref<!tpu.dma_semaphore, #tpu.memory_space<semaphore_mem>>
      %dma_start3A = arith.constant 0 : i32
      %dma_start3A_305 = arith.constant 0 : i32
      %dma_start3A_306 = tpu.memref_slice %arg2[%mul3A_288, %dma_start3A, %dma_start3A_305] : memref<1280x1x128xi32, #tpu.memory_space<hbm>> -> memref<40x1x128xi32, #tpu.memory_space<hbm>>
      %dma_start3A_307 = arith.constant 0 : i32
      %dma_start3A_308 = arith.constant 0 : i32
      %dma_start3A_309 = tpu.memref_slice %arg2[%mul3A_288, %dma_start3A_307, %dma_start3A_308] : memref<1280x1x128xi32, #tpu.memory_space<hbm>> -> memref<40x1x128xi32, #tpu.memory_space<hbm>>
      tpu.enqueue_dma source(%dma_start3A_309 : memref<40x1x128xi32, #tpu.memory_space<hbm>>) target(%arg7 : memref<40x1x128xi32, #tpu.memory_space<vmem>>) target_semaphore(%run_scoped3A : memref<!tpu.dma_semaphore, #tpu.memory_space<semaphore_mem>>)
      %dma_wait3A = arith.constant 0 : i32
      %dma_wait3A_310 = arith.constant 0 : i32
      %dma_wait3A_311 = tpu.memref_slice %arg2[%mul3A_288, %dma_wait3A, %dma_wait3A_310] : memref<1280x1x128xi32, #tpu.memory_space<hbm>> -> memref<40x1x128xi32, #tpu.memory_space<hbm>>
      %dma_wait3A_312 = arith.constant 0 : i32
      %dma_wait3A_313 = arith.constant 0 : i32
      %dma_wait3A_314 = tpu.memref_slice %arg2[%mul3A_288, %dma_wait3A_312, %dma_wait3A_313] : memref<1280x1x128xi32, #tpu.memory_space<hbm>> -> memref<40x1x128xi32, #tpu.memory_space<hbm>>
      tpu.wait_dma2 semaphore(%run_scoped3A : memref<!tpu.dma_semaphore, #tpu.memory_space<semaphore_mem>>) src(%dma_wait3A_314 : memref<40x1x128xi32, #tpu.memory_space<hbm>>) dst(%arg7 : memref<40x1x128xi32, #tpu.memory_space<vmem>>)
      tpu.yield
    }) : () -> ()
    %mul3A_289 = arith.constant 640 : i32
    %mul3A_290 = arith.muli %mul3A_289, %arg1 : i32
    "tpu.region"() ({
      %run_scoped3A = tpu.sem_alloc : memref<!tpu.dma_semaphore, #tpu.memory_space<semaphore_mem>>
      %dma_start3A = tpu.memref_slice %arg4[%mul3A_290] : memref<10240xf32, #tpu.memory_space<vmem_shared>> -> memref<640xf32, #tpu.memory_space<vmem_shared>>
      %dma_start3A_305 = tpu.memref_slice %arg4[%mul3A_290] : memref<10240xf32, #tpu.memory_space<vmem_shared>> -> memref<640xf32, #tpu.memory_space<vmem_shared>>
      tpu.enqueue_dma source(%arg5 : memref<640xf32, #tpu.memory_space<vmem>>) target(%dma_start3A_305 : memref<640xf32, #tpu.memory_space<vmem_shared>>) target_semaphore(%run_scoped3A : memref<!tpu.dma_semaphore, #tpu.memory_space<semaphore_mem>>)
      %dma_wait3A = tpu.memref_slice %arg4[%mul3A_290] : memref<10240xf32, #tpu.memory_space<vmem_shared>> -> memref<640xf32, #tpu.memory_space<vmem_shared>>
      %dma_wait3A_306 = tpu.memref_slice %arg4[%mul3A_290] : memref<10240xf32, #tpu.memory_space<vmem_shared>> -> memref<640xf32, #tpu.memory_space<vmem_shared>>
      tpu.wait_dma2 semaphore(%run_scoped3A : memref<!tpu.dma_semaphore, #tpu.memory_space<semaphore_mem>>) src(%arg5 : memref<640xf32, #tpu.memory_space<vmem>>) dst(%dma_wait3A_306 : memref<640xf32, #tpu.memory_space<vmem_shared>>)
      tpu.yield
    }) : () -> ()
    %barrier3A = arith.constant 0 : index
    tpu.barrier barrier_id(%barrier3A)
    %scan3A = arith.constant 0 : i32
    %scan3A_291 = arith.constant 40 : i32
    %scan3A_292 = arith.addi %scan3A, %scan3A_291 : i32
    %scan3A_293 = arith.constant 1 : i32
    scf.for %scan3A_305 = %scan3A to %scan3A_292 step %scan3A_293  : i32 {
      %dma_start3A = arith.constant 0 : i32
      %dma_start3A_306 = arith.constant 0 : i32
      %dma_start3A_307 = tpu.memref_slice %arg7[%scan3A_305, %dma_start3A, %dma_start3A_306] : memref<40x1x128xi32, #tpu.memory_space<vmem>> -> memref<1x1x128xi32, #tpu.memory_space<vmem>>
      %dma_start3A_308 = tpu.memref_squeeze %dma_start3A_307 : memref<1x1x128xi32, #tpu.memory_space<vmem>> -> memref<128xi32, #tpu.memory_space<vmem>>
      %dma_start3A_309 = arith.constant 0 : i32
      %dma_start3A_310 = tpu.memref_slice %arg4[%dma_start3A_309] : memref<10240xf32, #tpu.memory_space<vmem_shared>> -> memref<10240xf32, #tpu.memory_space<vmem_shared>>
      tpu.enqueue_indirect_dma source(%arg6 : memref<128xf32, #tpu.memory_space<vmem>>) target(%dma_start3A_310 : memref<10240xf32, #tpu.memory_space<vmem_shared>>) offsets(%dma_start3A_308 : memref<128xi32, #tpu.memory_space<vmem>>) semaphore(%arg8 : memref<!tpu.dma_semaphore, #tpu.memory_space<semaphore_mem>>) {add = true}
    }
    %scan3A_294 = arith.constant 40 : i32
    %scan3A_295 = arith.constant 0 : i32
    %scan3A_296 = arith.constant 40 : i32
    %scan3A_297 = arith.addi %scan3A_295, %scan3A_296 : i32
    %scan3A_298 = arith.constant 1 : i32
    scf.for %scan3A_305 = %scan3A_295 to %scan3A_297 step %scan3A_298  : i32 {
      %dma_wait3A = arith.constant 0 : i32
      %dma_wait3A_306 = arith.constant 0 : i32
      %dma_wait3A_307 = arith.constant 0 : i32
      %dma_wait3A_308 = tpu.memref_slice %arg7[%dma_wait3A, %dma_wait3A_306, %dma_wait3A_307] : memref<40x1x128xi32, #tpu.memory_space<vmem>> -> memref<1x1x128xi32, #tpu.memory_space<vmem>>
      %dma_wait3A_309 = tpu.memref_squeeze %dma_wait3A_308 : memref<1x1x128xi32, #tpu.memory_space<vmem>> -> memref<128xi32, #tpu.memory_space<vmem>>
      %dma_wait3A_310 = arith.constant 0 : i32
      %dma_wait3A_311 = tpu.memref_slice %arg4[%dma_wait3A_310] : memref<10240xf32, #tpu.memory_space<vmem_shared>> -> memref<10240xf32, #tpu.memory_space<vmem_shared>>
      tpu.wait_indirect_dma semaphore(%arg8 : memref<!tpu.dma_semaphore, #tpu.memory_space<semaphore_mem>>) src(%arg6 : memref<128xf32, #tpu.memory_space<vmem>>) dst(%dma_wait3A_311 : memref<10240xf32, #tpu.memory_space<vmem_shared>>)
    }
    %scan3A_299 = arith.constant 40 : i32
    %barrier3A_300 = arith.constant 0 : index
    tpu.barrier barrier_id(%barrier3A_300)
    %mul3A_301 = arith.constant 640 : i32
    %mul3A_302 = arith.muli %mul3A_301, %arg1 : i32
    %mul3A_303 = arith.constant 640 : i32
    %mul3A_304 = arith.muli %mul3A_303, %arg1 : i32
    "tpu.region"() ({
      %run_scoped3A = tpu.sem_alloc : memref<!tpu.dma_semaphore, #tpu.memory_space<semaphore_mem>>
      %dma_start3A = tpu.memref_slice %arg3[%arg0, %mul3A_304] : memref<2x10240xf32, #tpu.memory_space<hbm>> -> memref<1x640xf32, #tpu.memory_space<hbm>>
      %dma_start3A_305 = tpu.memref_squeeze %dma_start3A : memref<1x640xf32, #tpu.memory_space<hbm>> -> memref<640xf32, #tpu.memory_space<hbm>>
      %dma_start3A_306 = tpu.memref_slice %arg4[%mul3A_302] : memref<10240xf32, #tpu.memory_space<vmem_shared>> -> memref<640xf32, #tpu.memory_space<vmem_shared>>
      tpu.enqueue_dma source(%dma_start3A_306 : memref<640xf32, #tpu.memory_space<vmem_shared>>) target(%dma_start3A_305 : memref<640xf32, #tpu.memory_space<hbm>>) target_semaphore(%run_scoped3A : memref<!tpu.dma_semaphore, #tpu.memory_space<semaphore_mem>>)
      %dma_wait3A = tpu.memref_slice %arg3[%arg0, %mul3A_304] : memref<2x10240xf32, #tpu.memory_space<hbm>> -> memref<1x640xf32, #tpu.memory_space<hbm>>
      %dma_wait3A_307 = tpu.memref_squeeze %dma_wait3A : memref<1x640xf32, #tpu.memory_space<hbm>> -> memref<640xf32, #tpu.memory_space<hbm>>
      %dma_wait3A_308 = tpu.memref_slice %arg4[%mul3A_302] : memref<10240xf32, #tpu.memory_space<vmem_shared>> -> memref<640xf32, #tpu.memory_space<vmem_shared>>
      tpu.wait_dma2 semaphore(%run_scoped3A : memref<!tpu.dma_semaphore, #tpu.memory_space<semaphore_mem>>) src(%dma_wait3A_308 : memref<640xf32, #tpu.memory_space<vmem_shared>>) dst(%dma_wait3A_307 : memref<640xf32, #tpu.memory_space<hbm>>)
      tpu.yield
    }) : () -> ()
    return
  }
}

#map = affine_map<(d0, d1) -> (0, 0)>
#map1 = affine_map<(d0, d1) -> (0)>
#map2 = affine_map<(d0, d1) -> (0, 0, 0)>
module attributes {stable_mosaic.version = 14 : i64} {
  func.func @agg_kernel(%arg0: i32, %arg1: i32, %arg2: memref<20000x128xf32, #tpu.memory_space<hbm>>, %arg3: memref<163840xi32, #tpu.memory_space<hbm>>, %arg4: memref<163840xi32, #tpu.memory_space<hbm>>, %arg5: memref<2x10000x128xf32, #tpu.memory_space<hbm>>, %arg6: memref<10240x128xf32, #tpu.memory_space<vmem_shared>>, %arg7: memref<128x128xf32, #tpu.memory_space<vmem>>, %arg8: memref<128x128xf32, #tpu.memory_space<vmem>>, %arg9: memref<128xi32, #tpu.memory_space<vmem>>, %arg10: memref<128xi32, #tpu.memory_space<vmem>>, %arg11: memref<128xi32, #tpu.memory_space<vmem>>, %arg12: memref<128xi32, #tpu.memory_space<vmem>>, %arg13: memref<!tpu.dma_semaphore, #tpu.memory_space<semaphore_mem>>, %arg14: memref<!tpu.dma_semaphore, #tpu.memory_space<semaphore_mem>>, %arg15: memref<!tpu.dma_semaphore, #tpu.memory_space<semaphore_mem>>, %arg16: memref<!tpu.dma_semaphore, #tpu.memory_space<semaphore_mem>>, %arg17: memref<!tpu.dma_semaphore, #tpu.memory_space<semaphore_mem>>, %arg18: memref<!tpu.dma_semaphore, #tpu.memory_space<semaphore_mem>>, %arg19: memref<!tpu.dma_semaphore, #tpu.memory_space<semaphore_mem>>, %arg20: memref<!tpu.dma_semaphore, #tpu.memory_space<semaphore_mem>>) attributes {dimension_semantics = [#tpu.dimension_semantics<core_parallel>, #tpu.dimension_semantics<subcore_parallel>], iteration_bounds = array<i64: 2, 16>, scalar_prefetch = 0 : i64, scratch_operands = 15 : i64, tpu.core_type = #tpu.core_type<sc_vector_subcore>, window_params = [{transform_indices = #map}, {transform_indices = #map1}, {transform_indices = #map1}, {transform_indices = #map2}]} {
    %mul3A = arith.constant 640 : i32
    %mul3A_0 = arith.muli %arg1, %mul3A : i32
    %mul3A_1 = arith.constant 10240 : i32
    %mul3A_2 = arith.muli %arg1, %mul3A_1 : i32
    %mul3A_3 = arith.constant 10000 : i32
    %mul3A_4 = arith.muli %arg0, %mul3A_3 : i32
    %lt3A = arith.constant 15 : i32
    %lt3A_5 = arith.cmpi slt, %arg1, %lt3A : i32
    %convert_element_type3A = arith.extui %lt3A_5 : i1 to i32
    %cond3A = arith.constant 0 : i32
    %cond3A_6 = arith.cmpi ne, %convert_element_type3A, %cond3A : i32
    scf.if %cond3A_6 {
      %scan3A_115 = arith.constant 0 : i32
      %scan3A_116 = arith.constant 5 : i32
      %scan3A_117 = arith.addi %scan3A_115, %scan3A_116 : i32
      %scan3A_118 = arith.constant 1 : i32
      scf.for %scan3A_120 = %scan3A_115 to %scan3A_117 step %scan3A_118  : i32 {
        %mul3A_121 = arith.constant 128 : i32
        %mul3A_122 = arith.muli %scan3A_120, %mul3A_121 : i32
        %add3A_123 = arith.addi %mul3A_0, %mul3A_122 : i32
        %mul3A_124 = arith.constant 10000 : i32
        %mul3A_125 = arith.muli %arg0, %mul3A_124 : i32
        %add3A_126 = arith.addi %mul3A_125, %add3A_123 : i32
        "tpu.region"() ({
          %run_scoped3A = tpu.sem_alloc : memref<!tpu.dma_semaphore, #tpu.memory_space<semaphore_mem>>
          %dma_start3A_127 = arith.constant 0 : i32
          %dma_start3A_128 = arith.constant 0 : i32
          %dma_start3A_129 = tpu.memref_slice %arg7[%dma_start3A_127, %dma_start3A_128] : memref<128x128xf32, #tpu.memory_space<vmem>> -> memref<128x128xf32, #tpu.memory_space<vmem>>
          %dma_start3A_130 = arith.constant 0 : i32
          %dma_start3A_131 = tpu.memref_slice %arg2[%add3A_126, %dma_start3A_130] : memref<20000x128xf32, #tpu.memory_space<hbm>> -> memref<128x128xf32, #tpu.memory_space<hbm>>
          %dma_start3A_132 = arith.constant 0 : i32
          %dma_start3A_133 = arith.constant 0 : i32
          %dma_start3A_134 = tpu.memref_slice %arg7[%dma_start3A_132, %dma_start3A_133] : memref<128x128xf32, #tpu.memory_space<vmem>> -> memref<128x128xf32, #tpu.memory_space<vmem>>
          %dma_start3A_135 = arith.constant 0 : i32
          %dma_start3A_136 = tpu.memref_slice %arg2[%add3A_126, %dma_start3A_135] : memref<20000x128xf32, #tpu.memory_space<hbm>> -> memref<128x128xf32, #tpu.memory_space<hbm>>
          tpu.enqueue_dma source(%dma_start3A_136 : memref<128x128xf32, #tpu.memory_space<hbm>>) target(%dma_start3A_134 : memref<128x128xf32, #tpu.memory_space<vmem>>) target_semaphore(%run_scoped3A : memref<!tpu.dma_semaphore, #tpu.memory_space<semaphore_mem>>)
          %dma_wait3A_137 = arith.constant 0 : i32
          %dma_wait3A_138 = arith.constant 0 : i32
          %dma_wait3A_139 = tpu.memref_slice %arg7[%dma_wait3A_137, %dma_wait3A_138] : memref<128x128xf32, #tpu.memory_space<vmem>> -> memref<128x128xf32, #tpu.memory_space<vmem>>
          %dma_wait3A_140 = arith.constant 0 : i32
          %dma_wait3A_141 = tpu.memref_slice %arg2[%add3A_126, %dma_wait3A_140] : memref<20000x128xf32, #tpu.memory_space<hbm>> -> memref<128x128xf32, #tpu.memory_space<hbm>>
          %dma_wait3A_142 = arith.constant 0 : i32
          %dma_wait3A_143 = arith.constant 0 : i32
          %dma_wait3A_144 = tpu.memref_slice %arg7[%dma_wait3A_142, %dma_wait3A_143] : memref<128x128xf32, #tpu.memory_space<vmem>> -> memref<128x128xf32, #tpu.memory_space<vmem>>
          %dma_wait3A_145 = arith.constant 0 : i32
          %dma_wait3A_146 = tpu.memref_slice %arg2[%add3A_126, %dma_wait3A_145] : memref<20000x128xf32, #tpu.memory_space<hbm>> -> memref<128x128xf32, #tpu.memory_space<hbm>>
          tpu.wait_dma2 semaphore(%run_scoped3A : memref<!tpu.dma_semaphore, #tpu.memory_space<semaphore_mem>>) src(%dma_wait3A_146 : memref<128x128xf32, #tpu.memory_space<hbm>>) dst(%dma_wait3A_144 : memref<128x128xf32, #tpu.memory_space<vmem>>)
          tpu.yield
        }) : () -> ()
        "tpu.region"() ({
          %run_scoped3A = tpu.sem_alloc : memref<!tpu.dma_semaphore, #tpu.memory_space<semaphore_mem>>
          %dma_start3A_127 = arith.constant 0 : i32
          %dma_start3A_128 = arith.constant 0 : i32
          %dma_start3A_129 = tpu.memref_slice %arg7[%dma_start3A_127, %dma_start3A_128] : memref<128x128xf32, #tpu.memory_space<vmem>> -> memref<128x128xf32, #tpu.memory_space<vmem>>
          %dma_start3A_130 = arith.constant 0 : i32
          %dma_start3A_131 = tpu.memref_slice %arg6[%add3A_123, %dma_start3A_130] : memref<10240x128xf32, #tpu.memory_space<vmem_shared>> -> memref<128x128xf32, #tpu.memory_space<vmem_shared>>
          %dma_start3A_132 = arith.constant 0 : i32
          %dma_start3A_133 = tpu.memref_slice %arg6[%add3A_123, %dma_start3A_132] : memref<10240x128xf32, #tpu.memory_space<vmem_shared>> -> memref<128x128xf32, #tpu.memory_space<vmem_shared>>
          %dma_start3A_134 = arith.constant 0 : i32
          %dma_start3A_135 = arith.constant 0 : i32
          %dma_start3A_136 = tpu.memref_slice %arg7[%dma_start3A_134, %dma_start3A_135] : memref<128x128xf32, #tpu.memory_space<vmem>> -> memref<128x128xf32, #tpu.memory_space<vmem>>
          tpu.enqueue_dma source(%dma_start3A_136 : memref<128x128xf32, #tpu.memory_space<vmem>>) target(%dma_start3A_133 : memref<128x128xf32, #tpu.memory_space<vmem_shared>>) target_semaphore(%run_scoped3A : memref<!tpu.dma_semaphore, #tpu.memory_space<semaphore_mem>>)
          %dma_wait3A_137 = arith.constant 0 : i32
          %dma_wait3A_138 = arith.constant 0 : i32
          %dma_wait3A_139 = tpu.memref_slice %arg7[%dma_wait3A_137, %dma_wait3A_138] : memref<128x128xf32, #tpu.memory_space<vmem>> -> memref<128x128xf32, #tpu.memory_space<vmem>>
          %dma_wait3A_140 = arith.constant 0 : i32
          %dma_wait3A_141 = tpu.memref_slice %arg6[%add3A_123, %dma_wait3A_140] : memref<10240x128xf32, #tpu.memory_space<vmem_shared>> -> memref<128x128xf32, #tpu.memory_space<vmem_shared>>
          %dma_wait3A_142 = arith.constant 0 : i32
          %dma_wait3A_143 = tpu.memref_slice %arg6[%add3A_123, %dma_wait3A_142] : memref<10240x128xf32, #tpu.memory_space<vmem_shared>> -> memref<128x128xf32, #tpu.memory_space<vmem_shared>>
          %dma_wait3A_144 = arith.constant 0 : i32
          %dma_wait3A_145 = arith.constant 0 : i32
          %dma_wait3A_146 = tpu.memref_slice %arg7[%dma_wait3A_144, %dma_wait3A_145] : memref<128x128xf32, #tpu.memory_space<vmem>> -> memref<128x128xf32, #tpu.memory_space<vmem>>
          tpu.wait_dma2 semaphore(%run_scoped3A : memref<!tpu.dma_semaphore, #tpu.memory_space<semaphore_mem>>) src(%dma_wait3A_146 : memref<128x128xf32, #tpu.memory_space<vmem>>) dst(%dma_wait3A_143 : memref<128x128xf32, #tpu.memory_space<vmem_shared>>)
          tpu.yield
        }) : () -> ()
      }
      %scan3A_119 = arith.constant 5 : i32
    } else {
    }
    %eq3A = arith.constant 15 : i32
    %eq3A_7 = arith.cmpi eq, %arg1, %eq3A : i32
    %convert_element_type3A_8 = arith.extui %eq3A_7 : i1 to i32
    %cond3A_9 = arith.constant 0 : i32
    %cond3A_10 = arith.cmpi ne, %convert_element_type3A_8, %cond3A_9 : i32
    scf.if %cond3A_10 {
      %add3A_115 = arith.constant 0 : i32
      %add3A_116 = arith.addi %mul3A_0, %add3A_115 : i32
      %mul3A_117 = arith.constant 10000 : i32
      %mul3A_118 = arith.muli %arg0, %mul3A_117 : i32
      %add3A_119 = arith.addi %mul3A_118, %add3A_116 : i32
      "tpu.region"() ({
        %run_scoped3A = tpu.sem_alloc : memref<!tpu.dma_semaphore, #tpu.memory_space<semaphore_mem>>
        %dma_start3A_136 = arith.constant 0 : i32
        %dma_start3A_137 = arith.constant 0 : i32
        %dma_start3A_138 = tpu.memref_slice %arg7[%dma_start3A_136, %dma_start3A_137] : memref<128x128xf32, #tpu.memory_space<vmem>> -> memref<128x128xf32, #tpu.memory_space<vmem>>
        %dma_start3A_139 = arith.constant 0 : i32
        %dma_start3A_140 = tpu.memref_slice %arg2[%add3A_119, %dma_start3A_139] : memref<20000x128xf32, #tpu.memory_space<hbm>> -> memref<128x128xf32, #tpu.memory_space<hbm>>
        %dma_start3A_141 = arith.constant 0 : i32
        %dma_start3A_142 = arith.constant 0 : i32
        %dma_start3A_143 = tpu.memref_slice %arg7[%dma_start3A_141, %dma_start3A_142] : memref<128x128xf32, #tpu.memory_space<vmem>> -> memref<128x128xf32, #tpu.memory_space<vmem>>
        %dma_start3A_144 = arith.constant 0 : i32
        %dma_start3A_145 = tpu.memref_slice %arg2[%add3A_119, %dma_start3A_144] : memref<20000x128xf32, #tpu.memory_space<hbm>> -> memref<128x128xf32, #tpu.memory_space<hbm>>
        tpu.enqueue_dma source(%dma_start3A_145 : memref<128x128xf32, #tpu.memory_space<hbm>>) target(%dma_start3A_143 : memref<128x128xf32, #tpu.memory_space<vmem>>) target_semaphore(%run_scoped3A : memref<!tpu.dma_semaphore, #tpu.memory_space<semaphore_mem>>)
        %dma_wait3A_146 = arith.constant 0 : i32
        %dma_wait3A_147 = arith.constant 0 : i32
        %dma_wait3A_148 = tpu.memref_slice %arg7[%dma_wait3A_146, %dma_wait3A_147] : memref<128x128xf32, #tpu.memory_space<vmem>> -> memref<128x128xf32, #tpu.memory_space<vmem>>
        %dma_wait3A_149 = arith.constant 0 : i32
        %dma_wait3A_150 = tpu.memref_slice %arg2[%add3A_119, %dma_wait3A_149] : memref<20000x128xf32, #tpu.memory_space<hbm>> -> memref<128x128xf32, #tpu.memory_space<hbm>>
        %dma_wait3A_151 = arith.constant 0 : i32
        %dma_wait3A_152 = arith.constant 0 : i32
        %dma_wait3A_153 = tpu.memref_slice %arg7[%dma_wait3A_151, %dma_wait3A_152] : memref<128x128xf32, #tpu.memory_space<vmem>> -> memref<128x128xf32, #tpu.memory_space<vmem>>
        %dma_wait3A_154 = arith.constant 0 : i32
        %dma_wait3A_155 = tpu.memref_slice %arg2[%add3A_119, %dma_wait3A_154] : memref<20000x128xf32, #tpu.memory_space<hbm>> -> memref<128x128xf32, #tpu.memory_space<hbm>>
        tpu.wait_dma2 semaphore(%run_scoped3A : memref<!tpu.dma_semaphore, #tpu.memory_space<semaphore_mem>>) src(%dma_wait3A_155 : memref<128x128xf32, #tpu.memory_space<hbm>>) dst(%dma_wait3A_153 : memref<128x128xf32, #tpu.memory_space<vmem>>)
        tpu.yield
      }) : () -> ()
      "tpu.region"() ({
        %run_scoped3A = tpu.sem_alloc : memref<!tpu.dma_semaphore, #tpu.memory_space<semaphore_mem>>
        %dma_start3A_136 = arith.constant 0 : i32
        %dma_start3A_137 = arith.constant 0 : i32
        %dma_start3A_138 = tpu.memref_slice %arg7[%dma_start3A_136, %dma_start3A_137] : memref<128x128xf32, #tpu.memory_space<vmem>> -> memref<128x128xf32, #tpu.memory_space<vmem>>
        %dma_start3A_139 = arith.constant 0 : i32
        %dma_start3A_140 = tpu.memref_slice %arg6[%add3A_116, %dma_start3A_139] : memref<10240x128xf32, #tpu.memory_space<vmem_shared>> -> memref<128x128xf32, #tpu.memory_space<vmem_shared>>
        %dma_start3A_141 = arith.constant 0 : i32
        %dma_start3A_142 = tpu.memref_slice %arg6[%add3A_116, %dma_start3A_141] : memref<10240x128xf32, #tpu.memory_space<vmem_shared>> -> memref<128x128xf32, #tpu.memory_space<vmem_shared>>
        %dma_start3A_143 = arith.constant 0 : i32
        %dma_start3A_144 = arith.constant 0 : i32
        %dma_start3A_145 = tpu.memref_slice %arg7[%dma_start3A_143, %dma_start3A_144] : memref<128x128xf32, #tpu.memory_space<vmem>> -> memref<128x128xf32, #tpu.memory_space<vmem>>
        tpu.enqueue_dma source(%dma_start3A_145 : memref<128x128xf32, #tpu.memory_space<vmem>>) target(%dma_start3A_142 : memref<128x128xf32, #tpu.memory_space<vmem_shared>>) target_semaphore(%run_scoped3A : memref<!tpu.dma_semaphore, #tpu.memory_space<semaphore_mem>>)
        %dma_wait3A_146 = arith.constant 0 : i32
        %dma_wait3A_147 = arith.constant 0 : i32
        %dma_wait3A_148 = tpu.memref_slice %arg7[%dma_wait3A_146, %dma_wait3A_147] : memref<128x128xf32, #tpu.memory_space<vmem>> -> memref<128x128xf32, #tpu.memory_space<vmem>>
        %dma_wait3A_149 = arith.constant 0 : i32
        %dma_wait3A_150 = tpu.memref_slice %arg6[%add3A_116, %dma_wait3A_149] : memref<10240x128xf32, #tpu.memory_space<vmem_shared>> -> memref<128x128xf32, #tpu.memory_space<vmem_shared>>
        %dma_wait3A_151 = arith.constant 0 : i32
        %dma_wait3A_152 = tpu.memref_slice %arg6[%add3A_116, %dma_wait3A_151] : memref<10240x128xf32, #tpu.memory_space<vmem_shared>> -> memref<128x128xf32, #tpu.memory_space<vmem_shared>>
        %dma_wait3A_153 = arith.constant 0 : i32
        %dma_wait3A_154 = arith.constant 0 : i32
        %dma_wait3A_155 = tpu.memref_slice %arg7[%dma_wait3A_153, %dma_wait3A_154] : memref<128x128xf32, #tpu.memory_space<vmem>> -> memref<128x128xf32, #tpu.memory_space<vmem>>
        tpu.wait_dma2 semaphore(%run_scoped3A : memref<!tpu.dma_semaphore, #tpu.memory_space<semaphore_mem>>) src(%dma_wait3A_155 : memref<128x128xf32, #tpu.memory_space<vmem>>) dst(%dma_wait3A_152 : memref<128x128xf32, #tpu.memory_space<vmem_shared>>)
        tpu.yield
      }) : () -> ()
      %add3A_120 = arith.constant 128 : i32
      %add3A_121 = arith.addi %mul3A_0, %add3A_120 : i32
      %mul3A_122 = arith.constant 10000 : i32
      %mul3A_123 = arith.muli %arg0, %mul3A_122 : i32
      %add3A_124 = arith.addi %mul3A_123, %add3A_121 : i32
      "tpu.region"() ({
        %run_scoped3A = tpu.sem_alloc : memref<!tpu.dma_semaphore, #tpu.memory_space<semaphore_mem>>
        %dma_start3A_136 = arith.constant 0 : i32
        %dma_start3A_137 = arith.constant 0 : i32
        %dma_start3A_138 = tpu.memref_slice %arg7[%dma_start3A_136, %dma_start3A_137] : memref<128x128xf32, #tpu.memory_space<vmem>> -> memref<128x128xf32, #tpu.memory_space<vmem>>
        %dma_start3A_139 = arith.constant 0 : i32
        %dma_start3A_140 = tpu.memref_slice %arg2[%add3A_124, %dma_start3A_139] : memref<20000x128xf32, #tpu.memory_space<hbm>> -> memref<128x128xf32, #tpu.memory_space<hbm>>
        %dma_start3A_141 = arith.constant 0 : i32
        %dma_start3A_142 = arith.constant 0 : i32
        %dma_start3A_143 = tpu.memref_slice %arg7[%dma_start3A_141, %dma_start3A_142] : memref<128x128xf32, #tpu.memory_space<vmem>> -> memref<128x128xf32, #tpu.memory_space<vmem>>
        %dma_start3A_144 = arith.constant 0 : i32
        %dma_start3A_145 = tpu.memref_slice %arg2[%add3A_124, %dma_start3A_144] : memref<20000x128xf32, #tpu.memory_space<hbm>> -> memref<128x128xf32, #tpu.memory_space<hbm>>
        tpu.enqueue_dma source(%dma_start3A_145 : memref<128x128xf32, #tpu.memory_space<hbm>>) target(%dma_start3A_143 : memref<128x128xf32, #tpu.memory_space<vmem>>) target_semaphore(%run_scoped3A : memref<!tpu.dma_semaphore, #tpu.memory_space<semaphore_mem>>)
        %dma_wait3A_146 = arith.constant 0 : i32
        %dma_wait3A_147 = arith.constant 0 : i32
        %dma_wait3A_148 = tpu.memref_slice %arg7[%dma_wait3A_146, %dma_wait3A_147] : memref<128x128xf32, #tpu.memory_space<vmem>> -> memref<128x128xf32, #tpu.memory_space<vmem>>
        %dma_wait3A_149 = arith.constant 0 : i32
        %dma_wait3A_150 = tpu.memref_slice %arg2[%add3A_124, %dma_wait3A_149] : memref<20000x128xf32, #tpu.memory_space<hbm>> -> memref<128x128xf32, #tpu.memory_space<hbm>>
        %dma_wait3A_151 = arith.constant 0 : i32
        %dma_wait3A_152 = arith.constant 0 : i32
        %dma_wait3A_153 = tpu.memref_slice %arg7[%dma_wait3A_151, %dma_wait3A_152] : memref<128x128xf32, #tpu.memory_space<vmem>> -> memref<128x128xf32, #tpu.memory_space<vmem>>
        %dma_wait3A_154 = arith.constant 0 : i32
        %dma_wait3A_155 = tpu.memref_slice %arg2[%add3A_124, %dma_wait3A_154] : memref<20000x128xf32, #tpu.memory_space<hbm>> -> memref<128x128xf32, #tpu.memory_space<hbm>>
        tpu.wait_dma2 semaphore(%run_scoped3A : memref<!tpu.dma_semaphore, #tpu.memory_space<semaphore_mem>>) src(%dma_wait3A_155 : memref<128x128xf32, #tpu.memory_space<hbm>>) dst(%dma_wait3A_153 : memref<128x128xf32, #tpu.memory_space<vmem>>)
        tpu.yield
      }) : () -> ()
      "tpu.region"() ({
        %run_scoped3A = tpu.sem_alloc : memref<!tpu.dma_semaphore, #tpu.memory_space<semaphore_mem>>
        %dma_start3A_136 = arith.constant 0 : i32
        %dma_start3A_137 = arith.constant 0 : i32
        %dma_start3A_138 = tpu.memref_slice %arg7[%dma_start3A_136, %dma_start3A_137] : memref<128x128xf32, #tpu.memory_space<vmem>> -> memref<128x128xf32, #tpu.memory_space<vmem>>
        %dma_start3A_139 = arith.constant 0 : i32
        %dma_start3A_140 = tpu.memref_slice %arg6[%add3A_121, %dma_start3A_139] : memref<10240x128xf32, #tpu.memory_space<vmem_shared>> -> memref<128x128xf32, #tpu.memory_space<vmem_shared>>
        %dma_start3A_141 = arith.constant 0 : i32
        %dma_start3A_142 = tpu.memref_slice %arg6[%add3A_121, %dma_start3A_141] : memref<10240x128xf32, #tpu.memory_space<vmem_shared>> -> memref<128x128xf32, #tpu.memory_space<vmem_shared>>
        %dma_start3A_143 = arith.constant 0 : i32
        %dma_start3A_144 = arith.constant 0 : i32
        %dma_start3A_145 = tpu.memref_slice %arg7[%dma_start3A_143, %dma_start3A_144] : memref<128x128xf32, #tpu.memory_space<vmem>> -> memref<128x128xf32, #tpu.memory_space<vmem>>
        tpu.enqueue_dma source(%dma_start3A_145 : memref<128x128xf32, #tpu.memory_space<vmem>>) target(%dma_start3A_142 : memref<128x128xf32, #tpu.memory_space<vmem_shared>>) target_semaphore(%run_scoped3A : memref<!tpu.dma_semaphore, #tpu.memory_space<semaphore_mem>>)
        %dma_wait3A_146 = arith.constant 0 : i32
        %dma_wait3A_147 = arith.constant 0 : i32
        %dma_wait3A_148 = tpu.memref_slice %arg7[%dma_wait3A_146, %dma_wait3A_147] : memref<128x128xf32, #tpu.memory_space<vmem>> -> memref<128x128xf32, #tpu.memory_space<vmem>>
        %dma_wait3A_149 = arith.constant 0 : i32
        %dma_wait3A_150 = tpu.memref_slice %arg6[%add3A_121, %dma_wait3A_149] : memref<10240x128xf32, #tpu.memory_space<vmem_shared>> -> memref<128x128xf32, #tpu.memory_space<vmem_shared>>
        %dma_wait3A_151 = arith.constant 0 : i32
        %dma_wait3A_152 = tpu.memref_slice %arg6[%add3A_121, %dma_wait3A_151] : memref<10240x128xf32, #tpu.memory_space<vmem_shared>> -> memref<128x128xf32, #tpu.memory_space<vmem_shared>>
        %dma_wait3A_153 = arith.constant 0 : i32
        %dma_wait3A_154 = arith.constant 0 : i32
        %dma_wait3A_155 = tpu.memref_slice %arg7[%dma_wait3A_153, %dma_wait3A_154] : memref<128x128xf32, #tpu.memory_space<vmem>> -> memref<128x128xf32, #tpu.memory_space<vmem>>
        tpu.wait_dma2 semaphore(%run_scoped3A : memref<!tpu.dma_semaphore, #tpu.memory_space<semaphore_mem>>) src(%dma_wait3A_155 : memref<128x128xf32, #tpu.memory_space<vmem>>) dst(%dma_wait3A_152 : memref<128x128xf32, #tpu.memory_space<vmem_shared>>)
        tpu.yield
      }) : () -> ()
      %add3A_125 = arith.constant 256 : i32
      %add3A_126 = arith.addi %mul3A_0, %add3A_125 : i32
      %mul3A_127 = arith.constant 10000 : i32
      %mul3A_128 = arith.muli %arg0, %mul3A_127 : i32
      %add3A_129 = arith.addi %mul3A_128, %add3A_126 : i32
      "tpu.region"() ({
        %run_scoped3A = tpu.sem_alloc : memref<!tpu.dma_semaphore, #tpu.memory_space<semaphore_mem>>
        %dma_start3A_136 = arith.constant 0 : i32
        %dma_start3A_137 = arith.constant 0 : i32
        %dma_start3A_138 = tpu.memref_slice %arg7[%dma_start3A_136, %dma_start3A_137] : memref<128x128xf32, #tpu.memory_space<vmem>> -> memref<128x128xf32, #tpu.memory_space<vmem>>
        %dma_start3A_139 = arith.constant 0 : i32
        %dma_start3A_140 = tpu.memref_slice %arg2[%add3A_129, %dma_start3A_139] : memref<20000x128xf32, #tpu.memory_space<hbm>> -> memref<128x128xf32, #tpu.memory_space<hbm>>
        %dma_start3A_141 = arith.constant 0 : i32
        %dma_start3A_142 = arith.constant 0 : i32
        %dma_start3A_143 = tpu.memref_slice %arg7[%dma_start3A_141, %dma_start3A_142] : memref<128x128xf32, #tpu.memory_space<vmem>> -> memref<128x128xf32, #tpu.memory_space<vmem>>
        %dma_start3A_144 = arith.constant 0 : i32
        %dma_start3A_145 = tpu.memref_slice %arg2[%add3A_129, %dma_start3A_144] : memref<20000x128xf32, #tpu.memory_space<hbm>> -> memref<128x128xf32, #tpu.memory_space<hbm>>
        tpu.enqueue_dma source(%dma_start3A_145 : memref<128x128xf32, #tpu.memory_space<hbm>>) target(%dma_start3A_143 : memref<128x128xf32, #tpu.memory_space<vmem>>) target_semaphore(%run_scoped3A : memref<!tpu.dma_semaphore, #tpu.memory_space<semaphore_mem>>)
        %dma_wait3A_146 = arith.constant 0 : i32
        %dma_wait3A_147 = arith.constant 0 : i32
        %dma_wait3A_148 = tpu.memref_slice %arg7[%dma_wait3A_146, %dma_wait3A_147] : memref<128x128xf32, #tpu.memory_space<vmem>> -> memref<128x128xf32, #tpu.memory_space<vmem>>
        %dma_wait3A_149 = arith.constant 0 : i32
        %dma_wait3A_150 = tpu.memref_slice %arg2[%add3A_129, %dma_wait3A_149] : memref<20000x128xf32, #tpu.memory_space<hbm>> -> memref<128x128xf32, #tpu.memory_space<hbm>>
        %dma_wait3A_151 = arith.constant 0 : i32
        %dma_wait3A_152 = arith.constant 0 : i32
        %dma_wait3A_153 = tpu.memref_slice %arg7[%dma_wait3A_151, %dma_wait3A_152] : memref<128x128xf32, #tpu.memory_space<vmem>> -> memref<128x128xf32, #tpu.memory_space<vmem>>
        %dma_wait3A_154 = arith.constant 0 : i32
        %dma_wait3A_155 = tpu.memref_slice %arg2[%add3A_129, %dma_wait3A_154] : memref<20000x128xf32, #tpu.memory_space<hbm>> -> memref<128x128xf32, #tpu.memory_space<hbm>>
        tpu.wait_dma2 semaphore(%run_scoped3A : memref<!tpu.dma_semaphore, #tpu.memory_space<semaphore_mem>>) src(%dma_wait3A_155 : memref<128x128xf32, #tpu.memory_space<hbm>>) dst(%dma_wait3A_153 : memref<128x128xf32, #tpu.memory_space<vmem>>)
        tpu.yield
      }) : () -> ()
      "tpu.region"() ({
        %run_scoped3A = tpu.sem_alloc : memref<!tpu.dma_semaphore, #tpu.memory_space<semaphore_mem>>
        %dma_start3A_136 = arith.constant 0 : i32
        %dma_start3A_137 = arith.constant 0 : i32
        %dma_start3A_138 = tpu.memref_slice %arg7[%dma_start3A_136, %dma_start3A_137] : memref<128x128xf32, #tpu.memory_space<vmem>> -> memref<128x128xf32, #tpu.memory_space<vmem>>
        %dma_start3A_139 = arith.constant 0 : i32
        %dma_start3A_140 = tpu.memref_slice %arg6[%add3A_126, %dma_start3A_139] : memref<10240x128xf32, #tpu.memory_space<vmem_shared>> -> memref<128x128xf32, #tpu.memory_space<vmem_shared>>
        %dma_start3A_141 = arith.constant 0 : i32
        %dma_start3A_142 = tpu.memref_slice %arg6[%add3A_126, %dma_start3A_141] : memref<10240x128xf32, #tpu.memory_space<vmem_shared>> -> memref<128x128xf32, #tpu.memory_space<vmem_shared>>
        %dma_start3A_143 = arith.constant 0 : i32
        %dma_start3A_144 = arith.constant 0 : i32
        %dma_start3A_145 = tpu.memref_slice %arg7[%dma_start3A_143, %dma_start3A_144] : memref<128x128xf32, #tpu.memory_space<vmem>> -> memref<128x128xf32, #tpu.memory_space<vmem>>
        tpu.enqueue_dma source(%dma_start3A_145 : memref<128x128xf32, #tpu.memory_space<vmem>>) target(%dma_start3A_142 : memref<128x128xf32, #tpu.memory_space<vmem_shared>>) target_semaphore(%run_scoped3A : memref<!tpu.dma_semaphore, #tpu.memory_space<semaphore_mem>>)
        %dma_wait3A_146 = arith.constant 0 : i32
        %dma_wait3A_147 = arith.constant 0 : i32
        %dma_wait3A_148 = tpu.memref_slice %arg7[%dma_wait3A_146, %dma_wait3A_147] : memref<128x128xf32, #tpu.memory_space<vmem>> -> memref<128x128xf32, #tpu.memory_space<vmem>>
        %dma_wait3A_149 = arith.constant 0 : i32
        %dma_wait3A_150 = tpu.memref_slice %arg6[%add3A_126, %dma_wait3A_149] : memref<10240x128xf32, #tpu.memory_space<vmem_shared>> -> memref<128x128xf32, #tpu.memory_space<vmem_shared>>
        %dma_wait3A_151 = arith.constant 0 : i32
        %dma_wait3A_152 = tpu.memref_slice %arg6[%add3A_126, %dma_wait3A_151] : memref<10240x128xf32, #tpu.memory_space<vmem_shared>> -> memref<128x128xf32, #tpu.memory_space<vmem_shared>>
        %dma_wait3A_153 = arith.constant 0 : i32
        %dma_wait3A_154 = arith.constant 0 : i32
        %dma_wait3A_155 = tpu.memref_slice %arg7[%dma_wait3A_153, %dma_wait3A_154] : memref<128x128xf32, #tpu.memory_space<vmem>> -> memref<128x128xf32, #tpu.memory_space<vmem>>
        tpu.wait_dma2 semaphore(%run_scoped3A : memref<!tpu.dma_semaphore, #tpu.memory_space<semaphore_mem>>) src(%dma_wait3A_155 : memref<128x128xf32, #tpu.memory_space<vmem>>) dst(%dma_wait3A_152 : memref<128x128xf32, #tpu.memory_space<vmem_shared>>)
        tpu.yield
      }) : () -> ()
      %add3A_130 = arith.constant 400 : i32
      %add3A_131 = arith.addi %mul3A_0, %add3A_130 : i32
      %sub3A = arith.constant 16 : i32
      %sub3A_132 = arith.subi %add3A_131, %sub3A : i32
      %mul3A_133 = arith.constant 10000 : i32
      %mul3A_134 = arith.muli %arg0, %mul3A_133 : i32
      %add3A_135 = arith.addi %mul3A_134, %sub3A_132 : i32
      "tpu.region"() ({
        %run_scoped3A = tpu.sem_alloc : memref<!tpu.dma_semaphore, #tpu.memory_space<semaphore_mem>>
        %dma_start3A_136 = arith.constant 0 : i32
        %dma_start3A_137 = arith.constant 0 : i32
        %dma_start3A_138 = tpu.memref_slice %arg7[%dma_start3A_136, %dma_start3A_137] : memref<128x128xf32, #tpu.memory_space<vmem>> -> memref<16x128xf32, #tpu.memory_space<vmem>>
        %dma_start3A_139 = arith.constant 0 : i32
        %dma_start3A_140 = tpu.memref_slice %arg2[%add3A_135, %dma_start3A_139] : memref<20000x128xf32, #tpu.memory_space<hbm>> -> memref<16x128xf32, #tpu.memory_space<hbm>>
        %dma_start3A_141 = arith.constant 0 : i32
        %dma_start3A_142 = arith.constant 0 : i32
        %dma_start3A_143 = tpu.memref_slice %arg7[%dma_start3A_141, %dma_start3A_142] : memref<128x128xf32, #tpu.memory_space<vmem>> -> memref<16x128xf32, #tpu.memory_space<vmem>>
        %dma_start3A_144 = arith.constant 0 : i32
        %dma_start3A_145 = tpu.memref_slice %arg2[%add3A_135, %dma_start3A_144] : memref<20000x128xf32, #tpu.memory_space<hbm>> -> memref<16x128xf32, #tpu.memory_space<hbm>>
        tpu.enqueue_dma source(%dma_start3A_145 : memref<16x128xf32, #tpu.memory_space<hbm>>) target(%dma_start3A_143 : memref<16x128xf32, #tpu.memory_space<vmem>>) target_semaphore(%run_scoped3A : memref<!tpu.dma_semaphore, #tpu.memory_space<semaphore_mem>>)
        %dma_wait3A_146 = arith.constant 0 : i32
        %dma_wait3A_147 = arith.constant 0 : i32
        %dma_wait3A_148 = tpu.memref_slice %arg7[%dma_wait3A_146, %dma_wait3A_147] : memref<128x128xf32, #tpu.memory_space<vmem>> -> memref<16x128xf32, #tpu.memory_space<vmem>>
        %dma_wait3A_149 = arith.constant 0 : i32
        %dma_wait3A_150 = tpu.memref_slice %arg2[%add3A_135, %dma_wait3A_149] : memref<20000x128xf32, #tpu.memory_space<hbm>> -> memref<16x128xf32, #tpu.memory_space<hbm>>
        %dma_wait3A_151 = arith.constant 0 : i32
        %dma_wait3A_152 = arith.constant 0 : i32
        %dma_wait3A_153 = tpu.memref_slice %arg7[%dma_wait3A_151, %dma_wait3A_152] : memref<128x128xf32, #tpu.memory_space<vmem>> -> memref<16x128xf32, #tpu.memory_space<vmem>>
        %dma_wait3A_154 = arith.constant 0 : i32
        %dma_wait3A_155 = tpu.memref_slice %arg2[%add3A_135, %dma_wait3A_154] : memref<20000x128xf32, #tpu.memory_space<hbm>> -> memref<16x128xf32, #tpu.memory_space<hbm>>
        tpu.wait_dma2 semaphore(%run_scoped3A : memref<!tpu.dma_semaphore, #tpu.memory_space<semaphore_mem>>) src(%dma_wait3A_155 : memref<16x128xf32, #tpu.memory_space<hbm>>) dst(%dma_wait3A_153 : memref<16x128xf32, #tpu.memory_space<vmem>>)
        tpu.yield
      }) : () -> ()
      "tpu.region"() ({
        %run_scoped3A = tpu.sem_alloc : memref<!tpu.dma_semaphore, #tpu.memory_space<semaphore_mem>>
        %dma_start3A_136 = arith.constant 0 : i32
        %dma_start3A_137 = arith.constant 0 : i32
        %dma_start3A_138 = tpu.memref_slice %arg7[%dma_start3A_136, %dma_start3A_137] : memref<128x128xf32, #tpu.memory_space<vmem>> -> memref<16x128xf32, #tpu.memory_space<vmem>>
        %dma_start3A_139 = arith.constant 0 : i32
        %dma_start3A_140 = tpu.memref_slice %arg6[%sub3A_132, %dma_start3A_139] : memref<10240x128xf32, #tpu.memory_space<vmem_shared>> -> memref<16x128xf32, #tpu.memory_space<vmem_shared>>
        %dma_start3A_141 = arith.constant 0 : i32
        %dma_start3A_142 = tpu.memref_slice %arg6[%sub3A_132, %dma_start3A_141] : memref<10240x128xf32, #tpu.memory_space<vmem_shared>> -> memref<16x128xf32, #tpu.memory_space<vmem_shared>>
        %dma_start3A_143 = arith.constant 0 : i32
        %dma_start3A_144 = arith.constant 0 : i32
        %dma_start3A_145 = tpu.memref_slice %arg7[%dma_start3A_143, %dma_start3A_144] : memref<128x128xf32, #tpu.memory_space<vmem>> -> memref<16x128xf32, #tpu.memory_space<vmem>>
        tpu.enqueue_dma source(%dma_start3A_145 : memref<16x128xf32, #tpu.memory_space<vmem>>) target(%dma_start3A_142 : memref<16x128xf32, #tpu.memory_space<vmem_shared>>) target_semaphore(%run_scoped3A : memref<!tpu.dma_semaphore, #tpu.memory_space<semaphore_mem>>)
        %dma_wait3A_146 = arith.constant 0 : i32
        %dma_wait3A_147 = arith.constant 0 : i32
        %dma_wait3A_148 = tpu.memref_slice %arg7[%dma_wait3A_146, %dma_wait3A_147] : memref<128x128xf32, #tpu.memory_space<vmem>> -> memref<16x128xf32, #tpu.memory_space<vmem>>
        %dma_wait3A_149 = arith.constant 0 : i32
        %dma_wait3A_150 = tpu.memref_slice %arg6[%sub3A_132, %dma_wait3A_149] : memref<10240x128xf32, #tpu.memory_space<vmem_shared>> -> memref<16x128xf32, #tpu.memory_space<vmem_shared>>
        %dma_wait3A_151 = arith.constant 0 : i32
        %dma_wait3A_152 = tpu.memref_slice %arg6[%sub3A_132, %dma_wait3A_151] : memref<10240x128xf32, #tpu.memory_space<vmem_shared>> -> memref<16x128xf32, #tpu.memory_space<vmem_shared>>
        %dma_wait3A_153 = arith.constant 0 : i32
        %dma_wait3A_154 = arith.constant 0 : i32
        %dma_wait3A_155 = tpu.memref_slice %arg7[%dma_wait3A_153, %dma_wait3A_154] : memref<128x128xf32, #tpu.memory_space<vmem>> -> memref<16x128xf32, #tpu.memory_space<vmem>>
        tpu.wait_dma2 semaphore(%run_scoped3A : memref<!tpu.dma_semaphore, #tpu.memory_space<semaphore_mem>>) src(%dma_wait3A_155 : memref<16x128xf32, #tpu.memory_space<vmem>>) dst(%dma_wait3A_152 : memref<16x128xf32, #tpu.memory_space<vmem_shared>>)
        tpu.yield
      }) : () -> ()
    } else {
    }
    %barrier3A = arith.constant 0 : index
    tpu.barrier barrier_id(%barrier3A)
    %add3A = arith.constant 0 : i32
    %add3A_11 = arith.addi %mul3A_2, %add3A : i32
    %dma_start3A = tpu.memref_slice %arg3[%add3A_11] : memref<163840xi32, #tpu.memory_space<hbm>> -> memref<128xi32, #tpu.memory_space<hbm>>
    %dma_start3A_12 = tpu.memref_slice %arg3[%add3A_11] : memref<163840xi32, #tpu.memory_space<hbm>> -> memref<128xi32, #tpu.memory_space<hbm>>
    tpu.enqueue_dma source(%dma_start3A_12 : memref<128xi32, #tpu.memory_space<hbm>>) target(%arg9 : memref<128xi32, #tpu.memory_space<vmem>>) target_semaphore(%arg17 : memref<!tpu.dma_semaphore, #tpu.memory_space<semaphore_mem>>)
    %dma_wait3A = arith.constant 0 : i32
    %dma_wait3A_13 = tpu.memref_slice %arg3[%dma_wait3A] : memref<163840xi32, #tpu.memory_space<hbm>> -> memref<128xi32, #tpu.memory_space<hbm>>
    %dma_wait3A_14 = arith.constant 0 : i32
    %dma_wait3A_15 = tpu.memref_slice %arg3[%dma_wait3A_14] : memref<163840xi32, #tpu.memory_space<hbm>> -> memref<128xi32, #tpu.memory_space<hbm>>
    tpu.wait_dma2 semaphore(%arg17 : memref<!tpu.dma_semaphore, #tpu.memory_space<semaphore_mem>>) src(%dma_wait3A_15 : memref<128xi32, #tpu.memory_space<hbm>>) dst(%arg9 : memref<128xi32, #tpu.memory_space<vmem>>)
    %get3A = arith.constant 0 : index
    %get3A_16 = tpu.vector_load %arg9[%get3A] {strides = array<i32>} : memref<128xi32, #tpu.memory_space<vmem>>, vector<16xi32>,
    %get3A_17 = vector.shape_cast %get3A_16 : vector<16xi32> to vector<16xi32>
    %add3A_18 = vector.broadcast %mul3A_4 : i32 to vector<16xi32>
    %add3A_19 = arith.addi %get3A_17, %add3A_18 : vector<16xi32>
    %swap3A = arith.constant 0 : index
    %swap3A_20 = tpu.vector_load %arg9[%swap3A] {strides = array<i32>} : memref<128xi32, #tpu.memory_space<vmem>>, vector<16xi32>,
    %swap3A_21 = vector.shape_cast %swap3A_20 : vector<16xi32> to vector<16xi32>
    %swap3A_22 = vector.shape_cast %add3A_19 : vector<16xi32> to vector<16xi32>
    tpu.vector_store %arg9[%swap3A], %swap3A_22 {strides = array<i32>} : memref<128xi32, #tpu.memory_space<vmem>>, vector<16xi32>,
    %get3A_23 = arith.constant 16 : index
    %get3A_24 = tpu.vector_load %arg9[%get3A_23] {strides = array<i32>} : memref<128xi32, #tpu.memory_space<vmem>>, vector<16xi32>,
    %get3A_25 = vector.shape_cast %get3A_24 : vector<16xi32> to vector<16xi32>
    %add3A_26 = vector.broadcast %mul3A_4 : i32 to vector<16xi32>
    %add3A_27 = arith.addi %get3A_25, %add3A_26 : vector<16xi32>
    %swap3A_28 = arith.constant 16 : index
    %swap3A_29 = tpu.vector_load %arg9[%swap3A_28] {strides = array<i32>} : memref<128xi32, #tpu.memory_space<vmem>>, vector<16xi32>,
    %swap3A_30 = vector.shape_cast %swap3A_29 : vector<16xi32> to vector<16xi32>
    %swap3A_31 = vector.shape_cast %add3A_27 : vector<16xi32> to vector<16xi32>
    tpu.vector_store %arg9[%swap3A_28], %swap3A_31 {strides = array<i32>} : memref<128xi32, #tpu.memory_space<vmem>>, vector<16xi32>,
    %get3A_32 = arith.constant 32 : index
    %get3A_33 = tpu.vector_load %arg9[%get3A_32] {strides = array<i32>} : memref<128xi32, #tpu.memory_space<vmem>>, vector<16xi32>,
    %get3A_34 = vector.shape_cast %get3A_33 : vector<16xi32> to vector<16xi32>
    %add3A_35 = vector.broadcast %mul3A_4 : i32 to vector<16xi32>
    %add3A_36 = arith.addi %get3A_34, %add3A_35 : vector<16xi32>
    %swap3A_37 = arith.constant 32 : index
    %swap3A_38 = tpu.vector_load %arg9[%swap3A_37] {strides = array<i32>} : memref<128xi32, #tpu.memory_space<vmem>>, vector<16xi32>,
    %swap3A_39 = vector.shape_cast %swap3A_38 : vector<16xi32> to vector<16xi32>
    %swap3A_40 = vector.shape_cast %add3A_36 : vector<16xi32> to vector<16xi32>
    tpu.vector_store %arg9[%swap3A_37], %swap3A_40 {strides = array<i32>} : memref<128xi32, #tpu.memory_space<vmem>>, vector<16xi32>,
    %get3A_41 = arith.constant 48 : index
    %get3A_42 = tpu.vector_load %arg9[%get3A_41] {strides = array<i32>} : memref<128xi32, #tpu.memory_space<vmem>>, vector<16xi32>,
    %get3A_43 = vector.shape_cast %get3A_42 : vector<16xi32> to vector<16xi32>
    %add3A_44 = vector.broadcast %mul3A_4 : i32 to vector<16xi32>
    %add3A_45 = arith.addi %get3A_43, %add3A_44 : vector<16xi32>
    %swap3A_46 = arith.constant 48 : index
    %swap3A_47 = tpu.vector_load %arg9[%swap3A_46] {strides = array<i32>} : memref<128xi32, #tpu.memory_space<vmem>>, vector<16xi32>,
    %swap3A_48 = vector.shape_cast %swap3A_47 : vector<16xi32> to vector<16xi32>
    %swap3A_49 = vector.shape_cast %add3A_45 : vector<16xi32> to vector<16xi32>
    tpu.vector_store %arg9[%swap3A_46], %swap3A_49 {strides = array<i32>} : memref<128xi32, #tpu.memory_space<vmem>>, vector<16xi32>,
    %get3A_50 = arith.constant 64 : index
    %get3A_51 = tpu.vector_load %arg9[%get3A_50] {strides = array<i32>} : memref<128xi32, #tpu.memory_space<vmem>>, vector<16xi32>,
    %get3A_52 = vector.shape_cast %get3A_51 : vector<16xi32> to vector<16xi32>
    %add3A_53 = vector.broadcast %mul3A_4 : i32 to vector<16xi32>
    %add3A_54 = arith.addi %get3A_52, %add3A_53 : vector<16xi32>
    %swap3A_55 = arith.constant 64 : index
    %swap3A_56 = tpu.vector_load %arg9[%swap3A_55] {strides = array<i32>} : memref<128xi32, #tpu.memory_space<vmem>>, vector<16xi32>,
    %swap3A_57 = vector.shape_cast %swap3A_56 : vector<16xi32> to vector<16xi32>
    %swap3A_58 = vector.shape_cast %add3A_54 : vector<16xi32> to vector<16xi32>
    tpu.vector_store %arg9[%swap3A_55], %swap3A_58 {strides = array<i32>} : memref<128xi32, #tpu.memory_space<vmem>>, vector<16xi32>,
    %get3A_59 = arith.constant 80 : index
    %get3A_60 = tpu.vector_load %arg9[%get3A_59] {strides = array<i32>} : memref<128xi32, #tpu.memory_space<vmem>>, vector<16xi32>,
    %get3A_61 = vector.shape_cast %get3A_60 : vector<16xi32> to vector<16xi32>
    %add3A_62 = vector.broadcast %mul3A_4 : i32 to vector<16xi32>
    %add3A_63 = arith.addi %get3A_61, %add3A_62 : vector<16xi32>
    %swap3A_64 = arith.constant 80 : index
    %swap3A_65 = tpu.vector_load %arg9[%swap3A_64] {strides = array<i32>} : memref<128xi32, #tpu.memory_space<vmem>>, vector<16xi32>,
    %swap3A_66 = vector.shape_cast %swap3A_65 : vector<16xi32> to vector<16xi32>
    %swap3A_67 = vector.shape_cast %add3A_63 : vector<16xi32> to vector<16xi32>
    tpu.vector_store %arg9[%swap3A_64], %swap3A_67 {strides = array<i32>} : memref<128xi32, #tpu.memory_space<vmem>>, vector<16xi32>,
    %get3A_68 = arith.constant 96 : index
    %get3A_69 = tpu.vector_load %arg9[%get3A_68] {strides = array<i32>} : memref<128xi32, #tpu.memory_space<vmem>>, vector<16xi32>,
    %get3A_70 = vector.shape_cast %get3A_69 : vector<16xi32> to vector<16xi32>
    %add3A_71 = vector.broadcast %mul3A_4 : i32 to vector<16xi32>
    %add3A_72 = arith.addi %get3A_70, %add3A_71 : vector<16xi32>
    %swap3A_73 = arith.constant 96 : index
    %swap3A_74 = tpu.vector_load %arg9[%swap3A_73] {strides = array<i32>} : memref<128xi32, #tpu.memory_space<vmem>>, vector<16xi32>,
    %swap3A_75 = vector.shape_cast %swap3A_74 : vector<16xi32> to vector<16xi32>
    %swap3A_76 = vector.shape_cast %add3A_72 : vector<16xi32> to vector<16xi32>
    tpu.vector_store %arg9[%swap3A_73], %swap3A_76 {strides = array<i32>} : memref<128xi32, #tpu.memory_space<vmem>>, vector<16xi32>,
    %get3A_77 = arith.constant 112 : index
    %get3A_78 = tpu.vector_load %arg9[%get3A_77] {strides = array<i32>} : memref<128xi32, #tpu.memory_space<vmem>>, vector<16xi32>,
    %get3A_79 = vector.shape_cast %get3A_78 : vector<16xi32> to vector<16xi32>
    %add3A_80 = vector.broadcast %mul3A_4 : i32 to vector<16xi32>
    %add3A_81 = arith.addi %get3A_79, %add3A_80 : vector<16xi32>
    %swap3A_82 = arith.constant 112 : index
    %swap3A_83 = tpu.vector_load %arg9[%swap3A_82] {strides = array<i32>} : memref<128xi32, #tpu.memory_space<vmem>>, vector<16xi32>,
    %swap3A_84 = vector.shape_cast %swap3A_83 : vector<16xi32> to vector<16xi32>
    %swap3A_85 = vector.shape_cast %add3A_81 : vector<16xi32> to vector<16xi32>
    tpu.vector_store %arg9[%swap3A_82], %swap3A_85 {strides = array<i32>} : memref<128xi32, #tpu.memory_space<vmem>>, vector<16xi32>,
    %add3A_86 = arith.constant 0 : i32
    %add3A_87 = arith.addi %mul3A_2, %add3A_86 : i32
    %dma_start3A_88 = tpu.memref_slice %arg4[%add3A_87] : memref<163840xi32, #tpu.memory_space<hbm>> -> memref<128xi32, #tpu.memory_space<hbm>>
    %dma_start3A_89 = tpu.memref_slice %arg4[%add3A_87] : memref<163840xi32, #tpu.memory_space<hbm>> -> memref<128xi32, #tpu.memory_space<hbm>>
    tpu.enqueue_dma source(%dma_start3A_89 : memref<128xi32, #tpu.memory_space<hbm>>) target(%arg11 : memref<128xi32, #tpu.memory_space<vmem>>) target_semaphore(%arg19 : memref<!tpu.dma_semaphore, #tpu.memory_space<semaphore_mem>>)
    %dma_start3A_90 = arith.constant 0 : i32
    %dma_start3A_91 = arith.constant 0 : i32
    %dma_start3A_92 = tpu.memref_slice %arg2[%dma_start3A_90, %dma_start3A_91] : memref<20000x128xf32, #tpu.memory_space<hbm>> -> memref<20000x128xf32, #tpu.memory_space<hbm>>
    tpu.enqueue_indirect_dma source(%dma_start3A_92 : memref<20000x128xf32, #tpu.memory_space<hbm>>) target(%arg7 : memref<128x128xf32, #tpu.memory_space<vmem>>) offsets(%arg9 : memref<128xi32, #tpu.memory_space<vmem>>) semaphore(%arg13 : memref<!tpu.dma_semaphore, #tpu.memory_space<semaphore_mem>>)
    %add3A_93 = arith.constant 128 : i32
    %add3A_94 = arith.addi %mul3A_2, %add3A_93 : i32
    %dma_start3A_95 = tpu.memref_slice %arg3[%add3A_94] : memref<163840xi32, #tpu.memory_space<hbm>> -> memref<128xi32, #tpu.memory_space<hbm>>
    %dma_start3A_96 = tpu.memref_slice %arg3[%add3A_94] : memref<163840xi32, #tpu.memory_space<hbm>> -> memref<128xi32, #tpu.memory_space<hbm>>
    tpu.enqueue_dma source(%dma_start3A_96 : memref<128xi32, #tpu.memory_space<hbm>>) target(%arg10 : memref<128xi32, #tpu.memory_space<vmem>>) target_semaphore(%arg18 : memref<!tpu.dma_semaphore, #tpu.memory_space<semaphore_mem>>)
    %scan3A = arith.constant 0 : i32
    %scan3A_97 = arith.constant 40 : i32
    %scan3A_98 = arith.addi %scan3A, %scan3A_97 : i32
    %scan3A_99 = arith.constant 1 : i32
    scf.for %scan3A_115 = %scan3A to %scan3A_98 step %scan3A_99  : i32 {
      %dma_wait3A_116 = arith.constant 0 : i32
      %dma_wait3A_117 = arith.constant 0 : i32
      %dma_wait3A_118 = tpu.memref_slice %arg2[%dma_wait3A_116, %dma_wait3A_117] : memref<20000x128xf32, #tpu.memory_space<hbm>> -> memref<20000x128xf32, #tpu.memory_space<hbm>>
      tpu.wait_indirect_dma semaphore(%arg13 : memref<!tpu.dma_semaphore, #tpu.memory_space<semaphore_mem>>) src(%dma_wait3A_118 : memref<20000x128xf32, #tpu.memory_space<hbm>>) dst(%arg7 : memref<128x128xf32, #tpu.memory_space<vmem>>)
      %lt3A_119 = arith.constant 39 : i32
      %lt3A_120 = arith.cmpi slt, %scan3A_115, %lt3A_119 : i32
      %convert_element_type3A_121 = arith.extui %lt3A_120 : i1 to i32
      %cond3A_122 = arith.constant 0 : i32
      %cond3A_123 = arith.cmpi ne, %convert_element_type3A_121, %cond3A_122 : i32
      scf.if %cond3A_123 {
        %mul3A_246 = arith.constant 2 : i32
        %mul3A_247 = arith.muli %mul3A_246, %scan3A_115 : i32
        %add3A_248 = arith.constant 2 : i32
        %add3A_249 = arith.addi %mul3A_247, %add3A_248 : i32
        %mul3A_250 = arith.constant 128 : i32
        %mul3A_251 = arith.muli %add3A_249, %mul3A_250 : i32
        %add3A_252 = arith.addi %mul3A_2, %mul3A_251 : i32
        %dma_start3A_253 = tpu.memref_slice %arg3[%add3A_252] : memref<163840xi32, #tpu.memory_space<hbm>> -> memref<128xi32, #tpu.memory_space<hbm>>
        %dma_start3A_254 = tpu.memref_slice %arg3[%add3A_252] : memref<163840xi32, #tpu.memory_space<hbm>> -> memref<128xi32, #tpu.memory_space<hbm>>
        tpu.enqueue_dma source(%dma_start3A_254 : memref<128xi32, #tpu.memory_space<hbm>>) target(%arg9 : memref<128xi32, #tpu.memory_space<vmem>>) target_semaphore(%arg17 : memref<!tpu.dma_semaphore, #tpu.memory_space<semaphore_mem>>)
      } else {
      }
      %dma_wait3A_124 = arith.constant 0 : i32
      %dma_wait3A_125 = tpu.memref_slice %arg3[%dma_wait3A_124] : memref<163840xi32, #tpu.memory_space<hbm>> -> memref<128xi32, #tpu.memory_space<hbm>>
      %dma_wait3A_126 = arith.constant 0 : i32
      %dma_wait3A_127 = tpu.memref_slice %arg3[%dma_wait3A_126] : memref<163840xi32, #tpu.memory_space<hbm>> -> memref<128xi32, #tpu.memory_space<hbm>>
      tpu.wait_dma2 semaphore(%arg18 : memref<!tpu.dma_semaphore, #tpu.memory_space<semaphore_mem>>) src(%dma_wait3A_127 : memref<128xi32, #tpu.memory_space<hbm>>) dst(%arg10 : memref<128xi32, #tpu.memory_space<vmem>>)
      %get3A_128 = arith.constant 0 : index
      %get3A_129 = tpu.vector_load %arg10[%get3A_128] {strides = array<i32>} : memref<128xi32, #tpu.memory_space<vmem>>, vector<16xi32>,
      %get3A_130 = vector.shape_cast %get3A_129 : vector<16xi32> to vector<16xi32>
      %add3A_131 = vector.broadcast %mul3A_4 : i32 to vector<16xi32>
      %add3A_132 = arith.addi %get3A_130, %add3A_131 : vector<16xi32>
      %swap3A_133 = arith.constant 0 : index
      %swap3A_134 = tpu.vector_load %arg10[%swap3A_133] {strides = array<i32>} : memref<128xi32, #tpu.memory_space<vmem>>, vector<16xi32>,
      %swap3A_135 = vector.shape_cast %swap3A_134 : vector<16xi32> to vector<16xi32>
      %swap3A_136 = vector.shape_cast %add3A_132 : vector<16xi32> to vector<16xi32>
      tpu.vector_store %arg10[%swap3A_133], %swap3A_136 {strides = array<i32>} : memref<128xi32, #tpu.memory_space<vmem>>, vector<16xi32>,
      %get3A_137 = arith.constant 16 : index
      %get3A_138 = tpu.vector_load %arg10[%get3A_137] {strides = array<i32>} : memref<128xi32, #tpu.memory_space<vmem>>, vector<16xi32>,
      %get3A_139 = vector.shape_cast %get3A_138 : vector<16xi32> to vector<16xi32>
      %add3A_140 = vector.broadcast %mul3A_4 : i32 to vector<16xi32>
      %add3A_141 = arith.addi %get3A_139, %add3A_140 : vector<16xi32>
      %swap3A_142 = arith.constant 16 : index
      %swap3A_143 = tpu.vector_load %arg10[%swap3A_142] {strides = array<i32>} : memref<128xi32, #tpu.memory_space<vmem>>, vector<16xi32>,
      %swap3A_144 = vector.shape_cast %swap3A_143 : vector<16xi32> to vector<16xi32>
      %swap3A_145 = vector.shape_cast %add3A_141 : vector<16xi32> to vector<16xi32>
      tpu.vector_store %arg10[%swap3A_142], %swap3A_145 {strides = array<i32>} : memref<128xi32, #tpu.memory_space<vmem>>, vector<16xi32>,
      %get3A_146 = arith.constant 32 : index
      %get3A_147 = tpu.vector_load %arg10[%get3A_146] {strides = array<i32>} : memref<128xi32, #tpu.memory_space<vmem>>, vector<16xi32>,
      %get3A_148 = vector.shape_cast %get3A_147 : vector<16xi32> to vector<16xi32>
      %add3A_149 = vector.broadcast %mul3A_4 : i32 to vector<16xi32>
      %add3A_150 = arith.addi %get3A_148, %add3A_149 : vector<16xi32>
      %swap3A_151 = arith.constant 32 : index
      %swap3A_152 = tpu.vector_load %arg10[%swap3A_151] {strides = array<i32>} : memref<128xi32, #tpu.memory_space<vmem>>, vector<16xi32>,
      %swap3A_153 = vector.shape_cast %swap3A_152 : vector<16xi32> to vector<16xi32>
      %swap3A_154 = vector.shape_cast %add3A_150 : vector<16xi32> to vector<16xi32>
      tpu.vector_store %arg10[%swap3A_151], %swap3A_154 {strides = array<i32>} : memref<128xi32, #tpu.memory_space<vmem>>, vector<16xi32>,
      %get3A_155 = arith.constant 48 : index
      %get3A_156 = tpu.vector_load %arg10[%get3A_155] {strides = array<i32>} : memref<128xi32, #tpu.memory_space<vmem>>, vector<16xi32>,
      %get3A_157 = vector.shape_cast %get3A_156 : vector<16xi32> to vector<16xi32>
      %add3A_158 = vector.broadcast %mul3A_4 : i32 to vector<16xi32>
      %add3A_159 = arith.addi %get3A_157, %add3A_158 : vector<16xi32>
      %swap3A_160 = arith.constant 48 : index
      %swap3A_161 = tpu.vector_load %arg10[%swap3A_160] {strides = array<i32>} : memref<128xi32, #tpu.memory_space<vmem>>, vector<16xi32>,
      %swap3A_162 = vector.shape_cast %swap3A_161 : vector<16xi32> to vector<16xi32>
      %swap3A_163 = vector.shape_cast %add3A_159 : vector<16xi32> to vector<16xi32>
      tpu.vector_store %arg10[%swap3A_160], %swap3A_163 {strides = array<i32>} : memref<128xi32, #tpu.memory_space<vmem>>, vector<16xi32>,
      %get3A_164 = arith.constant 64 : index
      %get3A_165 = tpu.vector_load %arg10[%get3A_164] {strides = array<i32>} : memref<128xi32, #tpu.memory_space<vmem>>, vector<16xi32>,
      %get3A_166 = vector.shape_cast %get3A_165 : vector<16xi32> to vector<16xi32>
      %add3A_167 = vector.broadcast %mul3A_4 : i32 to vector<16xi32>
      %add3A_168 = arith.addi %get3A_166, %add3A_167 : vector<16xi32>
      %swap3A_169 = arith.constant 64 : index
      %swap3A_170 = tpu.vector_load %arg10[%swap3A_169] {strides = array<i32>} : memref<128xi32, #tpu.memory_space<vmem>>, vector<16xi32>,
      %swap3A_171 = vector.shape_cast %swap3A_170 : vector<16xi32> to vector<16xi32>
      %swap3A_172 = vector.shape_cast %add3A_168 : vector<16xi32> to vector<16xi32>
      tpu.vector_store %arg10[%swap3A_169], %swap3A_172 {strides = array<i32>} : memref<128xi32, #tpu.memory_space<vmem>>, vector<16xi32>,
      %get3A_173 = arith.constant 80 : index
      %get3A_174 = tpu.vector_load %arg10[%get3A_173] {strides = array<i32>} : memref<128xi32, #tpu.memory_space<vmem>>, vector<16xi32>,
      %get3A_175 = vector.shape_cast %get3A_174 : vector<16xi32> to vector<16xi32>
      %add3A_176 = vector.broadcast %mul3A_4 : i32 to vector<16xi32>
      %add3A_177 = arith.addi %get3A_175, %add3A_176 : vector<16xi32>
      %swap3A_178 = arith.constant 80 : index
      %swap3A_179 = tpu.vector_load %arg10[%swap3A_178] {strides = array<i32>} : memref<128xi32, #tpu.memory_space<vmem>>, vector<16xi32>,
      %swap3A_180 = vector.shape_cast %swap3A_179 : vector<16xi32> to vector<16xi32>
      %swap3A_181 = vector.shape_cast %add3A_177 : vector<16xi32> to vector<16xi32>
      tpu.vector_store %arg10[%swap3A_178], %swap3A_181 {strides = array<i32>} : memref<128xi32, #tpu.memory_space<vmem>>, vector<16xi32>,
      %get3A_182 = arith.constant 96 : index
      %get3A_183 = tpu.vector_load %arg10[%get3A_182] {strides = array<i32>} : memref<128xi32, #tpu.memory_space<vmem>>, vector<16xi32>,
      %get3A_184 = vector.shape_cast %get3A_183 : vector<16xi32> to vector<16xi32>
      %add3A_185 = vector.broadcast %mul3A_4 : i32 to vector<16xi32>
      %add3A_186 = arith.addi %get3A_184, %add3A_185 : vector<16xi32>
      %swap3A_187 = arith.constant 96 : index
      %swap3A_188 = tpu.vector_load %arg10[%swap3A_187] {strides = array<i32>} : memref<128xi32, #tpu.memory_space<vmem>>, vector<16xi32>,
      %swap3A_189 = vector.shape_cast %swap3A_188 : vector<16xi32> to vector<16xi32>
      %swap3A_190 = vector.shape_cast %add3A_186 : vector<16xi32> to vector<16xi32>
      tpu.vector_store %arg10[%swap3A_187], %swap3A_190 {strides = array<i32>} : memref<128xi32, #tpu.memory_space<vmem>>, vector<16xi32>,
      %get3A_191 = arith.constant 112 : index
      %get3A_192 = tpu.vector_load %arg10[%get3A_191] {strides = array<i32>} : memref<128xi32, #tpu.memory_space<vmem>>, vector<16xi32>,
      %get3A_193 = vector.shape_cast %get3A_192 : vector<16xi32> to vector<16xi32>
      %add3A_194 = vector.broadcast %mul3A_4 : i32 to vector<16xi32>
      %add3A_195 = arith.addi %get3A_193, %add3A_194 : vector<16xi32>
      %swap3A_196 = arith.constant 112 : index
      %swap3A_197 = tpu.vector_load %arg10[%swap3A_196] {strides = array<i32>} : memref<128xi32, #tpu.memory_space<vmem>>, vector<16xi32>,
      %swap3A_198 = vector.shape_cast %swap3A_197 : vector<16xi32> to vector<16xi32>
      %swap3A_199 = vector.shape_cast %add3A_195 : vector<16xi32> to vector<16xi32>
      tpu.vector_store %arg10[%swap3A_196], %swap3A_199 {strides = array<i32>} : memref<128xi32, #tpu.memory_space<vmem>>, vector<16xi32>,
      %gt3A = arith.constant 0 : i32
      %gt3A_200 = arith.cmpi sgt, %scan3A_115, %gt3A : i32
      %convert_element_type3A_201 = arith.extui %gt3A_200 : i1 to i32
      %cond3A_202 = arith.constant 0 : i32
      %cond3A_203 = arith.cmpi ne, %convert_element_type3A_201, %cond3A_202 : i32
      scf.if %cond3A_203 {
        %dma_wait3A_246 = arith.constant 0 : i32
        %dma_wait3A_247 = arith.constant 0 : i32
        %dma_wait3A_248 = tpu.memref_slice %arg6[%dma_wait3A_246, %dma_wait3A_247] : memref<10240x128xf32, #tpu.memory_space<vmem_shared>> -> memref<10240x128xf32, #tpu.memory_space<vmem_shared>>
        tpu.wait_indirect_dma semaphore(%arg16 : memref<!tpu.dma_semaphore, #tpu.memory_space<semaphore_mem>>) src(%arg8 : memref<128x128xf32, #tpu.memory_space<vmem>>) dst(%dma_wait3A_248 : memref<10240x128xf32, #tpu.memory_space<vmem_shared>>)
      } else {
      }
      %mul3A_204 = arith.constant 2 : i32
      %mul3A_205 = arith.muli %mul3A_204, %scan3A_115 : i32
      %add3A_206 = arith.constant 1 : i32
      %add3A_207 = arith.addi %mul3A_205, %add3A_206 : i32
      %mul3A_208 = arith.constant 128 : i32
      %mul3A_209 = arith.muli %add3A_207, %mul3A_208 : i32
      %add3A_210 = arith.addi %mul3A_2, %mul3A_209 : i32
      %dma_start3A_211 = tpu.memref_slice %arg4[%add3A_210] : memref<163840xi32, #tpu.memory_space<hbm>> -> memref<128xi32, #tpu.memory_space<hbm>>
      %dma_start3A_212 = tpu.memref_slice %arg4[%add3A_210] : memref<163840xi32, #tpu.memory_space<hbm>> -> memref<128xi32, #tpu.memory_space<hbm>>
      tpu.enqueue_dma source(%dma_start3A_212 : memref<128xi32, #tpu.memory_space<hbm>>) target(%arg12 : memref<128xi32, #tpu.memory_space<vmem>>) target_semaphore(%arg20 : memref<!tpu.dma_semaphore, #tpu.memory_space<semaphore_mem>>)
      %dma_start3A_213 = arith.constant 0 : i32
      %dma_start3A_214 = arith.constant 0 : i32
      %dma_start3A_215 = tpu.memref_slice %arg2[%dma_start3A_213, %dma_start3A_214] : memref<20000x128xf32, #tpu.memory_space<hbm>> -> memref<20000x128xf32, #tpu.memory_space<hbm>>
      tpu.enqueue_indirect_dma source(%dma_start3A_215 : memref<20000x128xf32, #tpu.memory_space<hbm>>) target(%arg8 : memref<128x128xf32, #tpu.memory_space<vmem>>) offsets(%arg10 : memref<128xi32, #tpu.memory_space<vmem>>) semaphore(%arg14 : memref<!tpu.dma_semaphore, #tpu.memory_space<semaphore_mem>>)
      %dma_wait3A_216 = arith.constant 0 : i32
      %dma_wait3A_217 = tpu.memref_slice %arg4[%dma_wait3A_216] : memref<163840xi32, #tpu.memory_space<hbm>> -> memref<128xi32, #tpu.memory_space<hbm>>
      %dma_wait3A_218 = arith.constant 0 : i32
      %dma_wait3A_219 = tpu.memref_slice %arg4[%dma_wait3A_218] : memref<163840xi32, #tpu.memory_space<hbm>> -> memref<128xi32, #tpu.memory_space<hbm>>
      tpu.wait_dma2 semaphore(%arg19 : memref<!tpu.dma_semaphore, #tpu.memory_space<semaphore_mem>>) src(%dma_wait3A_219 : memref<128xi32, #tpu.memory_space<hbm>>) dst(%arg11 : memref<128xi32, #tpu.memory_space<vmem>>)
      %dma_start3A_220 = arith.constant 0 : i32
      %dma_start3A_221 = arith.constant 0 : i32
      %dma_start3A_222 = tpu.memref_slice %arg6[%dma_start3A_220, %dma_start3A_221] : memref<10240x128xf32, #tpu.memory_space<vmem_shared>> -> memref<10240x128xf32, #tpu.memory_space<vmem_shared>>
      tpu.enqueue_indirect_dma source(%arg7 : memref<128x128xf32, #tpu.memory_space<vmem>>) target(%dma_start3A_222 : memref<10240x128xf32, #tpu.memory_space<vmem_shared>>) offsets(%arg11 : memref<128xi32, #tpu.memory_space<vmem>>) semaphore(%arg15 : memref<!tpu.dma_semaphore, #tpu.memory_space<semaphore_mem>>) {add = true}
      %dma_wait3A_223 = arith.constant 0 : i32
      %dma_wait3A_224 = arith.constant 0 : i32
      %dma_wait3A_225 = tpu.memref_slice %arg2[%dma_wait3A_223, %dma_wait3A_224] : memref<20000x128xf32, #tpu.memory_space<hbm>> -> memref<20000x128xf32, #tpu.memory_space<hbm>>
      tpu.wait_indirect_dma semaphore(%arg14 : memref<!tpu.dma_semaphore, #tpu.memory_space<semaphore_mem>>) src(%dma_wait3A_225 : memref<20000x128xf32, #tpu.memory_space<hbm>>) dst(%arg8 : memref<128x128xf32, #tpu.memory_space<vmem>>)
      %lt3A_226 = arith.constant 39 : i32
      %lt3A_227 = arith.cmpi slt, %scan3A_115, %lt3A_226 : i32
      %convert_element_type3A_228 = arith.extui %lt3A_227 : i1 to i32
      %cond3A_229 = arith.constant 0 : i32
      %cond3A_230 = arith.cmpi ne, %convert_element_type3A_228, %cond3A_229 : i32
      scf.if %cond3A_230 {
        %mul3A_246 = arith.constant 2 : i32
        %mul3A_247 = arith.muli %mul3A_246, %scan3A_115 : i32
        %add3A_248 = arith.constant 3 : i32
        %add3A_249 = arith.addi %mul3A_247, %add3A_248 : i32
        %mul3A_250 = arith.constant 128 : i32
        %mul3A_251 = arith.muli %add3A_249, %mul3A_250 : i32
        %add3A_252 = arith.addi %mul3A_2, %mul3A_251 : i32
        %dma_start3A_253 = tpu.memref_slice %arg3[%add3A_252] : memref<163840xi32, #tpu.memory_space<hbm>> -> memref<128xi32, #tpu.memory_space<hbm>>
        %dma_start3A_254 = tpu.memref_slice %arg3[%add3A_252] : memref<163840xi32, #tpu.memory_space<hbm>> -> memref<128xi32, #tpu.memory_space<hbm>>
        tpu.enqueue_dma source(%dma_start3A_254 : memref<128xi32, #tpu.memory_space<hbm>>) target(%arg10 : memref<128xi32, #tpu.memory_space<vmem>>) target_semaphore(%arg18 : memref<!tpu.dma_semaphore, #tpu.memory_space<semaphore_mem>>)
      } else {
      }
      %dma_wait3A_231 = arith.constant 0 : i32
      %dma_wait3A_232 = arith.constant 0 : i32
      %dma_wait3A_233 = tpu.memref_slice %arg6[%dma_wait3A_231, %dma_wait3A_232] : memref<10240x128xf32, #tpu.memory_space<vmem_shared>> -> memref<10240x128xf32, #tpu.memory_space<vmem_shared>>
      tpu.wait_indirect_dma semaphore(%arg15 : memref<!tpu.dma_semaphore, #tpu.memory_space<semaphore_mem>>) src(%arg7 : memref<128x128xf32, #tpu.memory_space<vmem>>) dst(%dma_wait3A_233 : memref<10240x128xf32, #tpu.memory_space<vmem_shared>>)
      %lt3A_234 = arith.constant 39 : i32
      %lt3A_235 = arith.cmpi slt, %scan3A_115, %lt3A_234 : i32
      %convert_element_type3A_236 = arith.extui %lt3A_235 : i1 to i32
      %cond3A_237 = arith.constant 0 : i32
      %cond3A_238 = arith.cmpi ne, %convert_element_type3A_236, %cond3A_237 : i32
      scf.if %cond3A_238 {
        %mul3A_246 = arith.constant 2 : i32
        %mul3A_247 = arith.muli %mul3A_246, %scan3A_115 : i32
        %add3A_248 = arith.constant 2 : i32
        %add3A_249 = arith.addi %mul3A_247, %add3A_248 : i32
        %mul3A_250 = arith.constant 128 : i32
        %mul3A_251 = arith.muli %add3A_249, %mul3A_250 : i32
        %add3A_252 = arith.addi %mul3A_2, %mul3A_251 : i32
        %dma_start3A_253 = tpu.memref_slice %arg4[%add3A_252] : memref<163840xi32, #tpu.memory_space<hbm>> -> memref<128xi32, #tpu.memory_space<hbm>>
        %dma_start3A_254 = tpu.memref_slice %arg4[%add3A_252] : memref<163840xi32, #tpu.memory_space<hbm>> -> memref<128xi32, #tpu.memory_space<hbm>>
        tpu.enqueue_dma source(%dma_start3A_254 : memref<128xi32, #tpu.memory_space<hbm>>) target(%arg11 : memref<128xi32, #tpu.memory_space<vmem>>) target_semaphore(%arg19 : memref<!tpu.dma_semaphore, #tpu.memory_space<semaphore_mem>>)
        %dma_wait3A_255 = arith.constant 0 : i32
        %dma_wait3A_256 = tpu.memref_slice %arg3[%dma_wait3A_255] : memref<163840xi32, #tpu.memory_space<hbm>> -> memref<128xi32, #tpu.memory_space<hbm>>
        %dma_wait3A_257 = arith.constant 0 : i32
        %dma_wait3A_258 = tpu.memref_slice %arg3[%dma_wait3A_257] : memref<163840xi32, #tpu.memory_space<hbm>> -> memref<128xi32, #tpu.memory_space<hbm>>
        tpu.wait_dma2 semaphore(%arg17 : memref<!tpu.dma_semaphore, #tpu.memory_space<semaphore_mem>>) src(%dma_wait3A_258 : memref<128xi32, #tpu.memory_space<hbm>>) dst(%arg9 : memref<128xi32, #tpu.memory_space<vmem>>)
        %get3A_259 = arith.constant 0 : index
        %get3A_260 = tpu.vector_load %arg9[%get3A_259] {strides = array<i32>} : memref<128xi32, #tpu.memory_space<vmem>>, vector<16xi32>,
        %get3A_261 = vector.shape_cast %get3A_260 : vector<16xi32> to vector<16xi32>
        %add3A_262 = vector.broadcast %mul3A_4 : i32 to vector<16xi32>
        %add3A_263 = arith.addi %get3A_261, %add3A_262 : vector<16xi32>
        %swap3A_264 = arith.constant 0 : index
        %swap3A_265 = tpu.vector_load %arg9[%swap3A_264] {strides = array<i32>} : memref<128xi32, #tpu.memory_space<vmem>>, vector<16xi32>,
        %swap3A_266 = vector.shape_cast %swap3A_265 : vector<16xi32> to vector<16xi32>
        %swap3A_267 = vector.shape_cast %add3A_263 : vector<16xi32> to vector<16xi32>
        tpu.vector_store %arg9[%swap3A_264], %swap3A_267 {strides = array<i32>} : memref<128xi32, #tpu.memory_space<vmem>>, vector<16xi32>,
        %get3A_268 = arith.constant 16 : index
        %get3A_269 = tpu.vector_load %arg9[%get3A_268] {strides = array<i32>} : memref<128xi32, #tpu.memory_space<vmem>>, vector<16xi32>,
        %get3A_270 = vector.shape_cast %get3A_269 : vector<16xi32> to vector<16xi32>
        %add3A_271 = vector.broadcast %mul3A_4 : i32 to vector<16xi32>
        %add3A_272 = arith.addi %get3A_270, %add3A_271 : vector<16xi32>
        %swap3A_273 = arith.constant 16 : index
        %swap3A_274 = tpu.vector_load %arg9[%swap3A_273] {strides = array<i32>} : memref<128xi32, #tpu.memory_space<vmem>>, vector<16xi32>,
        %swap3A_275 = vector.shape_cast %swap3A_274 : vector<16xi32> to vector<16xi32>
        %swap3A_276 = vector.shape_cast %add3A_272 : vector<16xi32> to vector<16xi32>
        tpu.vector_store %arg9[%swap3A_273], %swap3A_276 {strides = array<i32>} : memref<128xi32, #tpu.memory_space<vmem>>, vector<16xi32>,
        %get3A_277 = arith.constant 32 : index
        %get3A_278 = tpu.vector_load %arg9[%get3A_277] {strides = array<i32>} : memref<128xi32, #tpu.memory_space<vmem>>, vector<16xi32>,
        %get3A_279 = vector.shape_cast %get3A_278 : vector<16xi32> to vector<16xi32>
        %add3A_280 = vector.broadcast %mul3A_4 : i32 to vector<16xi32>
        %add3A_281 = arith.addi %get3A_279, %add3A_280 : vector<16xi32>
        %swap3A_282 = arith.constant 32 : index
        %swap3A_283 = tpu.vector_load %arg9[%swap3A_282] {strides = array<i32>} : memref<128xi32, #tpu.memory_space<vmem>>, vector<16xi32>,
        %swap3A_284 = vector.shape_cast %swap3A_283 : vector<16xi32> to vector<16xi32>
        %swap3A_285 = vector.shape_cast %add3A_281 : vector<16xi32> to vector<16xi32>
        tpu.vector_store %arg9[%swap3A_282], %swap3A_285 {strides = array<i32>} : memref<128xi32, #tpu.memory_space<vmem>>, vector<16xi32>,
        %get3A_286 = arith.constant 48 : index
        %get3A_287 = tpu.vector_load %arg9[%get3A_286] {strides = array<i32>} : memref<128xi32, #tpu.memory_space<vmem>>, vector<16xi32>,
        %get3A_288 = vector.shape_cast %get3A_287 : vector<16xi32> to vector<16xi32>
        %add3A_289 = vector.broadcast %mul3A_4 : i32 to vector<16xi32>
        %add3A_290 = arith.addi %get3A_288, %add3A_289 : vector<16xi32>
        %swap3A_291 = arith.constant 48 : index
        %swap3A_292 = tpu.vector_load %arg9[%swap3A_291] {strides = array<i32>} : memref<128xi32, #tpu.memory_space<vmem>>, vector<16xi32>,
        %swap3A_293 = vector.shape_cast %swap3A_292 : vector<16xi32> to vector<16xi32>
        %swap3A_294 = vector.shape_cast %add3A_290 : vector<16xi32> to vector<16xi32>
        tpu.vector_store %arg9[%swap3A_291], %swap3A_294 {strides = array<i32>} : memref<128xi32, #tpu.memory_space<vmem>>, vector<16xi32>,
        %get3A_295 = arith.constant 64 : index
        %get3A_296 = tpu.vector_load %arg9[%get3A_295] {strides = array<i32>} : memref<128xi32, #tpu.memory_space<vmem>>, vector<16xi32>,
        %get3A_297 = vector.shape_cast %get3A_296 : vector<16xi32> to vector<16xi32>
        %add3A_298 = vector.broadcast %mul3A_4 : i32 to vector<16xi32>
        %add3A_299 = arith.addi %get3A_297, %add3A_298 : vector<16xi32>
        %swap3A_300 = arith.constant 64 : index
        %swap3A_301 = tpu.vector_load %arg9[%swap3A_300] {strides = array<i32>} : memref<128xi32, #tpu.memory_space<vmem>>, vector<16xi32>,
        %swap3A_302 = vector.shape_cast %swap3A_301 : vector<16xi32> to vector<16xi32>
        %swap3A_303 = vector.shape_cast %add3A_299 : vector<16xi32> to vector<16xi32>
        tpu.vector_store %arg9[%swap3A_300], %swap3A_303 {strides = array<i32>} : memref<128xi32, #tpu.memory_space<vmem>>, vector<16xi32>,
        %get3A_304 = arith.constant 80 : index
        %get3A_305 = tpu.vector_load %arg9[%get3A_304] {strides = array<i32>} : memref<128xi32, #tpu.memory_space<vmem>>, vector<16xi32>,
        %get3A_306 = vector.shape_cast %get3A_305 : vector<16xi32> to vector<16xi32>
        %add3A_307 = vector.broadcast %mul3A_4 : i32 to vector<16xi32>
        %add3A_308 = arith.addi %get3A_306, %add3A_307 : vector<16xi32>
        %swap3A_309 = arith.constant 80 : index
        %swap3A_310 = tpu.vector_load %arg9[%swap3A_309] {strides = array<i32>} : memref<128xi32, #tpu.memory_space<vmem>>, vector<16xi32>,
        %swap3A_311 = vector.shape_cast %swap3A_310 : vector<16xi32> to vector<16xi32>
        %swap3A_312 = vector.shape_cast %add3A_308 : vector<16xi32> to vector<16xi32>
        tpu.vector_store %arg9[%swap3A_309], %swap3A_312 {strides = array<i32>} : memref<128xi32, #tpu.memory_space<vmem>>, vector<16xi32>,
        %get3A_313 = arith.constant 96 : index
        %get3A_314 = tpu.vector_load %arg9[%get3A_313] {strides = array<i32>} : memref<128xi32, #tpu.memory_space<vmem>>, vector<16xi32>,
        %get3A_315 = vector.shape_cast %get3A_314 : vector<16xi32> to vector<16xi32>
        %add3A_316 = vector.broadcast %mul3A_4 : i32 to vector<16xi32>
        %add3A_317 = arith.addi %get3A_315, %add3A_316 : vector<16xi32>
        %swap3A_318 = arith.constant 96 : index
        %swap3A_319 = tpu.vector_load %arg9[%swap3A_318] {strides = array<i32>} : memref<128xi32, #tpu.memory_space<vmem>>, vector<16xi32>,
        %swap3A_320 = vector.shape_cast %swap3A_319 : vector<16xi32> to vector<16xi32>
        %swap3A_321 = vector.shape_cast %add3A_317 : vector<16xi32> to vector<16xi32>
        tpu.vector_store %arg9[%swap3A_318], %swap3A_321 {strides = array<i32>} : memref<128xi32, #tpu.memory_space<vmem>>, vector<16xi32>,
        %get3A_322 = arith.constant 112 : index
        %get3A_323 = tpu.vector_load %arg9[%get3A_322] {strides = array<i32>} : memref<128xi32, #tpu.memory_space<vmem>>, vector<16xi32>,
        %get3A_324 = vector.shape_cast %get3A_323 : vector<16xi32> to vector<16xi32>
        %add3A_325 = vector.broadcast %mul3A_4 : i32 to vector<16xi32>
        %add3A_326 = arith.addi %get3A_324, %add3A_325 : vector<16xi32>
        %swap3A_327 = arith.constant 112 : index
        %swap3A_328 = tpu.vector_load %arg9[%swap3A_327] {strides = array<i32>} : memref<128xi32, #tpu.memory_space<vmem>>, vector<16xi32>,
        %swap3A_329 = vector.shape_cast %swap3A_328 : vector<16xi32> to vector<16xi32>
        %swap3A_330 = vector.shape_cast %add3A_326 : vector<16xi32> to vector<16xi32>
        tpu.vector_store %arg9[%swap3A_327], %swap3A_330 {strides = array<i32>} : memref<128xi32, #tpu.memory_space<vmem>>, vector<16xi32>,
        %dma_start3A_331 = arith.constant 0 : i32
        %dma_start3A_332 = arith.constant 0 : i32
        %dma_start3A_333 = tpu.memref_slice %arg2[%dma_start3A_331, %dma_start3A_332] : memref<20000x128xf32, #tpu.memory_space<hbm>> -> memref<20000x128xf32, #tpu.memory_space<hbm>>
        tpu.enqueue_indirect_dma source(%dma_start3A_333 : memref<20000x128xf32, #tpu.memory_space<hbm>>) target(%arg7 : memref<128x128xf32, #tpu.memory_space<vmem>>) offsets(%arg9 : memref<128xi32, #tpu.memory_space<vmem>>) semaphore(%arg13 : memref<!tpu.dma_semaphore, #tpu.memory_space<semaphore_mem>>)
      } else {
      }
      %dma_wait3A_239 = arith.constant 0 : i32
      %dma_wait3A_240 = tpu.memref_slice %arg4[%dma_wait3A_239] : memref<163840xi32, #tpu.memory_space<hbm>> -> memref<128xi32, #tpu.memory_space<hbm>>
      %dma_wait3A_241 = arith.constant 0 : i32
      %dma_wait3A_242 = tpu.memref_slice %arg4[%dma_wait3A_241] : memref<163840xi32, #tpu.memory_space<hbm>> -> memref<128xi32, #tpu.memory_space<hbm>>
      tpu.wait_dma2 semaphore(%arg20 : memref<!tpu.dma_semaphore, #tpu.memory_space<semaphore_mem>>) src(%dma_wait3A_242 : memref<128xi32, #tpu.memory_space<hbm>>) dst(%arg12 : memref<128xi32, #tpu.memory_space<vmem>>)
      %dma_start3A_243 = arith.constant 0 : i32
      %dma_start3A_244 = arith.constant 0 : i32
      %dma_start3A_245 = tpu.memref_slice %arg6[%dma_start3A_243, %dma_start3A_244] : memref<10240x128xf32, #tpu.memory_space<vmem_shared>> -> memref<10240x128xf32, #tpu.memory_space<vmem_shared>>
      tpu.enqueue_indirect_dma source(%arg8 : memref<128x128xf32, #tpu.memory_space<vmem>>) target(%dma_start3A_245 : memref<10240x128xf32, #tpu.memory_space<vmem_shared>>) offsets(%arg12 : memref<128xi32, #tpu.memory_space<vmem>>) semaphore(%arg16 : memref<!tpu.dma_semaphore, #tpu.memory_space<semaphore_mem>>) {add = true}
    }
    %scan3A_100 = arith.constant 40 : i32
    %dma_wait3A_101 = arith.constant 0 : i32
    %dma_wait3A_102 = arith.constant 0 : i32
    %dma_wait3A_103 = tpu.memref_slice %arg6[%dma_wait3A_101, %dma_wait3A_102] : memref<10240x128xf32, #tpu.memory_space<vmem_shared>> -> memref<10240x128xf32, #tpu.memory_space<vmem_shared>>
    tpu.wait_indirect_dma semaphore(%arg16 : memref<!tpu.dma_semaphore, #tpu.memory_space<semaphore_mem>>) src(%arg8 : memref<128x128xf32, #tpu.memory_space<vmem>>) dst(%dma_wait3A_103 : memref<10240x128xf32, #tpu.memory_space<vmem_shared>>)
    %barrier3A_104 = arith.constant 0 : index
    tpu.barrier barrier_id(%barrier3A_104)
    %lt3A_105 = arith.constant 15 : i32
    %lt3A_106 = arith.cmpi slt, %arg1, %lt3A_105 : i32
    %convert_element_type3A_107 = arith.extui %lt3A_106 : i1 to i32
    %cond3A_108 = arith.constant 0 : i32
    %cond3A_109 = arith.cmpi ne, %convert_element_type3A_107, %cond3A_108 : i32
    scf.if %cond3A_109 {
      %scan3A_115 = arith.constant 0 : i32
      %scan3A_116 = arith.constant 5 : i32
      %scan3A_117 = arith.addi %scan3A_115, %scan3A_116 : i32
      %scan3A_118 = arith.constant 1 : i32
      scf.for %scan3A_120 = %scan3A_115 to %scan3A_117 step %scan3A_118  : i32 {
        %mul3A_121 = arith.constant 128 : i32
        %mul3A_122 = arith.muli %scan3A_120, %mul3A_121 : i32
        %add3A_123 = arith.addi %mul3A_0, %mul3A_122 : i32
        "tpu.region"() ({
          %run_scoped3A = tpu.sem_alloc : memref<!tpu.dma_semaphore, #tpu.memory_space<semaphore_mem>>
          %dma_start3A_124 = arith.constant 0 : i32
          %dma_start3A_125 = arith.constant 0 : i32
          %dma_start3A_126 = tpu.memref_slice %arg7[%dma_start3A_124, %dma_start3A_125] : memref<128x128xf32, #tpu.memory_space<vmem>> -> memref<128x128xf32, #tpu.memory_space<vmem>>
          %dma_start3A_127 = arith.constant 0 : i32
          %dma_start3A_128 = tpu.memref_slice %arg6[%add3A_123, %dma_start3A_127] : memref<10240x128xf32, #tpu.memory_space<vmem_shared>> -> memref<128x128xf32, #tpu.memory_space<vmem_shared>>
          %dma_start3A_129 = arith.constant 0 : i32
          %dma_start3A_130 = arith.constant 0 : i32
          %dma_start3A_131 = tpu.memref_slice %arg7[%dma_start3A_129, %dma_start3A_130] : memref<128x128xf32, #tpu.memory_space<vmem>> -> memref<128x128xf32, #tpu.memory_space<vmem>>
          %dma_start3A_132 = arith.constant 0 : i32
          %dma_start3A_133 = tpu.memref_slice %arg6[%add3A_123, %dma_start3A_132] : memref<10240x128xf32, #tpu.memory_space<vmem_shared>> -> memref<128x128xf32, #tpu.memory_space<vmem_shared>>
          tpu.enqueue_dma source(%dma_start3A_133 : memref<128x128xf32, #tpu.memory_space<vmem_shared>>) target(%dma_start3A_131 : memref<128x128xf32, #tpu.memory_space<vmem>>) target_semaphore(%run_scoped3A : memref<!tpu.dma_semaphore, #tpu.memory_space<semaphore_mem>>)
          %dma_wait3A_134 = arith.constant 0 : i32
          %dma_wait3A_135 = arith.constant 0 : i32
          %dma_wait3A_136 = tpu.memref_slice %arg7[%dma_wait3A_134, %dma_wait3A_135] : memref<128x128xf32, #tpu.memory_space<vmem>> -> memref<128x128xf32, #tpu.memory_space<vmem>>
          %dma_wait3A_137 = arith.constant 0 : i32
          %dma_wait3A_138 = tpu.memref_slice %arg6[%add3A_123, %dma_wait3A_137] : memref<10240x128xf32, #tpu.memory_space<vmem_shared>> -> memref<128x128xf32, #tpu.memory_space<vmem_shared>>
          %dma_wait3A_139 = arith.constant 0 : i32
          %dma_wait3A_140 = arith.constant 0 : i32
          %dma_wait3A_141 = tpu.memref_slice %arg7[%dma_wait3A_139, %dma_wait3A_140] : memref<128x128xf32, #tpu.memory_space<vmem>> -> memref<128x128xf32, #tpu.memory_space<vmem>>
          %dma_wait3A_142 = arith.constant 0 : i32
          %dma_wait3A_143 = tpu.memref_slice %arg6[%add3A_123, %dma_wait3A_142] : memref<10240x128xf32, #tpu.memory_space<vmem_shared>> -> memref<128x128xf32, #tpu.memory_space<vmem_shared>>
          tpu.wait_dma2 semaphore(%run_scoped3A : memref<!tpu.dma_semaphore, #tpu.memory_space<semaphore_mem>>) src(%dma_wait3A_143 : memref<128x128xf32, #tpu.memory_space<vmem_shared>>) dst(%dma_wait3A_141 : memref<128x128xf32, #tpu.memory_space<vmem>>)
          tpu.yield
        }) : () -> ()
        "tpu.region"() ({
          %run_scoped3A = tpu.sem_alloc : memref<!tpu.dma_semaphore, #tpu.memory_space<semaphore_mem>>
          %dma_start3A_124 = arith.constant 0 : i32
          %dma_start3A_125 = arith.constant 0 : i32
          %dma_start3A_126 = tpu.memref_slice %arg7[%dma_start3A_124, %dma_start3A_125] : memref<128x128xf32, #tpu.memory_space<vmem>> -> memref<128x128xf32, #tpu.memory_space<vmem>>
          %dma_start3A_127 = arith.constant 0 : i32
          %dma_start3A_128 = tpu.memref_slice %arg5[%arg0, %add3A_123, %dma_start3A_127] : memref<2x10000x128xf32, #tpu.memory_space<hbm>> -> memref<1x128x128xf32, #tpu.memory_space<hbm>>
          %dma_start3A_129 = tpu.memref_squeeze %dma_start3A_128 : memref<1x128x128xf32, #tpu.memory_space<hbm>> -> memref<128x128xf32, #tpu.memory_space<hbm>>
          %dma_start3A_130 = arith.constant 0 : i32
          %dma_start3A_131 = tpu.memref_slice %arg5[%arg0, %add3A_123, %dma_start3A_130] : memref<2x10000x128xf32, #tpu.memory_space<hbm>> -> memref<1x128x128xf32, #tpu.memory_space<hbm>>
          %dma_start3A_132 = tpu.memref_squeeze %dma_start3A_131 : memref<1x128x128xf32, #tpu.memory_space<hbm>> -> memref<128x128xf32, #tpu.memory_space<hbm>>
          %dma_start3A_133 = arith.constant 0 : i32
          %dma_start3A_134 = arith.constant 0 : i32
          %dma_start3A_135 = tpu.memref_slice %arg7[%dma_start3A_133, %dma_start3A_134] : memref<128x128xf32, #tpu.memory_space<vmem>> -> memref<128x128xf32, #tpu.memory_space<vmem>>
          tpu.enqueue_dma source(%dma_start3A_135 : memref<128x128xf32, #tpu.memory_space<vmem>>) target(%dma_start3A_132 : memref<128x128xf32, #tpu.memory_space<hbm>>) target_semaphore(%run_scoped3A : memref<!tpu.dma_semaphore, #tpu.memory_space<semaphore_mem>>)
          %dma_wait3A_136 = arith.constant 0 : i32
          %dma_wait3A_137 = arith.constant 0 : i32
          %dma_wait3A_138 = tpu.memref_slice %arg7[%dma_wait3A_136, %dma_wait3A_137] : memref<128x128xf32, #tpu.memory_space<vmem>> -> memref<128x128xf32, #tpu.memory_space<vmem>>
          %dma_wait3A_139 = arith.constant 0 : i32
          %dma_wait3A_140 = tpu.memref_slice %arg5[%arg0, %add3A_123, %dma_wait3A_139] : memref<2x10000x128xf32, #tpu.memory_space<hbm>> -> memref<1x128x128xf32, #tpu.memory_space<hbm>>
          %dma_wait3A_141 = tpu.memref_squeeze %dma_wait3A_140 : memref<1x128x128xf32, #tpu.memory_space<hbm>> -> memref<128x128xf32, #tpu.memory_space<hbm>>
          %dma_wait3A_142 = arith.constant 0 : i32
          %dma_wait3A_143 = tpu.memref_slice %arg5[%arg0, %add3A_123, %dma_wait3A_142] : memref<2x10000x128xf32, #tpu.memory_space<hbm>> -> memref<1x128x128xf32, #tpu.memory_space<hbm>>
          %dma_wait3A_144 = tpu.memref_squeeze %dma_wait3A_143 : memref<1x128x128xf32, #tpu.memory_space<hbm>> -> memref<128x128xf32, #tpu.memory_space<hbm>>
          %dma_wait3A_145 = arith.constant 0 : i32
          %dma_wait3A_146 = arith.constant 0 : i32
          %dma_wait3A_147 = tpu.memref_slice %arg7[%dma_wait3A_145, %dma_wait3A_146] : memref<128x128xf32, #tpu.memory_space<vmem>> -> memref<128x128xf32, #tpu.memory_space<vmem>>
          tpu.wait_dma2 semaphore(%run_scoped3A : memref<!tpu.dma_semaphore, #tpu.memory_space<semaphore_mem>>) src(%dma_wait3A_147 : memref<128x128xf32, #tpu.memory_space<vmem>>) dst(%dma_wait3A_144 : memref<128x128xf32, #tpu.memory_space<hbm>>)
          tpu.yield
        }) : () -> ()
      }
      %scan3A_119 = arith.constant 5 : i32
    } else {
    }
    %eq3A_110 = arith.constant 15 : i32
    %eq3A_111 = arith.cmpi eq, %arg1, %eq3A_110 : i32
    %convert_element_type3A_112 = arith.extui %eq3A_111 : i1 to i32
    %cond3A_113 = arith.constant 0 : i32
    %cond3A_114 = arith.cmpi ne, %convert_element_type3A_112, %cond3A_113 : i32
    scf.if %cond3A_114 {
      %add3A_115 = arith.constant 0 : i32
      %add3A_116 = arith.addi %mul3A_0, %add3A_115 : i32
      "tpu.region"() ({
        %run_scoped3A = tpu.sem_alloc : memref<!tpu.dma_semaphore, #tpu.memory_space<semaphore_mem>>
        %dma_start3A_124 = arith.constant 0 : i32
        %dma_start3A_125 = arith.constant 0 : i32
        %dma_start3A_126 = tpu.memref_slice %arg7[%dma_start3A_124, %dma_start3A_125] : memref<128x128xf32, #tpu.memory_space<vmem>> -> memref<128x128xf32, #tpu.memory_space<vmem>>
        %dma_start3A_127 = arith.constant 0 : i32
        %dma_start3A_128 = tpu.memref_slice %arg6[%add3A_116, %dma_start3A_127] : memref<10240x128xf32, #tpu.memory_space<vmem_shared>> -> memref<128x128xf32, #tpu.memory_space<vmem_shared>>
        %dma_start3A_129 = arith.constant 0 : i32
        %dma_start3A_130 = arith.constant 0 : i32
        %dma_start3A_131 = tpu.memref_slice %arg7[%dma_start3A_129, %dma_start3A_130] : memref<128x128xf32, #tpu.memory_space<vmem>> -> memref<128x128xf32, #tpu.memory_space<vmem>>
        %dma_start3A_132 = arith.constant 0 : i32
        %dma_start3A_133 = tpu.memref_slice %arg6[%add3A_116, %dma_start3A_132] : memref<10240x128xf32, #tpu.memory_space<vmem_shared>> -> memref<128x128xf32, #tpu.memory_space<vmem_shared>>
        tpu.enqueue_dma source(%dma_start3A_133 : memref<128x128xf32, #tpu.memory_space<vmem_shared>>) target(%dma_start3A_131 : memref<128x128xf32, #tpu.memory_space<vmem>>) target_semaphore(%run_scoped3A : memref<!tpu.dma_semaphore, #tpu.memory_space<semaphore_mem>>)
        %dma_wait3A_134 = arith.constant 0 : i32
        %dma_wait3A_135 = arith.constant 0 : i32
        %dma_wait3A_136 = tpu.memref_slice %arg7[%dma_wait3A_134, %dma_wait3A_135] : memref<128x128xf32, #tpu.memory_space<vmem>> -> memref<128x128xf32, #tpu.memory_space<vmem>>
        %dma_wait3A_137 = arith.constant 0 : i32
        %dma_wait3A_138 = tpu.memref_slice %arg6[%add3A_116, %dma_wait3A_137] : memref<10240x128xf32, #tpu.memory_space<vmem_shared>> -> memref<128x128xf32, #tpu.memory_space<vmem_shared>>
        %dma_wait3A_139 = arith.constant 0 : i32
        %dma_wait3A_140 = arith.constant 0 : i32
        %dma_wait3A_141 = tpu.memref_slice %arg7[%dma_wait3A_139, %dma_wait3A_140] : memref<128x128xf32, #tpu.memory_space<vmem>> -> memref<128x128xf32, #tpu.memory_space<vmem>>
        %dma_wait3A_142 = arith.constant 0 : i32
        %dma_wait3A_143 = tpu.memref_slice %arg6[%add3A_116, %dma_wait3A_142] : memref<10240x128xf32, #tpu.memory_space<vmem_shared>> -> memref<128x128xf32, #tpu.memory_space<vmem_shared>>
        tpu.wait_dma2 semaphore(%run_scoped3A : memref<!tpu.dma_semaphore, #tpu.memory_space<semaphore_mem>>) src(%dma_wait3A_143 : memref<128x128xf32, #tpu.memory_space<vmem_shared>>) dst(%dma_wait3A_141 : memref<128x128xf32, #tpu.memory_space<vmem>>)
        tpu.yield
      }) : () -> ()
      "tpu.region"() ({
        %run_scoped3A = tpu.sem_alloc : memref<!tpu.dma_semaphore, #tpu.memory_space<semaphore_mem>>
        %dma_start3A_124 = arith.constant 0 : i32
        %dma_start3A_125 = arith.constant 0 : i32
        %dma_start3A_126 = tpu.memref_slice %arg7[%dma_start3A_124, %dma_start3A_125] : memref<128x128xf32, #tpu.memory_space<vmem>> -> memref<128x128xf32, #tpu.memory_space<vmem>>
        %dma_start3A_127 = arith.constant 0 : i32
        %dma_start3A_128 = tpu.memref_slice %arg5[%arg0, %add3A_116, %dma_start3A_127] : memref<2x10000x128xf32, #tpu.memory_space<hbm>> -> memref<1x128x128xf32, #tpu.memory_space<hbm>>
        %dma_start3A_129 = tpu.memref_squeeze %dma_start3A_128 : memref<1x128x128xf32, #tpu.memory_space<hbm>> -> memref<128x128xf32, #tpu.memory_space<hbm>>
        %dma_start3A_130 = arith.constant 0 : i32
        %dma_start3A_131 = tpu.memref_slice %arg5[%arg0, %add3A_116, %dma_start3A_130] : memref<2x10000x128xf32, #tpu.memory_space<hbm>> -> memref<1x128x128xf32, #tpu.memory_space<hbm>>
        %dma_start3A_132 = tpu.memref_squeeze %dma_start3A_131 : memref<1x128x128xf32, #tpu.memory_space<hbm>> -> memref<128x128xf32, #tpu.memory_space<hbm>>
        %dma_start3A_133 = arith.constant 0 : i32
        %dma_start3A_134 = arith.constant 0 : i32
        %dma_start3A_135 = tpu.memref_slice %arg7[%dma_start3A_133, %dma_start3A_134] : memref<128x128xf32, #tpu.memory_space<vmem>> -> memref<128x128xf32, #tpu.memory_space<vmem>>
        tpu.enqueue_dma source(%dma_start3A_135 : memref<128x128xf32, #tpu.memory_space<vmem>>) target(%dma_start3A_132 : memref<128x128xf32, #tpu.memory_space<hbm>>) target_semaphore(%run_scoped3A : memref<!tpu.dma_semaphore, #tpu.memory_space<semaphore_mem>>)
        %dma_wait3A_136 = arith.constant 0 : i32
        %dma_wait3A_137 = arith.constant 0 : i32
        %dma_wait3A_138 = tpu.memref_slice %arg7[%dma_wait3A_136, %dma_wait3A_137] : memref<128x128xf32, #tpu.memory_space<vmem>> -> memref<128x128xf32, #tpu.memory_space<vmem>>
        %dma_wait3A_139 = arith.constant 0 : i32
        %dma_wait3A_140 = tpu.memref_slice %arg5[%arg0, %add3A_116, %dma_wait3A_139] : memref<2x10000x128xf32, #tpu.memory_space<hbm>> -> memref<1x128x128xf32, #tpu.memory_space<hbm>>
        %dma_wait3A_141 = tpu.memref_squeeze %dma_wait3A_140 : memref<1x128x128xf32, #tpu.memory_space<hbm>> -> memref<128x128xf32, #tpu.memory_space<hbm>>
        %dma_wait3A_142 = arith.constant 0 : i32
        %dma_wait3A_143 = tpu.memref_slice %arg5[%arg0, %add3A_116, %dma_wait3A_142] : memref<2x10000x128xf32, #tpu.memory_space<hbm>> -> memref<1x128x128xf32, #tpu.memory_space<hbm>>
        %dma_wait3A_144 = tpu.memref_squeeze %dma_wait3A_143 : memref<1x128x128xf32, #tpu.memory_space<hbm>> -> memref<128x128xf32, #tpu.memory_space<hbm>>
        %dma_wait3A_145 = arith.constant 0 : i32
        %dma_wait3A_146 = arith.constant 0 : i32
        %dma_wait3A_147 = tpu.memref_slice %arg7[%dma_wait3A_145, %dma_wait3A_146] : memref<128x128xf32, #tpu.memory_space<vmem>> -> memref<128x128xf32, #tpu.memory_space<vmem>>
        tpu.wait_dma2 semaphore(%run_scoped3A : memref<!tpu.dma_semaphore, #tpu.memory_space<semaphore_mem>>) src(%dma_wait3A_147 : memref<128x128xf32, #tpu.memory_space<vmem>>) dst(%dma_wait3A_144 : memref<128x128xf32, #tpu.memory_space<hbm>>)
        tpu.yield
      }) : () -> ()
      %add3A_117 = arith.constant 128 : i32
      %add3A_118 = arith.addi %mul3A_0, %add3A_117 : i32
      "tpu.region"() ({
        %run_scoped3A = tpu.sem_alloc : memref<!tpu.dma_semaphore, #tpu.memory_space<semaphore_mem>>
        %dma_start3A_124 = arith.constant 0 : i32
        %dma_start3A_125 = arith.constant 0 : i32
        %dma_start3A_126 = tpu.memref_slice %arg7[%dma_start3A_124, %dma_start3A_125] : memref<128x128xf32, #tpu.memory_space<vmem>> -> memref<128x128xf32, #tpu.memory_space<vmem>>
        %dma_start3A_127 = arith.constant 0 : i32
        %dma_start3A_128 = tpu.memref_slice %arg6[%add3A_118, %dma_start3A_127] : memref<10240x128xf32, #tpu.memory_space<vmem_shared>> -> memref<128x128xf32, #tpu.memory_space<vmem_shared>>
        %dma_start3A_129 = arith.constant 0 : i32
        %dma_start3A_130 = arith.constant 0 : i32
        %dma_start3A_131 = tpu.memref_slice %arg7[%dma_start3A_129, %dma_start3A_130] : memref<128x128xf32, #tpu.memory_space<vmem>> -> memref<128x128xf32, #tpu.memory_space<vmem>>
        %dma_start3A_132 = arith.constant 0 : i32
        %dma_start3A_133 = tpu.memref_slice %arg6[%add3A_118, %dma_start3A_132] : memref<10240x128xf32, #tpu.memory_space<vmem_shared>> -> memref<128x128xf32, #tpu.memory_space<vmem_shared>>
        tpu.enqueue_dma source(%dma_start3A_133 : memref<128x128xf32, #tpu.memory_space<vmem_shared>>) target(%dma_start3A_131 : memref<128x128xf32, #tpu.memory_space<vmem>>) target_semaphore(%run_scoped3A : memref<!tpu.dma_semaphore, #tpu.memory_space<semaphore_mem>>)
        %dma_wait3A_134 = arith.constant 0 : i32
        %dma_wait3A_135 = arith.constant 0 : i32
        %dma_wait3A_136 = tpu.memref_slice %arg7[%dma_wait3A_134, %dma_wait3A_135] : memref<128x128xf32, #tpu.memory_space<vmem>> -> memref<128x128xf32, #tpu.memory_space<vmem>>
        %dma_wait3A_137 = arith.constant 0 : i32
        %dma_wait3A_138 = tpu.memref_slice %arg6[%add3A_118, %dma_wait3A_137] : memref<10240x128xf32, #tpu.memory_space<vmem_shared>> -> memref<128x128xf32, #tpu.memory_space<vmem_shared>>
        %dma_wait3A_139 = arith.constant 0 : i32
        %dma_wait3A_140 = arith.constant 0 : i32
        %dma_wait3A_141 = tpu.memref_slice %arg7[%dma_wait3A_139, %dma_wait3A_140] : memref<128x128xf32, #tpu.memory_space<vmem>> -> memref<128x128xf32, #tpu.memory_space<vmem>>
        %dma_wait3A_142 = arith.constant 0 : i32
        %dma_wait3A_143 = tpu.memref_slice %arg6[%add3A_118, %dma_wait3A_142] : memref<10240x128xf32, #tpu.memory_space<vmem_shared>> -> memref<128x128xf32, #tpu.memory_space<vmem_shared>>
        tpu.wait_dma2 semaphore(%run_scoped3A : memref<!tpu.dma_semaphore, #tpu.memory_space<semaphore_mem>>) src(%dma_wait3A_143 : memref<128x128xf32, #tpu.memory_space<vmem_shared>>) dst(%dma_wait3A_141 : memref<128x128xf32, #tpu.memory_space<vmem>>)
        tpu.yield
      }) : () -> ()
      "tpu.region"() ({
        %run_scoped3A = tpu.sem_alloc : memref<!tpu.dma_semaphore, #tpu.memory_space<semaphore_mem>>
        %dma_start3A_124 = arith.constant 0 : i32
        %dma_start3A_125 = arith.constant 0 : i32
        %dma_start3A_126 = tpu.memref_slice %arg7[%dma_start3A_124, %dma_start3A_125] : memref<128x128xf32, #tpu.memory_space<vmem>> -> memref<128x128xf32, #tpu.memory_space<vmem>>
        %dma_start3A_127 = arith.constant 0 : i32
        %dma_start3A_128 = tpu.memref_slice %arg5[%arg0, %add3A_118, %dma_start3A_127] : memref<2x10000x128xf32, #tpu.memory_space<hbm>> -> memref<1x128x128xf32, #tpu.memory_space<hbm>>
        %dma_start3A_129 = tpu.memref_squeeze %dma_start3A_128 : memref<1x128x128xf32, #tpu.memory_space<hbm>> -> memref<128x128xf32, #tpu.memory_space<hbm>>
        %dma_start3A_130 = arith.constant 0 : i32
        %dma_start3A_131 = tpu.memref_slice %arg5[%arg0, %add3A_118, %dma_start3A_130] : memref<2x10000x128xf32, #tpu.memory_space<hbm>> -> memref<1x128x128xf32, #tpu.memory_space<hbm>>
        %dma_start3A_132 = tpu.memref_squeeze %dma_start3A_131 : memref<1x128x128xf32, #tpu.memory_space<hbm>> -> memref<128x128xf32, #tpu.memory_space<hbm>>
        %dma_start3A_133 = arith.constant 0 : i32
        %dma_start3A_134 = arith.constant 0 : i32
        %dma_start3A_135 = tpu.memref_slice %arg7[%dma_start3A_133, %dma_start3A_134] : memref<128x128xf32, #tpu.memory_space<vmem>> -> memref<128x128xf32, #tpu.memory_space<vmem>>
        tpu.enqueue_dma source(%dma_start3A_135 : memref<128x128xf32, #tpu.memory_space<vmem>>) target(%dma_start3A_132 : memref<128x128xf32, #tpu.memory_space<hbm>>) target_semaphore(%run_scoped3A : memref<!tpu.dma_semaphore, #tpu.memory_space<semaphore_mem>>)
        %dma_wait3A_136 = arith.constant 0 : i32
        %dma_wait3A_137 = arith.constant 0 : i32
        %dma_wait3A_138 = tpu.memref_slice %arg7[%dma_wait3A_136, %dma_wait3A_137] : memref<128x128xf32, #tpu.memory_space<vmem>> -> memref<128x128xf32, #tpu.memory_space<vmem>>
        %dma_wait3A_139 = arith.constant 0 : i32
        %dma_wait3A_140 = tpu.memref_slice %arg5[%arg0, %add3A_118, %dma_wait3A_139] : memref<2x10000x128xf32, #tpu.memory_space<hbm>> -> memref<1x128x128xf32, #tpu.memory_space<hbm>>
        %dma_wait3A_141 = tpu.memref_squeeze %dma_wait3A_140 : memref<1x128x128xf32, #tpu.memory_space<hbm>> -> memref<128x128xf32, #tpu.memory_space<hbm>>
        %dma_wait3A_142 = arith.constant 0 : i32
        %dma_wait3A_143 = tpu.memref_slice %arg5[%arg0, %add3A_118, %dma_wait3A_142] : memref<2x10000x128xf32, #tpu.memory_space<hbm>> -> memref<1x128x128xf32, #tpu.memory_space<hbm>>
        %dma_wait3A_144 = tpu.memref_squeeze %dma_wait3A_143 : memref<1x128x128xf32, #tpu.memory_space<hbm>> -> memref<128x128xf32, #tpu.memory_space<hbm>>
        %dma_wait3A_145 = arith.constant 0 : i32
        %dma_wait3A_146 = arith.constant 0 : i32
        %dma_wait3A_147 = tpu.memref_slice %arg7[%dma_wait3A_145, %dma_wait3A_146] : memref<128x128xf32, #tpu.memory_space<vmem>> -> memref<128x128xf32, #tpu.memory_space<vmem>>
        tpu.wait_dma2 semaphore(%run_scoped3A : memref<!tpu.dma_semaphore, #tpu.memory_space<semaphore_mem>>) src(%dma_wait3A_147 : memref<128x128xf32, #tpu.memory_space<vmem>>) dst(%dma_wait3A_144 : memref<128x128xf32, #tpu.memory_space<hbm>>)
        tpu.yield
      }) : () -> ()
      %add3A_119 = arith.constant 256 : i32
      %add3A_120 = arith.addi %mul3A_0, %add3A_119 : i32
      "tpu.region"() ({
        %run_scoped3A = tpu.sem_alloc : memref<!tpu.dma_semaphore, #tpu.memory_space<semaphore_mem>>
        %dma_start3A_124 = arith.constant 0 : i32
        %dma_start3A_125 = arith.constant 0 : i32
        %dma_start3A_126 = tpu.memref_slice %arg7[%dma_start3A_124, %dma_start3A_125] : memref<128x128xf32, #tpu.memory_space<vmem>> -> memref<128x128xf32, #tpu.memory_space<vmem>>
        %dma_start3A_127 = arith.constant 0 : i32
        %dma_start3A_128 = tpu.memref_slice %arg6[%add3A_120, %dma_start3A_127] : memref<10240x128xf32, #tpu.memory_space<vmem_shared>> -> memref<128x128xf32, #tpu.memory_space<vmem_shared>>
        %dma_start3A_129 = arith.constant 0 : i32
        %dma_start3A_130 = arith.constant 0 : i32
        %dma_start3A_131 = tpu.memref_slice %arg7[%dma_start3A_129, %dma_start3A_130] : memref<128x128xf32, #tpu.memory_space<vmem>> -> memref<128x128xf32, #tpu.memory_space<vmem>>
        %dma_start3A_132 = arith.constant 0 : i32
        %dma_start3A_133 = tpu.memref_slice %arg6[%add3A_120, %dma_start3A_132] : memref<10240x128xf32, #tpu.memory_space<vmem_shared>> -> memref<128x128xf32, #tpu.memory_space<vmem_shared>>
        tpu.enqueue_dma source(%dma_start3A_133 : memref<128x128xf32, #tpu.memory_space<vmem_shared>>) target(%dma_start3A_131 : memref<128x128xf32, #tpu.memory_space<vmem>>) target_semaphore(%run_scoped3A : memref<!tpu.dma_semaphore, #tpu.memory_space<semaphore_mem>>)
        %dma_wait3A_134 = arith.constant 0 : i32
        %dma_wait3A_135 = arith.constant 0 : i32
        %dma_wait3A_136 = tpu.memref_slice %arg7[%dma_wait3A_134, %dma_wait3A_135] : memref<128x128xf32, #tpu.memory_space<vmem>> -> memref<128x128xf32, #tpu.memory_space<vmem>>
        %dma_wait3A_137 = arith.constant 0 : i32
        %dma_wait3A_138 = tpu.memref_slice %arg6[%add3A_120, %dma_wait3A_137] : memref<10240x128xf32, #tpu.memory_space<vmem_shared>> -> memref<128x128xf32, #tpu.memory_space<vmem_shared>>
        %dma_wait3A_139 = arith.constant 0 : i32
        %dma_wait3A_140 = arith.constant 0 : i32
        %dma_wait3A_141 = tpu.memref_slice %arg7[%dma_wait3A_139, %dma_wait3A_140] : memref<128x128xf32, #tpu.memory_space<vmem>> -> memref<128x128xf32, #tpu.memory_space<vmem>>
        %dma_wait3A_142 = arith.constant 0 : i32
        %dma_wait3A_143 = tpu.memref_slice %arg6[%add3A_120, %dma_wait3A_142] : memref<10240x128xf32, #tpu.memory_space<vmem_shared>> -> memref<128x128xf32, #tpu.memory_space<vmem_shared>>
        tpu.wait_dma2 semaphore(%run_scoped3A : memref<!tpu.dma_semaphore, #tpu.memory_space<semaphore_mem>>) src(%dma_wait3A_143 : memref<128x128xf32, #tpu.memory_space<vmem_shared>>) dst(%dma_wait3A_141 : memref<128x128xf32, #tpu.memory_space<vmem>>)
        tpu.yield
      }) : () -> ()
      "tpu.region"() ({
        %run_scoped3A = tpu.sem_alloc : memref<!tpu.dma_semaphore, #tpu.memory_space<semaphore_mem>>
        %dma_start3A_124 = arith.constant 0 : i32
        %dma_start3A_125 = arith.constant 0 : i32
        %dma_start3A_126 = tpu.memref_slice %arg7[%dma_start3A_124, %dma_start3A_125] : memref<128x128xf32, #tpu.memory_space<vmem>> -> memref<128x128xf32, #tpu.memory_space<vmem>>
        %dma_start3A_127 = arith.constant 0 : i32
        %dma_start3A_128 = tpu.memref_slice %arg5[%arg0, %add3A_120, %dma_start3A_127] : memref<2x10000x128xf32, #tpu.memory_space<hbm>> -> memref<1x128x128xf32, #tpu.memory_space<hbm>>
        %dma_start3A_129 = tpu.memref_squeeze %dma_start3A_128 : memref<1x128x128xf32, #tpu.memory_space<hbm>> -> memref<128x128xf32, #tpu.memory_space<hbm>>
        %dma_start3A_130 = arith.constant 0 : i32
        %dma_start3A_131 = tpu.memref_slice %arg5[%arg0, %add3A_120, %dma_start3A_130] : memref<2x10000x128xf32, #tpu.memory_space<hbm>> -> memref<1x128x128xf32, #tpu.memory_space<hbm>>
        %dma_start3A_132 = tpu.memref_squeeze %dma_start3A_131 : memref<1x128x128xf32, #tpu.memory_space<hbm>> -> memref<128x128xf32, #tpu.memory_space<hbm>>
        %dma_start3A_133 = arith.constant 0 : i32
        %dma_start3A_134 = arith.constant 0 : i32
        %dma_start3A_135 = tpu.memref_slice %arg7[%dma_start3A_133, %dma_start3A_134] : memref<128x128xf32, #tpu.memory_space<vmem>> -> memref<128x128xf32, #tpu.memory_space<vmem>>
        tpu.enqueue_dma source(%dma_start3A_135 : memref<128x128xf32, #tpu.memory_space<vmem>>) target(%dma_start3A_132 : memref<128x128xf32, #tpu.memory_space<hbm>>) target_semaphore(%run_scoped3A : memref<!tpu.dma_semaphore, #tpu.memory_space<semaphore_mem>>)
        %dma_wait3A_136 = arith.constant 0 : i32
        %dma_wait3A_137 = arith.constant 0 : i32
        %dma_wait3A_138 = tpu.memref_slice %arg7[%dma_wait3A_136, %dma_wait3A_137] : memref<128x128xf32, #tpu.memory_space<vmem>> -> memref<128x128xf32, #tpu.memory_space<vmem>>
        %dma_wait3A_139 = arith.constant 0 : i32
        %dma_wait3A_140 = tpu.memref_slice %arg5[%arg0, %add3A_120, %dma_wait3A_139] : memref<2x10000x128xf32, #tpu.memory_space<hbm>> -> memref<1x128x128xf32, #tpu.memory_space<hbm>>
        %dma_wait3A_141 = tpu.memref_squeeze %dma_wait3A_140 : memref<1x128x128xf32, #tpu.memory_space<hbm>> -> memref<128x128xf32, #tpu.memory_space<hbm>>
        %dma_wait3A_142 = arith.constant 0 : i32
        %dma_wait3A_143 = tpu.memref_slice %arg5[%arg0, %add3A_120, %dma_wait3A_142] : memref<2x10000x128xf32, #tpu.memory_space<hbm>> -> memref<1x128x128xf32, #tpu.memory_space<hbm>>
        %dma_wait3A_144 = tpu.memref_squeeze %dma_wait3A_143 : memref<1x128x128xf32, #tpu.memory_space<hbm>> -> memref<128x128xf32, #tpu.memory_space<hbm>>
        %dma_wait3A_145 = arith.constant 0 : i32
        %dma_wait3A_146 = arith.constant 0 : i32
        %dma_wait3A_147 = tpu.memref_slice %arg7[%dma_wait3A_145, %dma_wait3A_146] : memref<128x128xf32, #tpu.memory_space<vmem>> -> memref<128x128xf32, #tpu.memory_space<vmem>>
        tpu.wait_dma2 semaphore(%run_scoped3A : memref<!tpu.dma_semaphore, #tpu.memory_space<semaphore_mem>>) src(%dma_wait3A_147 : memref<128x128xf32, #tpu.memory_space<vmem>>) dst(%dma_wait3A_144 : memref<128x128xf32, #tpu.memory_space<hbm>>)
        tpu.yield
      }) : () -> ()
      %add3A_121 = arith.constant 400 : i32
      %add3A_122 = arith.addi %mul3A_0, %add3A_121 : i32
      %sub3A = arith.constant 16 : i32
      %sub3A_123 = arith.subi %add3A_122, %sub3A : i32
      "tpu.region"() ({
        %run_scoped3A = tpu.sem_alloc : memref<!tpu.dma_semaphore, #tpu.memory_space<semaphore_mem>>
        %dma_start3A_124 = arith.constant 0 : i32
        %dma_start3A_125 = arith.constant 0 : i32
        %dma_start3A_126 = tpu.memref_slice %arg7[%dma_start3A_124, %dma_start3A_125] : memref<128x128xf32, #tpu.memory_space<vmem>> -> memref<16x128xf32, #tpu.memory_space<vmem>>
        %dma_start3A_127 = arith.constant 0 : i32
        %dma_start3A_128 = tpu.memref_slice %arg6[%sub3A_123, %dma_start3A_127] : memref<10240x128xf32, #tpu.memory_space<vmem_shared>> -> memref<16x128xf32, #tpu.memory_space<vmem_shared>>
        %dma_start3A_129 = arith.constant 0 : i32
        %dma_start3A_130 = arith.constant 0 : i32
        %dma_start3A_131 = tpu.memref_slice %arg7[%dma_start3A_129, %dma_start3A_130] : memref<128x128xf32, #tpu.memory_space<vmem>> -> memref<16x128xf32, #tpu.memory_space<vmem>>
        %dma_start3A_132 = arith.constant 0 : i32
        %dma_start3A_133 = tpu.memref_slice %arg6[%sub3A_123, %dma_start3A_132] : memref<10240x128xf32, #tpu.memory_space<vmem_shared>> -> memref<16x128xf32, #tpu.memory_space<vmem_shared>>
        tpu.enqueue_dma source(%dma_start3A_133 : memref<16x128xf32, #tpu.memory_space<vmem_shared>>) target(%dma_start3A_131 : memref<16x128xf32, #tpu.memory_space<vmem>>) target_semaphore(%run_scoped3A : memref<!tpu.dma_semaphore, #tpu.memory_space<semaphore_mem>>)
        %dma_wait3A_134 = arith.constant 0 : i32
        %dma_wait3A_135 = arith.constant 0 : i32
        %dma_wait3A_136 = tpu.memref_slice %arg7[%dma_wait3A_134, %dma_wait3A_135] : memref<128x128xf32, #tpu.memory_space<vmem>> -> memref<16x128xf32, #tpu.memory_space<vmem>>
        %dma_wait3A_137 = arith.constant 0 : i32
        %dma_wait3A_138 = tpu.memref_slice %arg6[%sub3A_123, %dma_wait3A_137] : memref<10240x128xf32, #tpu.memory_space<vmem_shared>> -> memref<16x128xf32, #tpu.memory_space<vmem_shared>>
        %dma_wait3A_139 = arith.constant 0 : i32
        %dma_wait3A_140 = arith.constant 0 : i32
        %dma_wait3A_141 = tpu.memref_slice %arg7[%dma_wait3A_139, %dma_wait3A_140] : memref<128x128xf32, #tpu.memory_space<vmem>> -> memref<16x128xf32, #tpu.memory_space<vmem>>
        %dma_wait3A_142 = arith.constant 0 : i32
        %dma_wait3A_143 = tpu.memref_slice %arg6[%sub3A_123, %dma_wait3A_142] : memref<10240x128xf32, #tpu.memory_space<vmem_shared>> -> memref<16x128xf32, #tpu.memory_space<vmem_shared>>
        tpu.wait_dma2 semaphore(%run_scoped3A : memref<!tpu.dma_semaphore, #tpu.memory_space<semaphore_mem>>) src(%dma_wait3A_143 : memref<16x128xf32, #tpu.memory_space<vmem_shared>>) dst(%dma_wait3A_141 : memref<16x128xf32, #tpu.memory_space<vmem>>)
        tpu.yield
      }) : () -> ()
      "tpu.region"() ({
        %run_scoped3A = tpu.sem_alloc : memref<!tpu.dma_semaphore, #tpu.memory_space<semaphore_mem>>
        %dma_start3A_124 = arith.constant 0 : i32
        %dma_start3A_125 = arith.constant 0 : i32
        %dma_start3A_126 = tpu.memref_slice %arg7[%dma_start3A_124, %dma_start3A_125] : memref<128x128xf32, #tpu.memory_space<vmem>> -> memref<16x128xf32, #tpu.memory_space<vmem>>
        %dma_start3A_127 = arith.constant 0 : i32
        %dma_start3A_128 = tpu.memref_slice %arg5[%arg0, %sub3A_123, %dma_start3A_127] : memref<2x10000x128xf32, #tpu.memory_space<hbm>> -> memref<1x16x128xf32, #tpu.memory_space<hbm>>
        %dma_start3A_129 = tpu.memref_squeeze %dma_start3A_128 : memref<1x16x128xf32, #tpu.memory_space<hbm>> -> memref<16x128xf32, #tpu.memory_space<hbm>>
        %dma_start3A_130 = arith.constant 0 : i32
        %dma_start3A_131 = tpu.memref_slice %arg5[%arg0, %sub3A_123, %dma_start3A_130] : memref<2x10000x128xf32, #tpu.memory_space<hbm>> -> memref<1x16x128xf32, #tpu.memory_space<hbm>>
        %dma_start3A_132 = tpu.memref_squeeze %dma_start3A_131 : memref<1x16x128xf32, #tpu.memory_space<hbm>> -> memref<16x128xf32, #tpu.memory_space<hbm>>
        %dma_start3A_133 = arith.constant 0 : i32
        %dma_start3A_134 = arith.constant 0 : i32
        %dma_start3A_135 = tpu.memref_slice %arg7[%dma_start3A_133, %dma_start3A_134] : memref<128x128xf32, #tpu.memory_space<vmem>> -> memref<16x128xf32, #tpu.memory_space<vmem>>
        tpu.enqueue_dma source(%dma_start3A_135 : memref<16x128xf32, #tpu.memory_space<vmem>>) target(%dma_start3A_132 : memref<16x128xf32, #tpu.memory_space<hbm>>) target_semaphore(%run_scoped3A : memref<!tpu.dma_semaphore, #tpu.memory_space<semaphore_mem>>)
        %dma_wait3A_136 = arith.constant 0 : i32
        %dma_wait3A_137 = arith.constant 0 : i32
        %dma_wait3A_138 = tpu.memref_slice %arg7[%dma_wait3A_136, %dma_wait3A_137] : memref<128x128xf32, #tpu.memory_space<vmem>> -> memref<16x128xf32, #tpu.memory_space<vmem>>
        %dma_wait3A_139 = arith.constant 0 : i32
        %dma_wait3A_140 = tpu.memref_slice %arg5[%arg0, %sub3A_123, %dma_wait3A_139] : memref<2x10000x128xf32, #tpu.memory_space<hbm>> -> memref<1x16x128xf32, #tpu.memory_space<hbm>>
        %dma_wait3A_141 = tpu.memref_squeeze %dma_wait3A_140 : memref<1x16x128xf32, #tpu.memory_space<hbm>> -> memref<16x128xf32, #tpu.memory_space<hbm>>
        %dma_wait3A_142 = arith.constant 0 : i32
        %dma_wait3A_143 = tpu.memref_slice %arg5[%arg0, %sub3A_123, %dma_wait3A_142] : memref<2x10000x128xf32, #tpu.memory_space<hbm>> -> memref<1x16x128xf32, #tpu.memory_space<hbm>>
        %dma_wait3A_144 = tpu.memref_squeeze %dma_wait3A_143 : memref<1x16x128xf32, #tpu.memory_space<hbm>> -> memref<16x128xf32, #tpu.memory_space<hbm>>
        %dma_wait3A_145 = arith.constant 0 : i32
        %dma_wait3A_146 = arith.constant 0 : i32
        %dma_wait3A_147 = tpu.memref_slice %arg7[%dma_wait3A_145, %dma_wait3A_146] : memref<128x128xf32, #tpu.memory_space<vmem>> -> memref<16x128xf32, #tpu.memory_space<vmem>>
        tpu.wait_dma2 semaphore(%run_scoped3A : memref<!tpu.dma_semaphore, #tpu.memory_space<semaphore_mem>>) src(%dma_wait3A_147 : memref<16x128xf32, #tpu.memory_space<vmem>>) dst(%dma_wait3A_144 : memref<16x128xf32, #tpu.memory_space<hbm>>)
        tpu.yield
      }) : () -> ()
    } else {
    }
    return
  }
}

module attributes {stable_mosaic.version = 14 : i64} {
  func.func @body(%arg0: i32, %arg1: memref<1000x256xf32, #tpu.memory_space<vmem>>, %arg2: memref<256x256xf32, #tpu.memory_space<vmem>>, %arg3: memref<2x1000x1xf32, #tpu.memory_space<vmem>>, %arg4: memref<2x1000x128xf32, #tpu.memory_space<vmem>>) attributes {dimension_semantics = [#tpu.dimension_semantics<arbitrary>], iteration_bounds = array<i64: 10>, scalar_prefetch = 0 : i64, scratch_operands = 0 : i64, tpu.core_type = #tpu.core_type<tc>, window_params = [{transform_indices = @transform_0, window_bounds = array<i64: 1000, 256>}, {pipeline_mode = #tpu.pipeline_mode<synchronous>, transform_indices = @transform_1, window_bounds = array<i64: 256, 256>}, {transform_indices = @transform_2, window_bounds = array<i64: 2, 1000, 1>}, {transform_indices = @transform_3, window_bounds = array<i64: 2, 1000, 128>}]} {
    %get3A = arith.constant 0 : index
    %get3A_0 = arith.constant 0 : index
    %get3A_1 = arith.constant 0 : index
    %get3A_2 = vector.load %arg3[%get3A, %get3A_0, %get3A_1] : memref<2x1000x1xf32, #tpu.memory_space<vmem>>, vector<1x1000x1xf32>
    %get3A_3 = vector.shape_cast %get3A_2 : vector<1x1000x1xf32> to vector<1000x1xf32>
    %get3A_4 = arith.constant 1 : index
    %get3A_5 = arith.constant 0 : index
    %get3A_6 = arith.constant 0 : index
    %get3A_7 = vector.load %arg3[%get3A_4, %get3A_5, %get3A_6] : memref<2x1000x1xf32, #tpu.memory_space<vmem>>, vector<1x1000x1xf32>
    %get3A_8 = vector.shape_cast %get3A_7 : vector<1x1000x1xf32> to vector<1000x1xf32>
    %add3A = arith.addf %get3A_3, %get3A_8 : vector<1000x1xf32>
    %add3A_9 = arith.constant 1.000000e+00 : f32
    %add3A_10 = vector.broadcast %add3A_9 : f32 to vector<1000x1xf32>
    %add3A_11 = arith.addf %add3A, %add3A_10 : vector<1000x1xf32>
    %gt3A = arith.constant 0.000000e+00 : f32
    %gt3A_12 = vector.broadcast %gt3A : f32 to vector<1000x1xf32>
    %gt3A_13 = arith.cmpf ogt, %add3A_11, %gt3A_12 : vector<1000x1xf32>
    %rsqrt3A = math.rsqrt %add3A_11 : vector<1000x1xf32>
    %jit3A = arith.constant 0.000000e+00 : f32
    %broadcast_in_dim3A = vector.broadcast %jit3A : f32 to vector<1000x1xf32>
    %select_n3A = arith.select %gt3A_13, %rsqrt3A, %broadcast_in_dim3A : vector<1000x1xi1>, vector<1000x1xf32>
    %get3A_14 = arith.constant 0 : index
    %get3A_15 = arith.constant 0 : index
    %get3A_16 = vector.load %arg1[%get3A_14, %get3A_15] : memref<1000x256xf32, #tpu.memory_space<vmem>>, vector<1000x256xf32>
    %get3A_17 = arith.constant 0 : index
    %get3A_18 = arith.constant 0 : index
    %get3A_19 = vector.load %arg2[%get3A_17, %get3A_18] : memref<256x256xf32, #tpu.memory_space<vmem>>, vector<256x256xf32>
    %dot_general3A = arith.constant dense<0.000000e+00> : vector<1000x256xf32>
    %dot_general3A_20 = tpu.matmul %get3A_16, %get3A_19, %dot_general3A {dimension_numbers = #tpu.dot_dimension_numbers<[1], [0], [0], [1], [0, 0, 1, 1], [], []>, transpose_lhs_hint = false} : vector<1000x256xf32>, vector<256x256xf32>, vector<1000x256xf32> -> vector<1000x256xf32>
    %mul3A = vector.broadcast %select_n3A : vector<1000x1xf32> to vector<1000x256xf32>
    %mul3A_21 = arith.mulf %dot_general3A_20, %mul3A : vector<1000x256xf32>
    %slice3A = vector.extract_strided_slice %mul3A_21 {offsets = [0, 0], sizes = [1000, 128], strides = [1, 1]} : vector<1000x256xf32> to vector<1000x128xf32>
    %swap3A = arith.constant 0 : index
    %swap3A_22 = arith.constant 0 : index
    %swap3A_23 = arith.constant 0 : index
    %swap3A_24 = vector.load %arg4[%swap3A, %swap3A_22, %swap3A_23] : memref<2x1000x128xf32, #tpu.memory_space<vmem>>, vector<1x1000x128xf32>
    %swap3A_25 = vector.shape_cast %swap3A_24 : vector<1x1000x128xf32> to vector<1000x128xf32>
    %swap3A_26 = vector.shape_cast %slice3A : vector<1000x128xf32> to vector<1x1000x128xf32>
    tpu.vector_store %arg4[%swap3A, %swap3A_22, %swap3A_23], %swap3A_26 {strides = array<i32>} : memref<2x1000x128xf32, #tpu.memory_space<vmem>>, vector<1x1000x128xf32>,
    %slice3A_27 = vector.extract_strided_slice %mul3A_21 {offsets = [0, 128], sizes = [1000, 128], strides = [1, 1]} : vector<1000x256xf32> to vector<1000x128xf32>
    %swap3A_28 = arith.constant 1 : index
    %swap3A_29 = arith.constant 0 : index
    %swap3A_30 = arith.constant 0 : index
    %swap3A_31 = vector.load %arg4[%swap3A_28, %swap3A_29, %swap3A_30] : memref<2x1000x128xf32, #tpu.memory_space<vmem>>, vector<1x1000x128xf32>
    %swap3A_32 = vector.shape_cast %swap3A_31 : vector<1x1000x128xf32> to vector<1000x128xf32>
    %swap3A_33 = vector.shape_cast %slice3A_27 : vector<1000x128xf32> to vector<1x1000x128xf32>
    tpu.vector_store %arg4[%swap3A_28, %swap3A_29, %swap3A_30], %swap3A_33 {strides = array<i32>} : memref<2x1000x128xf32, #tpu.memory_space<vmem>>, vector<1x1000x128xf32>,
    return
  }
  func.func @transform_0(%arg0: i32) -> (i32, i32) {
    %c0_i32 = arith.constant 0 : i32
    %c0_i32_0 = arith.constant 0 : i32
    return %arg0, %c0_i32 : i32, i32
  }
  func.func @transform_1(%arg0: i32) -> (i32, i32) {
    %c0_i32 = arith.constant 0 : i32
    %c0_i32_0 = arith.constant 0 : i32
    %c0_i32_1 = arith.constant 0 : i32
    return %c0_i32, %c0_i32_0 : i32, i32
  }
  func.func @transform_2(%arg0: i32) -> (i32, i32, i32) {
    %c0_i32 = arith.constant 0 : i32
    %c0_i32_0 = arith.constant 0 : i32
    %c0_i32_1 = arith.constant 0 : i32
    return %c0_i32, %arg0, %c0_i32_0 : i32, i32, i32
  }
  func.func @transform_3(%arg0: i32) -> (i32, i32, i32) {
    %c0_i32 = arith.constant 0 : i32
    %c0_i32_0 = arith.constant 0 : i32
    %c0_i32_1 = arith.constant 0 : i32
    return %c0_i32, %arg0, %c0_i32_0 : i32, i32, i32
  }
}

module attributes {stable_mosaic.version = 14 : i64} {
  func.func @body(%arg0: i32, %arg1: memref<2x1000x128xf32, #tpu.memory_space<vmem>>, %arg2: memref<2x1000x1xf32, #tpu.memory_space<vmem>>, %arg3: memref<1000x1xi32, #tpu.memory_space<vmem>>, %arg4: memref<1x256xf32, #tpu.memory_space<vmem>>, %arg5: memref<100x256xf32, #tpu.memory_space<vmem>>, %arg6: memref<100x256xf32, #tpu.memory_space<vmem>>, %arg7: memref<100x1xf32, #tpu.memory_space<vmem>>) attributes {dimension_semantics = [#tpu.dimension_semantics<arbitrary>], iteration_bounds = array<i64: 10>, scalar_prefetch = 0 : i64, scratch_operands = 2 : i64, tpu.core_type = #tpu.core_type<tc>, window_params = [{transform_indices = @transform_0, window_bounds = array<i64: 2, 1000, 128>}, {transform_indices = @transform_1, window_bounds = array<i64: 2, 1000, 1>}, {transform_indices = @transform_2, window_bounds = array<i64: 1000, 1>}, {pipeline_mode = #tpu.pipeline_mode<synchronous>, transform_indices = @transform_3, window_bounds = array<i64: 1, 256>}, {pipeline_mode = #tpu.pipeline_mode<synchronous>, transform_indices = @transform_4, window_bounds = array<i64: 100, 256>}]} {
    %get3A = arith.constant 0 : index
    %get3A_0 = arith.constant 0 : index
    %get3A_1 = arith.constant 0 : index
    %get3A_2 = vector.load %arg2[%get3A, %get3A_0, %get3A_1] : memref<2x1000x1xf32, #tpu.memory_space<vmem>>, vector<1x1000x1xf32>
    %get3A_3 = vector.shape_cast %get3A_2 : vector<1x1000x1xf32> to vector<1000x1xf32>
    %get3A_4 = arith.constant 1 : index
    %get3A_5 = arith.constant 0 : index
    %get3A_6 = arith.constant 0 : index
    %get3A_7 = vector.load %arg2[%get3A_4, %get3A_5, %get3A_6] : memref<2x1000x1xf32, #tpu.memory_space<vmem>>, vector<1x1000x1xf32>
    %get3A_8 = vector.shape_cast %get3A_7 : vector<1x1000x1xf32> to vector<1000x1xf32>
    %add3A = arith.addf %get3A_3, %get3A_8 : vector<1000x1xf32>
    %add3A_9 = arith.constant 1.000000e+00 : f32
    %add3A_10 = vector.broadcast %add3A_9 : f32 to vector<1000x1xf32>
    %add3A_11 = arith.addf %add3A, %add3A_10 : vector<1000x1xf32>
    %gt3A = arith.constant 0.000000e+00 : f32
    %gt3A_12 = vector.broadcast %gt3A : f32 to vector<1000x1xf32>
    %gt3A_13 = arith.cmpf ogt, %add3A_11, %gt3A_12 : vector<1000x1xf32>
    %rsqrt3A = math.rsqrt %add3A_11 : vector<1000x1xf32>
    %jit3A = arith.constant 0.000000e+00 : f32
    %broadcast_in_dim3A = vector.broadcast %jit3A : f32 to vector<1000x1xf32>
    %select_n3A = arith.select %gt3A_13, %rsqrt3A, %broadcast_in_dim3A : vector<1000x1xi1>, vector<1000x1xf32>
    %get3A_14 = arith.constant 0 : index
    %get3A_15 = arith.constant 0 : index
    %get3A_16 = arith.constant 0 : index
    %get3A_17 = vector.load %arg1[%get3A_14, %get3A_15, %get3A_16] : memref<2x1000x128xf32, #tpu.memory_space<vmem>>, vector<1x1000x128xf32>
    %get3A_18 = vector.shape_cast %get3A_17 : vector<1x1000x128xf32> to vector<1000x128xf32>
    %get3A_19 = arith.constant 1 : index
    %get3A_20 = arith.constant 0 : index
    %get3A_21 = arith.constant 0 : index
    %get3A_22 = vector.load %arg1[%get3A_19, %get3A_20, %get3A_21] : memref<2x1000x128xf32, #tpu.memory_space<vmem>>, vector<1x1000x128xf32>
    %get3A_23 = vector.shape_cast %get3A_22 : vector<1x1000x128xf32> to vector<1000x128xf32>
    %concatenate3A = tpu.concatenate %get3A_18, %get3A_23 in 1 : vector<1000x128xf32>, vector<1000x128xf32> -> vector<1000x256xf32>
    %mul3A = vector.broadcast %select_n3A : vector<1000x1xf32> to vector<1000x256xf32>
    %mul3A_24 = arith.mulf %concatenate3A, %mul3A : vector<1000x256xf32>
    %get3A_25 = arith.constant 0 : index
    %get3A_26 = arith.constant 0 : index
    %get3A_27 = vector.load %arg4[%get3A_25, %get3A_26] : memref<1x256xf32, #tpu.memory_space<vmem>>, vector<1x256xf32>
    %add3A_28 = vector.broadcast %get3A_27 : vector<1x256xf32> to vector<1000x256xf32>
    %add3A_29 = arith.addf %mul3A_24, %add3A_28 : vector<1000x256xf32>
    %max3A = arith.constant 0.000000e+00 : f32
    %max3A_30 = vector.broadcast %max3A : f32 to vector<1000x256xf32>
    %max3A_31 = arith.maximumf %add3A_29, %max3A_30 : vector<1000x256xf32>
    %iota3A = tpu.iota {dimensions = array<i32: 1>} : vector<1000x100xi32>
    %get3A_32 = arith.constant 0 : index
    %get3A_33 = arith.constant 0 : index
    %get3A_34 = vector.load %arg3[%get3A_32, %get3A_33] : memref<1000x1xi32, #tpu.memory_space<vmem>>, vector<1000x1xi32>
    %eq3A = vector.broadcast %get3A_34 : vector<1000x1xi32> to vector<1000x100xi32>
    %eq3A_35 = arith.cmpi eq, %eq3A, %iota3A : vector<1000x100xi32>
    %convert_element_type3A = arith.extui %eq3A_35 : vector<1000x100xi1> to vector<1000x100xi32>
    %convert_element_type3A_36 = arith.sitofp %convert_element_type3A : vector<1000x100xi32> to vector<1000x100xf32>
    %dot_general3A = arith.constant dense<0.000000e+00> : vector<100x256xf32>
    %dot_general3A_37 = tpu.matmul %convert_element_type3A_36, %max3A_31, %dot_general3A {dimension_numbers = #tpu.dot_dimension_numbers<[0], [0], [1], [1], [0, 1, 1, 1], [], []>, precision = #tpu.contract_precision<fp32>, transpose_lhs_hint = false} : vector<1000x100xf32>, vector<1000x256xf32>, vector<100x256xf32> -> vector<100x256xf32>
    %broadcast_in_dim3A_38 = arith.constant 1.000000e+00 : f32
    %broadcast_in_dim3A_39 = vector.broadcast %broadcast_in_dim3A_38 : f32 to vector<1000x1xf32>
    %dot_general3A_40 = arith.constant dense<0.000000e+00> : vector<100x1xf32>
    %dot_general3A_41 = tpu.matmul %convert_element_type3A_36, %broadcast_in_dim3A_39, %dot_general3A_40 {dimension_numbers = #tpu.dot_dimension_numbers<[0], [0], [1], [1], [0, 1, 1, 1], [], []>, precision = #tpu.contract_precision<fp32>, transpose_lhs_hint = false} : vector<1000x100xf32>, vector<1000x1xf32>, vector<100x1xf32> -> vector<100x1xf32>
    %eq3A_42 = arith.constant 0 : i32
    %eq3A_43 = arith.cmpi eq, %arg0, %eq3A_42 : i32
    %convert_element_type3A_44 = arith.extui %eq3A_43 : i1 to i32
    %cond3A = arith.constant 0 : i32
    %cond3A_45 = arith.cmpi ne, %convert_element_type3A_44, %cond3A : i32
    scf.if %cond3A_45 {
      %broadcast_in_dim3A_64 = arith.constant 0.000000e+00 : f32
      %broadcast_in_dim3A_65 = vector.broadcast %broadcast_in_dim3A_64 : f32 to vector<100x256xf32>
      %swap3A_66 = arith.constant 0 : index
      %swap3A_67 = arith.constant 0 : index
      %swap3A_68 = vector.load %arg6[%swap3A_66, %swap3A_67] : memref<100x256xf32, #tpu.memory_space<vmem>>, vector<100x256xf32>
      tpu.vector_store %arg6[%swap3A_66, %swap3A_67], %broadcast_in_dim3A_65 {strides = array<i32>} : memref<100x256xf32, #tpu.memory_space<vmem>>, vector<100x256xf32>,
      %broadcast_in_dim3A_69 = arith.constant 0.000000e+00 : f32
      %broadcast_in_dim3A_70 = vector.broadcast %broadcast_in_dim3A_69 : f32 to vector<100x1xf32>
      %swap3A_71 = arith.constant 0 : index
      %swap3A_72 = arith.constant 0 : index
      %swap3A_73 = vector.load %arg7[%swap3A_71, %swap3A_72] : memref<100x1xf32, #tpu.memory_space<vmem>>, vector<100x1xf32>
      tpu.vector_store %arg7[%swap3A_71, %swap3A_72], %broadcast_in_dim3A_70 {strides = array<i32>} : memref<100x1xf32, #tpu.memory_space<vmem>>, vector<100x1xf32>,
    } else {
    }
    %get3A_46 = arith.constant 0 : index
    %get3A_47 = arith.constant 0 : index
    %get3A_48 = vector.load %arg6[%get3A_46, %get3A_47] : memref<100x256xf32, #tpu.memory_space<vmem>>, vector<100x256xf32>
    %add3A_49 = arith.addf %get3A_48, %dot_general3A_37 : vector<100x256xf32>
    %swap3A = arith.constant 0 : index
    %swap3A_50 = arith.constant 0 : index
    %swap3A_51 = vector.load %arg6[%swap3A, %swap3A_50] : memref<100x256xf32, #tpu.memory_space<vmem>>, vector<100x256xf32>
    tpu.vector_store %arg6[%swap3A, %swap3A_50], %add3A_49 {strides = array<i32>} : memref<100x256xf32, #tpu.memory_space<vmem>>, vector<100x256xf32>,
    %get3A_52 = arith.constant 0 : index
    %get3A_53 = arith.constant 0 : index
    %get3A_54 = vector.load %arg7[%get3A_52, %get3A_53] : memref<100x1xf32, #tpu.memory_space<vmem>>, vector<100x1xf32>
    %add3A_55 = arith.addf %get3A_54, %dot_general3A_41 : vector<100x1xf32>
    %swap3A_56 = arith.constant 0 : index
    %swap3A_57 = arith.constant 0 : index
    %swap3A_58 = vector.load %arg7[%swap3A_56, %swap3A_57] : memref<100x1xf32, #tpu.memory_space<vmem>>, vector<100x1xf32>
    tpu.vector_store %arg7[%swap3A_56, %swap3A_57], %add3A_55 {strides = array<i32>} : memref<100x1xf32, #tpu.memory_space<vmem>>, vector<100x1xf32>,
    %eq3A_59 = arith.constant 9 : i32
    %eq3A_60 = arith.cmpi eq, %arg0, %eq3A_59 : i32
    %convert_element_type3A_61 = arith.extui %eq3A_60 : i1 to i32
    %cond3A_62 = arith.constant 0 : i32
    %cond3A_63 = arith.cmpi ne, %convert_element_type3A_61, %cond3A_62 : i32
    scf.if %cond3A_63 {
      %get3A_64 = arith.constant 0 : index
      %get3A_65 = arith.constant 0 : index
      %get3A_66 = vector.load %arg6[%get3A_64, %get3A_65] : memref<100x256xf32, #tpu.memory_space<vmem>>, vector<100x256xf32>
      %get3A_67 = arith.constant 0 : index
      %get3A_68 = arith.constant 0 : index
      %get3A_69 = vector.load %arg7[%get3A_67, %get3A_68] : memref<100x1xf32, #tpu.memory_space<vmem>>, vector<100x1xf32>
      %max3A_70 = arith.constant 1.000000e+00 : f32
      %max3A_71 = vector.broadcast %max3A_70 : f32 to vector<100x1xf32>
      %max3A_72 = arith.maximumf %get3A_69, %max3A_71 : vector<100x1xf32>
      %div3A = vector.broadcast %max3A_72 : vector<100x1xf32> to vector<100x256xf32>
      %div3A_73 = arith.divf %get3A_66, %div3A : vector<100x256xf32>
      %swap3A_74 = arith.constant 0 : index
      %swap3A_75 = arith.constant 0 : index
      %swap3A_76 = vector.load %arg5[%swap3A_74, %swap3A_75] : memref<100x256xf32, #tpu.memory_space<vmem>>, vector<100x256xf32>
      tpu.vector_store %arg5[%swap3A_74, %swap3A_75], %div3A_73 {strides = array<i32>} : memref<100x256xf32, #tpu.memory_space<vmem>>, vector<100x256xf32>,
    } else {
    }
    return
  }
  func.func @transform_0(%arg0: i32) -> (i32, i32, i32) {
    %c0_i32 = arith.constant 0 : i32
    %c0_i32_0 = arith.constant 0 : i32
    %c0_i32_1 = arith.constant 0 : i32
    return %c0_i32, %arg0, %c0_i32_0 : i32, i32, i32
  }
  func.func @transform_1(%arg0: i32) -> (i32, i32, i32) {
    %c0_i32 = arith.constant 0 : i32
    %c0_i32_0 = arith.constant 0 : i32
    %c0_i32_1 = arith.constant 0 : i32
    return %c0_i32, %arg0, %c0_i32_0 : i32, i32, i32
  }
  func.func @transform_2(%arg0: i32) -> (i32, i32) {
    %c0_i32 = arith.constant 0 : i32
    %c0_i32_0 = arith.constant 0 : i32
    return %arg0, %c0_i32 : i32, i32
  }
  func.func @transform_3(%arg0: i32) -> (i32, i32) {
    %c0_i32 = arith.constant 0 : i32
    %c0_i32_0 = arith.constant 0 : i32
    %c0_i32_1 = arith.constant 0 : i32
    return %c0_i32, %c0_i32_0 : i32, i32
  }
  func.func @transform_4(%arg0: i32) -> (i32, i32) {
    %c0_i32 = arith.constant 0 : i32
    %c0_i32_0 = arith.constant 0 : i32
    %c0_i32_1 = arith.constant 0 : i32
    return %c0_i32, %c0_i32_0 : i32, i32
  }
}

</mosaic_0001>

<sc_bundles>
// kernel: kernel.6.cloned.1.call-start
scs
__scs_entry_jumppad:
0x0: {  	(pc) =	sbr.rel $0x88, $3  }
0x1: {  	(tag) =	ssettag $0x0;
	lr =	simm.s32 $0x1  }
0x2: {  	[smem:$0x3F9C] =	sst lr;
	_ =	strace $0xD0000000  }
0x3: {  	_ = 	snop  }
0x4: {  	_ = 	snop  }
0x5: {  	_ = 	snop  }
0x6: {  	_ = 	snop  }
0x7: {  	_ = 	snop  }
__scs_overlays_trampoline_lowered:
0x8: {  	[smem:$0x3FAB] =	sst s0  }
0x9: {  	[smem:$0x3FAC] =	sst s1  }
0xa: {  	[smem:$0x3FAD] =	sst s2  }
0xb: {  	[smem:$0x3FAE] =	sst s3  }
0xc: {  	[smem:$0x3FAF] =	sst s4  }
0xd: {  	[smem:$0x3FB0] =	sst s5  }
0xe: {  	[smem:$0x3FB1] =	sst s6  }
0xf: {  	[smem:$0x3FB2] =	sst s7  }
0x10: {  	[smem:$0x3FB3] =	sst s8  }
0x11: {  	[smem:$0x3FB4] =	sst s9;
	s0 =	simm.s32 @!p0 $0x0  }
0x12: {  	s1 =	sld [smem:$0x3F9A];
	s0 =	simm.s32 @p0 $0x1  }
0x13: {  	[smem:$0x3FB5] =	sst s0;
	s0 =	simm.s32 @!p1 $0x0  }
0x14: {  	s2 =	sld [smem:$0x3F99];
	s0 =	simm.s32 @p1 $0x1  }
0x15: {  	[smem:$0x3FB6] =	sst s0;
	s0 =	simm.s32 @!p2 $0x0  }
0x16: {  	s3 =	sld [smem:$0x3FDB];
	s0 =	simm.s32 @p2 $0x1  }
0x17: {  	s4 =	simm.s32 $0x1BF5;
	[smem:$0x3FB8] =	sst s0  }
0x18: {  	s0 =	sld [smem:$0x3F9B];
	_ =	swait.ge [sflag:s4], $0x0  }
0x19: {  	s7 =	sld [smem:$0x3F9C]  }
0x1a: {  	s8 =	sadd.s32 $0xFFFFE003, lr  }
0x1b: {  	s9 =	sadd.s32 $0xFFFFFEF7, lr;
	s5 =	simm.s32 $0xFFFFFFFF;
	p2 =	slt.u32 s8, $0xFFFFF086  }
0x1c: {  	p1 =	slt.u32 s9, $0xF7A;
	s5 =	simm.s32 @!p2 $0x0  }
0x1d: {  	s5 =	simm.s32 @p1 $0x1;
	p0 =	seq.s32 s7, s2  }
0x1e: {  	s7 =	smul.u32 @!p0 $0xF7A, s2;
	p2 =	seq.s32 @!p0 s5, $0x0  }
0x1f: {  	s9 =	smul.u32 $0xF7A, s1;
	s8 =	simm.s32 @!p0 $0x1BF5;
	p2 =	por !p2, p0  }
0x20: {  	[sflag:s8] =	ssyncset.s32 @!p0 $0xFFFFF086;
	s6 =	sadd.s32 @!p0 s3, s7;
	s7 =	simm.s32 @!p0 $0x108  }
0x21: {  	s3 =	sadd.s32 s3, s9;
	s6 =	sadd.s32 @!p0 $0x88, s6;
	s7 =	simm.s32 @p2 $0x1082  }
0x22: {  	[simem:s7], [sflag:s8] =	dma.local @!p0 [hbm:s6], $0xF7A  }
0x23: {  	s9 =	sor.u32 $0xD0000000, s2;
	s6 =	simm.s32 $0x108;
	_ =	swait.ge @!p0 [sflag:s8], $0x0  }
0x24: {  	s3 =	sadd.s32 $0x88, s3;
	s6 =	simm.s32 @!p1 $0x1082;
	[sflag:s4] =	ssyncset.s32 $0xFFFFF086  }
0x25: {  	[simem:s6], [sflag:s4] =	dma.local [hbm:s3], $0xF7A  }
0x26: {  	[smem:$0x3F9C] =	sst s1;
	(tag) =	ssettag s2;
	_ =	strace s9  }
0x27: {  	s1 =	sld [smem:$0x3FAC]  }
0x28: {  	s2 =	sld [smem:$0x3FAD]  }
0x29: {  	s4 =	sld [smem:$0x3FAF]  }
0x2a: {  	p0 =	seq.s32 s5, $0x0;
	s5 =	sld [smem:$0x3FB0]  }
0x2b: {  	s6 =	sld [smem:$0x3FB1]  }
0x2c: {  	s7 =	sld [smem:$0x3FB2]  }
0x2d: {  	s3 =	simm.s32 $0x108;
	s8 =	sld [smem:$0x3FB3]  }
0x2e: {  	s3 =	simm.s32 @!p0 $0x1082;
	s9 =	sld [smem:$0x3FB4]  }
0x2f: {  	lr =	sadd.s32 s0, s3;
	s0 =	sld [smem:$0x3FAB]  }
0x30: {  	s3 =	sld [smem:$0x3FAE]  }
0x31: {  	[smem:$0x3FB7] =	sst s10  }
0x32: {  	s10 =	sld [smem:$0x3FB5];
	_ =	sdelay $0x3  }
0x33: {  	p0 =	seq.s32 s10, $0x1;
	s10 =	sld [smem:$0x3FB7];
	_ =	sdelay $0x3  }
0x34: {  	[smem:$0x3FB7] =	sst s10  }
0x35: {  	s10 =	sld [smem:$0x3FB6];
	_ =	sdelay $0x3  }
0x36: {  	p1 =	seq.s32 s10, $0x1;
	s10 =	sld [smem:$0x3FB7];
	_ =	sdelay $0x3  }
0x37: {  	[smem:$0x3FB7] =	sst s10  }
0x38: {  	s10 =	sld [smem:$0x3FB8]  }
0x39: {  	_ = 	snop;
	(pc) =	sbr.ind lr, $3  }
0x3a: {  	_ = 	snop  }
0x3b: {  	_ = 	snop  }
0x3c: {  	p2 =	seq.s32 s10, $0x1;
	s10 =	sld [smem:$0x3FB7]  }
0x3d: {  	_ =	shalt  }
0x3e: {  	_ =	shalt  }
0x3f: {  	_ =	shalt  }
0x40: {  	_ =	shalt  }
0x41: {  	_ =	shalt  }
0x42: {  	_ =	shalt  }
0x43: {  	_ =	shalt  }
0x44: {  	_ =	shalt  }
0x45: {  	_ =	shalt  }
0x46: {  	_ =	shalt  }
0x47: {  	_ =	shalt  }
0x48: {  	_ =	shalt  }
0x49: {  	_ =	shalt  }
0x4a: {  	_ =	shalt  }
0x4b: {  	_ =	shalt  }
0x4c: {  	_ =	shalt  }
0x4d: {  	_ =	shalt  }
0x4e: {  	_ =	shalt  }
0x4f: {  	_ =	shalt  }
0x50: {  	_ =	shalt  }
0x51: {  	_ =	shalt  }
0x52: {  	_ =	shalt  }
0x53: {  	_ =	shalt  }
0x54: {  	_ =	shalt  }
0x55: {  	_ =	shalt  }
0x56: {  	_ =	shalt  }
0x57: {  	_ =	shalt  }
0x58: {  	_ =	shalt  }
0x59: {  	_ =	shalt  }
0x5a: {  	_ =	shalt  }
0x5b: {  	_ =	shalt  }
0x5c: {  	_ =	shalt  }
0x5d: {  	_ =	shalt  }
0x5e: {  	_ =	shalt  }
0x5f: {  	_ =	shalt  }
0x60: {  	_ =	shalt  }
0x61: {  	_ =	shalt  }
0x62: {  	_ =	shalt  }
0x63: {  	_ =	shalt  }
0x64: {  	_ =	shalt  }
0x65: {  	_ =	shalt  }
0x66: {  	_ =	shalt  }
0x67: {  	_ =	shalt  }
0x68: {  	_ =	shalt  }
0x69: {  	_ =	shalt  }
0x6a: {  	_ =	shalt  }
0x6b: {  	_ =	shalt  }
0x6c: {  	_ =	shalt  }
0x6d: {  	_ =	shalt  }
0x6e: {  	_ =	shalt  }
0x6f: {  	_ =	shalt  }
0x70: {  	_ =	shalt  }
0x71: {  	_ =	shalt  }
0x72: {  	_ =	shalt  }
0x73: {  	_ =	shalt  }
0x74: {  	_ =	shalt  }
0x75: {  	_ =	shalt  }
0x76: {  	_ =	shalt  }
0x77: {  	_ =	shalt  }
0x78: {  	_ =	shalt  }
0x79: {  	_ =	shalt  }
0x7a: {  	_ =	shalt  }
0x7b: {  	_ =	shalt  }
0x7c: {  	_ =	shalt  }
0x7d: {  	_ =	shalt  }
0x7e: {  	_ =	shalt  }
0x7f: {  	_ =	shalt  }
0x80: {  	_ =	shalt  }
0x81: {  	_ =	shalt  }
0x82: {  	_ =	shalt  }
0x83: {  	_ =	shalt  }
0x84: {  	_ =	shalt  }
0x85: {  	_ =	shalt  }
0x86: {  	_ =	shalt  }
0x87: {  	_ =	shalt  }
.Lfunc_end0:
.L_simem_size_0:
called_computation_lowered:
.L_overlay_start_0:
0x88: {  	s2 =	sld [smem:$0x3FD9]  }
0x89: {  	s3 =	sld [smem:$0x3FFE];
	_ =	sdelay $0x1  }
0x8a: {  	s1 =	srdreg.scid  }
0x8b: {  	s0 =	sand.u32 $0x1, s1  }
0x8c: {  	s17 =	sshll.u32 s0, $0xA;
	s2 =	sadd.s32 s3, s2  }
0x8d: {  	s2 =	sadd.s32 s2, s17  }
0x8e: {  	[smem:$0x3FC3] =	sst s2  }
0x8f: {  	_ = 	snop  }
0x90: {  	s2 =	sld [smem:$0x3FD0];
	(tm) =	ssettm $0x1  }
0x91: {  	s18 =	sld [smem:$0x3FFB];
	_ =	sdelay $0x3  }
0x92: {  	_ =	strace s18  }
0x93: {  	s3 =	sld [smem:$0x3FFC];
	_ =	sdelay $0x3  }
0x94: {  	_ =	strace s3  }
0x95: {  	s3 =	sld [smem:$0x3FFD];
	_ =	sdelay $0x3  }
0x96: {  	_ =	strace s3  }
0x97: {  	_ =	strace $0x8FFFFFFF  }
0x98: {  	s19 =	sld [smem:$0x3FDB];
	_ =	sdelay $0x1  }
0x99: {  	s4 =	simm.s32 $_scs_section_size  }
0x9a: {  	s5 =	simm.s32 $_size__tile_overlayer_lowered;
	s6 =	simm.s32 $_tile_overlayer_lowered  }
0x9b: {  	s22 =	simm.s32 $0x1BFF;
	s21 =	sshll.u32 s6, $0x1;
	s3 =	sadd.s32 s4, s19  }
0x9c: {  	s7 =	simm.s32 $0x0;
	s20 =	sshll.u32 s5, $0x1;
	s5 =	sadd.s32 s21, s3  }
0x9d: {  	[timem:s7], [sflag:s22] =	dma.local [hbm:s5], s20  }
0x9e: {  	_ =	swait.ge [sflag:s22], s20  }
0x9f: {  	s4 =	ssub.s32 $0x0, s20;
	[sflag:s22] =	ssyncset.done $0x0  }
0xa0: {  	[sflag:s22] =	ssyncadd.s32 s4;
	_ =	sdelay $0x1  }
0xa1: {  	s23 =	simm.s32 $0x1B8B  }
0xa2: {  	_ =	swait.ge [sflag:s23], $0x1  }
0xa3: {  	[sflag:s23] =	ssyncset.done $0x0  }
0xa4: {  	s25 =	simm.s32 $0x1B8E;
	s24 =	sld [smem:$0x3FFE];
	[sflag:s23] =	ssyncadd.s32 $0xFFFFFFFF  }
0xa5: {  	s26 =	simm.s32 $execute0_lowered;
	[smem:$0x3FD2] =	sst s25  }
0xa6: {  	s5 =	sshll.u32 s26, $0x1;
	_ =	strace $0x80000046;
	[dreg:$0x1] =	wrdreg $0xFFFFFFFF  }
0xa7: {  	s28 =	simm.s32 $_size_execute0_lowered;
	s3 =	sadd.s32 s3, s5;
	[dreg:$0x0] =	wrdreg $0x0  }
0xa8: {  	s5 =	sshll.u32 s28, $0x1;
	[dreg:$0x2] =	wrdreg s3  }
0xa9: {  	[dreg:$0x3] =	wrdreg s5  }
0xaa: {  	[dreg:$0x4] =	wrdreg $0xC0  }
0xab: {  	_ =	task [dreg:s7], $0x5FFFF  }
0xac: {  	[dreg:$0x1] =	wrdreg $0xFFFFFFFF  }
0xad: {  	[dreg:$0x0] =	wrdreg $0x60  }
0xae: {  	[dreg:$0x2] =	wrdreg s24  }
0xaf: {  	[dreg:$0x3] =	wrdreg s2  }
0xb0: {  	[dreg:$0x4] =	wrdreg $0x0  }
0xb1: {  	[dreg:$0x5] =	wrdreg $0x9  }
0xb2: {  	_ =	task.clear_ibuf [dreg:s7], $0x6FFFF;
	_ =	strace $0x90000046  }
0xb3: {  	s29 =	simm.s32 $0x9;
	_ =	strace $0x80000048  }
0xb4: {  	_ =	swait.ge [sflag:s29], $0x1  }
0xb5: {  	[sflag:s29] =	ssyncadd.s32 $0xFFFFFFFF  }
0xb6: {  	_ =	strace $0x90000048  }
0xb7: {  	_ =	sfence  }
0xb8: {  	s30 =	sld [smem:$0x0];
	_ =	sdelay $0x2  }
0xb9: {  	s31 =	sshll.u32 s1, $0xD;
	s1 =	sshrl.u32 s1, $0x2  }
0xba: {  	s3 =	sand.u32 $0x4000, s31;
	s1 =	sadd.s32 s1, s30  }
0xbb: {  	s0 =	sor.u32 s3, s0;
	s1 =	sshll.u32 s1, $0x11  }
0xbc: {  	s0 =	sor.u32 s1, s0  }
0xbd: {  	s0 =	sadd.s32 $0x8F2B, s0  }
0xbe: {  	[sflag:s0] =	ssyncadd.remote.s32 $0x1  }
0xbf: {  	_ =	sfence.sel $0xFFFF  }
0xc0: {  	[dreg:$0x0] =	wrdreg $0xFFFFFFFF;
	(pc) =	sbr.abs _section_cstart, $3  }
0xc1: {  	[dreg:$0x1] =	wrdreg $0xFFFFFFFF  }
0xc2: {  	_ =	task.clear_ibuf [dreg:s7], $0x2FFFF;
	_ =	strace $0x9FFFFFFF  }
0xc3: {  	(tm) =	ssettm $0x7FFFFFFF  }
tec
execute0_lowered:
.L_overlay_start_1:
0x0: {  	(tag) =	ssettag $0x1  }
0x1: {  	s0 =	rddreg [dreg:$0x0]  }
0x2: {  	s1 =	srdreg.scid;
	s3 =	rddreg [dreg:$0x1]  }
0x3: {  	s2 =	rddreg [dreg:$0x2];
	s8 =	stileid.u32  }
0x4: {  	s5 =	simm.s32 $0x0;
	s9 =	simm.s32 $0x2;
	s11 =	simm.s32 $0x80  }
0x5: {  	s12 =	simm.s32 $0x500;
	s14 =	simm.s32 $0x1180;
	s15 =	simm.s32 $0x1200  }
0x6: {  	s16 =	simm.s32 $0x1280;
	s17 =	simm.s32 $0x1300;
	s18 =	simm.s32 $0x1380  }
0x7: {  	s19 =	simm.s32 $0x1400;
	s20 =	simm.s32 $0x1480;
	s21 =	simm.s32 $0x1500  }
0x8: {  	s22 =	simm.s32 $0x1580;
	s23 =	simm.s32 $0x1600;
	s24 =	simm.s32 $0x1680  }
0x9: {  	s28 =	simm.s32 $0x1800;
	s29 =	simm.s32 $0x1880;
	s30 =	simm.s32 $0x1900  }
0xa: {  	s31 =	simm.s32 $0x1;
	s1 =	sand.u32 $0x1, s1;
	[smem:$0x7FF] =	sst s5  }
0xb: {  	s6 =	smul.u32 $0x500, s8;
	s4 =	sshll.u32 s1, $0x4;
	_ =	strace $0x80000047  }
0xc: {  	s25 =	ssub.s32 $0x2, s1;
	s1 =	sshll.u32 s1, $0x7;
	s4 =	sor.u32 s8, s4  }
0xd: {  	s7 =	sshrl.u32 s25, $0x1;
	s8 =	smul.u32 $0xA00, s8;
	s1 =	sor.u32 s1, s6  }
0xe: {  	s4 =	smul.u32 $0x280, s4;
	s7 =	ssub.s32 s25, s7;
	s1 =	sshrl.u32 s1, $0x3  }
0xf: {  	s25 =	simm.s32 $0x1700;
	s26 =	sshrl.u32 s8, $0x2;
	s6 =	sadd.s32 s3, s1  }
0x10: {  	s7 =	smax.u32 s7, $0x1;
	s8 =	simm.s32 $0x580;
	s3 =	simm.s32 $0x10  }
0x11: {  	s1 =	simm.s32 $0x0;
	s0 =	sadd.s32 s4, s0;
	s5 =	sadd.s32 s26, s2  }
0x12: {  	v0 =	vimm.f32 $0.0e+00;
	v1 =	vimm.f32 $1.000000000e+00;
	s26 =	simm.s32 $0x1780;
	s4 =	sadd.s32 $0xE00, s0;
	s0 =	simm.s32 $0x20  }
.LBB2_1:
0x13: {  	[tilespmem:$0x280] =	vst v0  }
0x14: {  	[tilespmem:$0x290] =	vst v0  }
0x15: {  	[tilespmem:$0x2A0] =	vst v0  }
0x16: {  	[tilespmem:$0x2B0] =	vst v0  }
0x17: {  	[tilespmem:$0x2C0] =	vst v0  }
0x18: {  	[tilespmem:$0x2D0] =	vst v0  }
0x19: {  	[tilespmem:$0x2E0] =	vst v0  }
0x1a: {  	[tilespmem:$0x2F0] =	vst v0  }
0x1b: {  	[tilespmem:$0x300] =	vst v0  }
0x1c: {  	[tilespmem:$0x310] =	vst v0  }
0x1d: {  	[tilespmem:$0x320] =	vst v0  }
0x1e: {  	[tilespmem:$0x330] =	vst v0  }
0x1f: {  	[tilespmem:$0x340] =	vst v0  }
0x20: {  	[tilespmem:$0x350] =	vst v0  }
0x21: {  	[tilespmem:$0x360] =	vst v0  }
0x22: {  	[tilespmem:$0x370] =	vst v0  }
0x23: {  	[tilespmem:$0x380] =	vst v0  }
0x24: {  	[tilespmem:$0x390] =	vst v0  }
0x25: {  	[tilespmem:$0x3A0] =	vst v0  }
0x26: {  	[tilespmem:$0x3B0] =	vst v0  }
0x27: {  	[tilespmem:$0x3C0] =	vst v0  }
0x28: {  	[tilespmem:$0x3D0] =	vst v0  }
0x29: {  	[tilespmem:$0x3E0] =	vst v0  }
0x2a: {  	[tilespmem:$0x3F0] =	vst v0  }
0x2b: {  	[tilespmem:$0x400] =	vst v0  }
0x2c: {  	[tilespmem:$0x410] =	vst v0  }
0x2d: {  	[tilespmem:$0x420] =	vst v0  }
0x2e: {  	[tilespmem:$0x430] =	vst v0  }
0x2f: {  	[tilespmem:$0x440] =	vst v0  }
0x30: {  	[tilespmem:$0x450] =	vst v0  }
0x31: {  	[tilespmem:$0x460] =	vst v0  }
0x32: {  	[tilespmem:$0x470] =	vst v0  }
0x33: {  	[tilespmem:$0x480] =	vst v0  }
0x34: {  	[tilespmem:$0x490] =	vst v0  }
0x35: {  	[tilespmem:$0x4A0] =	vst v0  }
0x36: {  	[tilespmem:$0x4B0] =	vst v0  }
0x37: {  	[tilespmem:$0x4C0] =	vst v0  }
0x38: {  	[tilespmem:$0x4D0] =	vst v0  }
0x39: {  	[tilespmem:$0x4E0] =	vst v0  }
0x3a: {  	[tilespmem:$0x4F0] =	vst v0  }
0x3b: {  	[tilespmem:$0x500] =	vst v1  }
0x3c: {  	[tilespmem:$0x510] =	vst v1  }
0x3d: {  	[tilespmem:$0x520] =	vst v1  }
0x3e: {  	[tilespmem:$0x530] =	vst v1  }
0x3f: {  	[tilespmem:$0x540] =	vst v1  }
0x40: {  	[tilespmem:$0x550] =	vst v1  }
0x41: {  	[tilespmem:$0x560] =	vst v1  }
0x42: {  	[tilespmem:$0x570] =	vst v1;
	s10 =	simm.s32 $0x0  }
0x43: {  	[tilespmem:s8], [sflag:$0x2] =	stream.linear.gather [hbm4b:s4+s10], $0x1400, $0x38;
	[tilespmem:$0x1980] =	vst v63  }
0x44: {  	_ =	swait.ge [sflag:s9], $0x1400  }
0x45: {  	[sflag:s9] =	ssyncset.done $0x0  }
0x46: {  	s13 =	simm.s32 $0x280;
	[sflag:s9] =	ssyncadd.s32 $0xFFFFEC00  }
0x47: {  	[spmem:s5] =	stream.linear.scatter [tilespmem:s13], [sflag:$0x2], $0x280, $0x38;
	[tilespmem:$0x1980] =	vst v63  }
0x48: {  	_ =	swait.ge [sflag:s9], $0x280  }
0x49: {  	[sflag:s9] =	ssyncset.done $0x0  }
0x4a: {  	[sflag:s9] =	ssyncadd.s32 $0xFFFFFD80  }
0x4b: {  	[bflag:$0x0] =	sbarrier.arrive $0xFFFF  }
0x4c: {  	[spmem:s2] =	stream.indirect.scatter.add.f32 [tilespmem:s12], [sflag:$0x1], $0x1, s8, s11, $0xb8;
	[tilespmem:$0x1980] =	vst v63  }
0x4d: {  	s13 =	simm.s32 $0x600  }
0x4e: {  	[spmem:s2] =	stream.indirect.scatter.add.f32 [tilespmem:s12], [sflag:$0x1], $0x1, s13, s11, $0xb8;
	[tilespmem:$0x1980] =	vst v63  }
0x4f: {  	s13 =	simm.s32 $0x680  }
0x50: {  	[spmem:s2] =	stream.indirect.scatter.add.f32 [tilespmem:s12], [sflag:$0x1], $0x1, s13, s11, $0xb8;
	[tilespmem:$0x1980] =	vst v63  }
0x51: {  	s13 =	simm.s32 $0x700  }
0x52: {  	[spmem:s2] =	stream.indirect.scatter.add.f32 [tilespmem:s12], [sflag:$0x1], $0x1, s13, s11, $0xb8;
	[tilespmem:$0x1980] =	vst v63  }
0x53: {  	s13 =	simm.s32 $0x780  }
0x54: {  	[spmem:s2] =	stream.indirect.scatter.add.f32 [tilespmem:s12], [sflag:$0x1], $0x1, s13, s11, $0xb8;
	[tilespmem:$0x1980] =	vst v63  }
0x55: {  	s13 =	simm.s32 $0x800  }
0x56: {  	[spmem:s2] =	stream.indirect.scatter.add.f32 [tilespmem:s12], [sflag:$0x1], $0x1, s13, s11, $0xb8;
	[tilespmem:$0x1980] =	vst v63  }
0x57: {  	s13 =	simm.s32 $0x880  }
0x58: {  	[spmem:s2] =	stream.indirect.scatter.add.f32 [tilespmem:s12], [sflag:$0x1], $0x1, s13, s11, $0xb8;
	[tilespmem:$0x1980] =	vst v63  }
0x59: {  	s13 =	simm.s32 $0x900  }
0x5a: {  	[spmem:s2] =	stream.indirect.scatter.add.f32 [tilespmem:s12], [sflag:$0x1], $0x1, s13, s11, $0xb8;
	[tilespmem:$0x1980] =	vst v63  }
0x5b: {  	s13 =	simm.s32 $0x980  }
0x5c: {  	[spmem:s2] =	stream.indirect.scatter.add.f32 [tilespmem:s12], [sflag:$0x1], $0x1, s13, s11, $0xb8;
	[tilespmem:$0x1980] =	vst v63  }
0x5d: {  	s13 =	simm.s32 $0xA00  }
0x5e: {  	[spmem:s2] =	stream.indirect.scatter.add.f32 [tilespmem:s12], [sflag:$0x1], $0x1, s13, s11, $0xb8;
	[tilespmem:$0x1980] =	vst v63  }
0x5f: {  	s13 =	simm.s32 $0xA80  }
0x60: {  	[spmem:s2] =	stream.indirect.scatter.add.f32 [tilespmem:s12], [sflag:$0x1], $0x1, s13, s11, $0xb8;
	[tilespmem:$0x1980] =	vst v63  }
0x61: {  	s13 =	simm.s32 $0xB00  }
0x62: {  	[spmem:s2] =	stream.indirect.scatter.add.f32 [tilespmem:s12], [sflag:$0x1], $0x1, s13, s11, $0xb8;
	[tilespmem:$0x1980] =	vst v63  }
0x63: {  	s13 =	simm.s32 $0xB80  }
0x64: {  	[spmem:s2] =	stream.indirect.scatter.add.f32 [tilespmem:s12], [sflag:$0x1], $0x1, s13, s11, $0xb8;
	[tilespmem:$0x1980] =	vst v63  }
0x65: {  	s13 =	simm.s32 $0xC00  }
0x66: {  	[spmem:s2] =	stream.indirect.scatter.add.f32 [tilespmem:s12], [sflag:$0x1], $0x1, s13, s11, $0xb8;
	[tilespmem:$0x1980] =	vst v63  }
0x67: {  	s13 =	simm.s32 $0xC80  }
0x68: {  	[spmem:s2] =	stream.indirect.scatter.add.f32 [tilespmem:s12], [sflag:$0x1], $0x1, s13, s11, $0xb8;
	[tilespmem:$0x1980] =	vst v63  }
0x69: {  	s13 =	simm.s32 $0xD00  }
0x6a: {  	[spmem:s2] =	stream.indirect.scatter.add.f32 [tilespmem:s12], [sflag:$0x1], $0x1, s13, s11, $0xb8;
	[tilespmem:$0x1980] =	vst v63  }
0x6b: {  	s13 =	simm.s32 $0xD80  }
0x6c: {  	[spmem:s2] =	stream.indirect.scatter.add.f32 [tilespmem:s12], [sflag:$0x1], $0x1, s13, s11, $0xb8;
	[tilespmem:$0x1980] =	vst v63  }
0x6d: {  	s13 =	simm.s32 $0xE00  }
0x6e: {  	[spmem:s2] =	stream.indirect.scatter.add.f32 [tilespmem:s12], [sflag:$0x1], $0x1, s13, s11, $0xb8;
	[tilespmem:$0x1980] =	vst v63  }
0x6f: {  	s13 =	simm.s32 $0xE80  }
0x70: {  	[spmem:s2] =	stream.indirect.scatter.add.f32 [tilespmem:s12], [sflag:$0x1], $0x1, s13, s11, $0xb8;
	[tilespmem:$0x1980] =	vst v63  }
0x71: {  	s13 =	simm.s32 $0xF00  }
0x72: {  	[spmem:s2] =	stream.indirect.scatter.add.f32 [tilespmem:s12], [sflag:$0x1], $0x1, s13, s11, $0xb8;
	[tilespmem:$0x1980] =	vst v63  }
0x73: {  	s13 =	simm.s32 $0xF80  }
0x74: {  	[spmem:s2] =	stream.indirect.scatter.add.f32 [tilespmem:s12], [sflag:$0x1], $0x1, s13, s11, $0xb8;
	[tilespmem:$0x1980] =	vst v63  }
0x75: {  	s13 =	simm.s32 $0x1000  }
0x76: {  	[spmem:s2] =	stream.indirect.scatter.add.f32 [tilespmem:s12], [sflag:$0x1], $0x1, s13, s11, $0xb8;
	[tilespmem:$0x1980] =	vst v63  }
0x77: {  	s13 =	simm.s32 $0x1080  }
0x78: {  	[spmem:s2] =	stream.indirect.scatter.add.f32 [tilespmem:s12], [sflag:$0x1], $0x1, s13, s11, $0xb8;
	[tilespmem:$0x1980] =	vst v63  }
0x79: {  	s13 =	simm.s32 $0x1100  }
0x7a: {  	[spmem:s2] =	stream.indirect.scatter.add.f32 [tilespmem:s12], [sflag:$0x1], $0x1, s13, s11, $0xb8;
	[tilespmem:$0x1980] =	vst v63  }
0x7b: {  	_ = 	snop  }
0x7c: {  	[spmem:s2] =	stream.indirect.scatter.add.f32 [tilespmem:s12], [sflag:$0x1], $0x1, s14, s11, $0xb8;
	[tilespmem:$0x1980] =	vst v63  }
0x7d: {  	_ = 	snop  }
0x7e: {  	[spmem:s2] =	stream.indirect.scatter.add.f32 [tilespmem:s12], [sflag:$0x1], $0x1, s15, s11, $0xb8;
	[tilespmem:$0x1980] =	vst v63  }
0x7f: {  	_ = 	snop  }
0x80: {  	[spmem:s2] =	stream.indirect.scatter.add.f32 [tilespmem:s12], [sflag:$0x1], $0x1, s16, s11, $0xb8;
	[tilespmem:$0x1980] =	vst v63  }
0x81: {  	_ = 	snop  }
0x82: {  	[spmem:s2] =	stream.indirect.scatter.add.f32 [tilespmem:s12], [sflag:$0x1], $0x1, s17, s11, $0xb8;
	[tilespmem:$0x1980] =	vst v63  }
0x83: {  	_ = 	snop  }
0x84: {  	[spmem:s2] =	stream.indirect.scatter.add.f32 [tilespmem:s12], [sflag:$0x1], $0x1, s18, s11, $0xb8;
	[tilespmem:$0x1980] =	vst v63  }
0x85: {  	_ = 	snop  }
0x86: {  	[spmem:s2] =	stream.indirect.scatter.add.f32 [tilespmem:s12], [sflag:$0x1], $0x1, s19, s11, $0xb8;
	[tilespmem:$0x1980] =	vst v63  }
0x87: {  	_ = 	snop  }
0x88: {  	[spmem:s2] =	stream.indirect.scatter.add.f32 [tilespmem:s12], [sflag:$0x1], $0x1, s20, s11, $0xb8;
	[tilespmem:$0x1980] =	vst v63  }
0x89: {  	_ = 	snop  }
0x8a: {  	[spmem:s2] =	stream.indirect.scatter.add.f32 [tilespmem:s12], [sflag:$0x1], $0x1, s21, s11, $0xb8;
	[tilespmem:$0x1980] =	vst v63  }
0x8b: {  	_ = 	snop  }
0x8c: {  	[spmem:s2] =	stream.indirect.scatter.add.f32 [tilespmem:s12], [sflag:$0x1], $0x1, s22, s11, $0xb8;
	[tilespmem:$0x1980] =	vst v63  }
0x8d: {  	_ = 	snop  }
0x8e: {  	[spmem:s2] =	stream.indirect.scatter.add.f32 [tilespmem:s12], [sflag:$0x1], $0x1, s23, s11, $0xb8;
	[tilespmem:$0x1980] =	vst v63  }
0x8f: {  	_ = 	snop  }
0x90: {  	[spmem:s2] =	stream.indirect.scatter.add.f32 [tilespmem:s12], [sflag:$0x1], $0x1, s24, s11, $0xb8;
	[tilespmem:$0x1980] =	vst v63  }
0x91: {  	_ = 	snop  }
0x92: {  	[spmem:s2] =	stream.indirect.scatter.add.f32 [tilespmem:s12], [sflag:$0x1], $0x1, s25, s11, $0xb8;
	[tilespmem:$0x1980] =	vst v63  }
0x93: {  	_ = 	snop  }
0x94: {  	[spmem:s2] =	stream.indirect.scatter.add.f32 [tilespmem:s12], [sflag:$0x1], $0x1, s26, s11, $0xb8;
	[tilespmem:$0x1980] =	vst v63  }
0x95: {  	_ = 	snop  }
0x96: {  	[spmem:s2] =	stream.indirect.scatter.add.f32 [tilespmem:s12], [sflag:$0x1], $0x1, s28, s11, $0xb8;
	[tilespmem:$0x1980] =	vst v63  }
0x97: {  	_ = 	snop  }
0x98: {  	[spmem:s2] =	stream.indirect.scatter.add.f32 [tilespmem:s12], [sflag:$0x1], $0x1, s29, s11, $0xb8;
	[tilespmem:$0x1980] =	vst v63  }
0x99: {  	_ = 	snop  }
0x9a: {  	[spmem:s2] =	stream.indirect.scatter.add.f32 [tilespmem:s12], [sflag:$0x1], $0x1, s30, s11, $0xb8;
	[tilespmem:$0x1980] =	vst v63  }
0x9b: {  	_ =	swait.ge [sflag:s31], $0x80  }
0x9c: {  	s10 =	simm.s32 $0x27;
	[sflag:s31] =	ssyncset.done $0x0  }
.LBB2_2:
0x9d: {  	p0 =	sne.s32 s10, $0x1;
	s10 =	sadd.s32 $0xFFFFFFFF, s10;
	[sflag:s31] =	ssyncadd.s32 $0xFFFFFF80  }
.Ltmp0:
0x9e: {  	(pc) =	sbr.rel @p0 .LBB2_2-.Ltmp0, $3  }
0x9f: {  	_ =	sdelay $0x1  }
0xa0: {  	_ =	swait.ge [sflag:s31], $0x80  }
0xa1: {  	[sflag:s31] =	ssyncset.done $0x0  }
0xa2: {  	[sflag:s31] =	ssyncadd.s32 $0xFFFFFF80;
	s10 =	stileid.u32;
	s1 =	sadd.s32 $0x1, s1  }
0xa3: {  	s13 =	sshrl.u32 s5, $0x3;
	s10 =	sshll.u32 s10, $0x6;
	p0 =	sne.s32 s1, s7  }
.Ltmp1:
0xa4: {  	[bflag:$0x0] =	sbarrier.arrive $0xFFFF;
	s10 =	sor.u32 $0x1C02, s10;
	(pc) =	sbr.rel @p0 .LBB2_1-.Ltmp1, $4  }
0xa5: {  	[hbm:s6@s0], [sflag:s10] =	dma.strided [spmem:s13@s3], $0x50, s31, $0x10   }
0xa6: {  	_ =	swait.ge [sflag:s9], $0x50  }
0xa7: {  	[sflag:s9] =	ssyncset.done $0x0  }
0xa8: {  	[sflag:s9] =	ssyncadd.s32 $0xFFFFFFB0  }
0xa9: {  	_ =	sfence.sel $0x180000  }
0xaa: {  	[bflag:$0x0] =	sbarrier.arrive $0xFFFF  }
0xab: {  	_ =	strace $0x90000047  }
0xac: {  	s0 =	stileid.u32;
	[bflag:$0x2] =	sbarrier.arrive $0xFFFF  }
0xad: {  	p0 =	sne.s32 s0, $0x0;
	s0 =	rddreg [dreg:$0x3]  }
0xae: {  	s0 =	sadd.s32 @!p0 $0x100000, s0  }
0xaf: {  	[sflag:s0] =	ssyncadd.tile.s32 @!p0 $0x1;
	_ =	shalt  }
.Lfunc_end2:
_tile_overlayer_lowered:
.L_overlay_start_2:
0xb0: {  	(tag) =	ssettag $0x2  }
0xb1: {  	s0 =	rddreg [dreg:$0x0];
	s2 =	stileid.u32  }
0xb2: {  	s1 =	rddreg [dreg:$0x1];
	p0 =	sne.s32 s2, $0x0  }
0xb3: {  	s3 =	rddreg [dreg:$0x2];
	[bflag:$0x3] =	sbarrier.arrive $0xFFFF;
	s2 =	simm.s32 @!p0 $0x1C02  }
0xb4: {  	[timem:s3], [sflag:s2] =	dma.local @!p0 [hbm:s0], s1  }
0xb5: {  	s0 =	simm.s32 @!p0 $0x2  }
0xb6: {  	_ =	swait.ge @!p0 [sflag:s0], s1  }
0xb7: {  	s1 =	ssub.s32 @!p0 $0x0, s1;
	[sflag:s0] =	ssyncset.done @!p0 $0x0  }
0xb8: {  	[sflag:s0] =	ssyncadd.s32 @!p0 s1  }
0xb9: {  	[bflag:$0x3] =	sbarrier.arrive $0xFFFF  }
0xba: {  	_ =	shalt  }

// kernel: kernel.9.cloned.1.call-start
scs
__scs_entry_jumppad:
0x0: {  	(pc) =	sbr.rel $0x88, $3  }
0x1: {  	(tag) =	ssettag $0x0;
	lr =	simm.s32 $0x1  }
0x2: {  	[smem:$0x3F9C] =	sst lr;
	_ =	strace $0xD0000000  }
0x3: {  	_ = 	snop  }
0x4: {  	_ = 	snop  }
0x5: {  	_ = 	snop  }
0x6: {  	_ = 	snop  }
0x7: {  	_ = 	snop  }
__scs_overlays_trampoline_lowered:
0x8: {  	[smem:$0x3FAB] =	sst s0  }
0x9: {  	[smem:$0x3FAC] =	sst s1  }
0xa: {  	[smem:$0x3FAD] =	sst s2  }
0xb: {  	[smem:$0x3FAE] =	sst s3  }
0xc: {  	[smem:$0x3FAF] =	sst s4  }
0xd: {  	[smem:$0x3FB0] =	sst s5  }
0xe: {  	[smem:$0x3FB1] =	sst s6  }
0xf: {  	[smem:$0x3FB2] =	sst s7  }
0x10: {  	[smem:$0x3FB3] =	sst s8  }
0x11: {  	[smem:$0x3FB4] =	sst s9;
	s0 =	simm.s32 @!p0 $0x0  }
0x12: {  	s1 =	sld [smem:$0x3F9A];
	s0 =	simm.s32 @p0 $0x1  }
0x13: {  	[smem:$0x3FB5] =	sst s0;
	s0 =	simm.s32 @!p1 $0x0  }
0x14: {  	s2 =	sld [smem:$0x3F99];
	s0 =	simm.s32 @p1 $0x1  }
0x15: {  	[smem:$0x3FB6] =	sst s0;
	s0 =	simm.s32 @!p2 $0x0  }
0x16: {  	s3 =	sld [smem:$0x3FDB];
	s0 =	simm.s32 @p2 $0x1  }
0x17: {  	s4 =	simm.s32 $0x1BF5;
	[smem:$0x3FB8] =	sst s0  }
0x18: {  	s0 =	sld [smem:$0x3F9B];
	_ =	swait.ge [sflag:s4], $0x0  }
0x19: {  	s7 =	sld [smem:$0x3F9C]  }
0x1a: {  	s8 =	sadd.s32 $0xFFFFE003, lr  }
0x1b: {  	s9 =	sadd.s32 $0xFFFFFEF7, lr;
	s5 =	simm.s32 $0xFFFFFFFF;
	p2 =	slt.u32 s8, $0xFFFFF086  }
0x1c: {  	p1 =	slt.u32 s9, $0xF7A;
	s5 =	simm.s32 @!p2 $0x0  }
0x1d: {  	s5 =	simm.s32 @p1 $0x1;
	p0 =	seq.s32 s7, s2  }
0x1e: {  	s7 =	smul.u32 @!p0 $0xF7A, s2;
	p2 =	seq.s32 @!p0 s5, $0x0  }
0x1f: {  	s9 =	smul.u32 $0xF7A, s1;
	s8 =	simm.s32 @!p0 $0x1BF5;
	p2 =	por !p2, p0  }
0x20: {  	[sflag:s8] =	ssyncset.s32 @!p0 $0xFFFFF086;
	s6 =	sadd.s32 @!p0 s3, s7;
	s7 =	simm.s32 @!p0 $0x108  }
0x21: {  	s3 =	sadd.s32 s3, s9;
	s6 =	sadd.s32 @!p0 $0x88, s6;
	s7 =	simm.s32 @p2 $0x1082  }
0x22: {  	[simem:s7], [sflag:s8] =	dma.local @!p0 [hbm:s6], $0xF7A  }
0x23: {  	s9 =	sor.u32 $0xD0000000, s2;
	s6 =	simm.s32 $0x108;
	_ =	swait.ge @!p0 [sflag:s8], $0x0  }
0x24: {  	s3 =	sadd.s32 $0x88, s3;
	s6 =	simm.s32 @!p1 $0x1082;
	[sflag:s4] =	ssyncset.s32 $0xFFFFF086  }
0x25: {  	[simem:s6], [sflag:s4] =	dma.local [hbm:s3], $0xF7A  }
0x26: {  	[smem:$0x3F9C] =	sst s1;
	(tag) =	ssettag s2;
	_ =	strace s9  }
0x27: {  	s1 =	sld [smem:$0x3FAC]  }
0x28: {  	s2 =	sld [smem:$0x3FAD]  }
0x29: {  	s4 =	sld [smem:$0x3FAF]  }
0x2a: {  	p0 =	seq.s32 s5, $0x0;
	s5 =	sld [smem:$0x3FB0]  }
0x2b: {  	s6 =	sld [smem:$0x3FB1]  }
0x2c: {  	s7 =	sld [smem:$0x3FB2]  }
0x2d: {  	s3 =	simm.s32 $0x108;
	s8 =	sld [smem:$0x3FB3]  }
0x2e: {  	s3 =	simm.s32 @!p0 $0x1082;
	s9 =	sld [smem:$0x3FB4]  }
0x2f: {  	lr =	sadd.s32 s0, s3;
	s0 =	sld [smem:$0x3FAB]  }
0x30: {  	s3 =	sld [smem:$0x3FAE]  }
0x31: {  	[smem:$0x3FB7] =	sst s10  }
0x32: {  	s10 =	sld [smem:$0x3FB5];
	_ =	sdelay $0x3  }
0x33: {  	p0 =	seq.s32 s10, $0x1;
	s10 =	sld [smem:$0x3FB7];
	_ =	sdelay $0x3  }
0x34: {  	[smem:$0x3FB7] =	sst s10  }
0x35: {  	s10 =	sld [smem:$0x3FB6];
	_ =	sdelay $0x3  }
0x36: {  	p1 =	seq.s32 s10, $0x1;
	s10 =	sld [smem:$0x3FB7];
	_ =	sdelay $0x3  }
0x37: {  	[smem:$0x3FB7] =	sst s10  }
0x38: {  	s10 =	sld [smem:$0x3FB8]  }
0x39: {  	_ = 	snop;
	(pc) =	sbr.ind lr, $3  }
0x3a: {  	_ = 	snop  }
0x3b: {  	_ = 	snop  }
0x3c: {  	p2 =	seq.s32 s10, $0x1;
	s10 =	sld [smem:$0x3FB7]  }
0x3d: {  	_ =	shalt  }
0x3e: {  	_ =	shalt  }
0x3f: {  	_ =	shalt  }
0x40: {  	_ =	shalt  }
0x41: {  	_ =	shalt  }
0x42: {  	_ =	shalt  }
0x43: {  	_ =	shalt  }
0x44: {  	_ =	shalt  }
0x45: {  	_ =	shalt  }
0x46: {  	_ =	shalt  }
0x47: {  	_ =	shalt  }
0x48: {  	_ =	shalt  }
0x49: {  	_ =	shalt  }
0x4a: {  	_ =	shalt  }
0x4b: {  	_ =	shalt  }
0x4c: {  	_ =	shalt  }
0x4d: {  	_ =	shalt  }
0x4e: {  	_ =	shalt  }
0x4f: {  	_ =	shalt  }
0x50: {  	_ =	shalt  }
0x51: {  	_ =	shalt  }
0x52: {  	_ =	shalt  }
0x53: {  	_ =	shalt  }
0x54: {  	_ =	shalt  }
0x55: {  	_ =	shalt  }
0x56: {  	_ =	shalt  }
0x57: {  	_ =	shalt  }
0x58: {  	_ =	shalt  }
0x59: {  	_ =	shalt  }
0x5a: {  	_ =	shalt  }
0x5b: {  	_ =	shalt  }
0x5c: {  	_ =	shalt  }
0x5d: {  	_ =	shalt  }
0x5e: {  	_ =	shalt  }
0x5f: {  	_ =	shalt  }
0x60: {  	_ =	shalt  }
0x61: {  	_ =	shalt  }
0x62: {  	_ =	shalt  }
0x63: {  	_ =	shalt  }
0x64: {  	_ =	shalt  }
0x65: {  	_ =	shalt  }
0x66: {  	_ =	shalt  }
0x67: {  	_ =	shalt  }
0x68: {  	_ =	shalt  }
0x69: {  	_ =	shalt  }
0x6a: {  	_ =	shalt  }
0x6b: {  	_ =	shalt  }
0x6c: {  	_ =	shalt  }
0x6d: {  	_ =	shalt  }
0x6e: {  	_ =	shalt  }
0x6f: {  	_ =	shalt  }
0x70: {  	_ =	shalt  }
0x71: {  	_ =	shalt  }
0x72: {  	_ =	shalt  }
0x73: {  	_ =	shalt  }
0x74: {  	_ =	shalt  }
0x75: {  	_ =	shalt  }
0x76: {  	_ =	shalt  }
0x77: {  	_ =	shalt  }
0x78: {  	_ =	shalt  }
0x79: {  	_ =	shalt  }
0x7a: {  	_ =	shalt  }
0x7b: {  	_ =	shalt  }
0x7c: {  	_ =	shalt  }
0x7d: {  	_ =	shalt  }
0x7e: {  	_ =	shalt  }
0x7f: {  	_ =	shalt  }
0x80: {  	_ =	shalt  }
0x81: {  	_ =	shalt  }
0x82: {  	_ =	shalt  }
0x83: {  	_ =	shalt  }
0x84: {  	_ =	shalt  }
0x85: {  	_ =	shalt  }
0x86: {  	_ =	shalt  }
0x87: {  	_ =	shalt  }
.Lfunc_end0:
.L_simem_size_0:
called_computation.1_lowered:
.L_overlay_start_0:
0x88: {  	s2 =	sld [smem:$0x3FD9]  }
0x89: {  	s3 =	sld [smem:$0x3FFE];
	_ =	sdelay $0x1  }
0x8a: {  	s1 =	srdreg.scid  }
0x8b: {  	s0 =	sand.u32 $0x1, s1  }
0x8c: {  	s16 =	sshll.u32 s0, $0xA;
	s2 =	sadd.s32 s3, s2  }
0x8d: {  	s2 =	sadd.s32 s2, s16  }
0x8e: {  	[smem:$0x3FC3] =	sst s2  }
0x8f: {  	_ = 	snop  }
0x90: {  	(tm) =	ssettm $0x1  }
0x91: {  	s17 =	sld [smem:$0x3FFB];
	_ =	sdelay $0x3  }
0x92: {  	_ =	strace s17  }
0x93: {  	s2 =	sld [smem:$0x3FFC];
	_ =	sdelay $0x3  }
0x94: {  	_ =	strace s2  }
0x95: {  	s2 =	sld [smem:$0x3FFD];
	_ =	sdelay $0x3  }
0x96: {  	_ =	strace s2  }
0x97: {  	_ =	strace $0x8FFFFFFF  }
0x98: {  	s18 =	sld [smem:$0x3FDB];
	_ =	sdelay $0x1  }
0x99: {  	s19 =	simm.s32 $_scs_section_size  }
0x9a: {  	s4 =	simm.s32 $_size__tile_overlayer_lowered;
	s5 =	simm.s32 $_tile_overlayer_lowered  }
0x9b: {  	s22 =	simm.s32 $0x1BFF;
	s21 =	sshll.u32 s5, $0x1;
	s2 =	sadd.s32 s19, s18  }
0x9c: {  	s6 =	simm.s32 $0x0;
	s20 =	sshll.u32 s4, $0x1;
	s4 =	sadd.s32 s21, s2  }
0x9d: {  	[timem:s6], [sflag:s22] =	dma.local [hbm:s4], s20  }
0x9e: {  	_ =	swait.ge [sflag:s22], s20  }
0x9f: {  	s3 =	ssub.s32 $0x0, s20;
	[sflag:s22] =	ssyncset.done $0x0  }
0xa0: {  	[sflag:s22] =	ssyncadd.s32 s3;
	_ =	sdelay $0x1  }
0xa1: {  	s23 =	simm.s32 $0x1B8B  }
0xa2: {  	_ =	swait.ge [sflag:s23], $0x1  }
0xa3: {  	[sflag:s23] =	ssyncset.done $0x0  }
0xa4: {  	s25 =	simm.s32 $0x1B8E;
	s24 =	sld [smem:$0x3FFE];
	[sflag:s23] =	ssyncadd.s32 $0xFFFFFFFF  }
0xa5: {  	s26 =	simm.s32 $execute0_lowered;
	[smem:$0x3FD2] =	sst s25  }
0xa6: {  	s4 =	sshll.u32 s26, $0x1;
	_ =	strace $0x80000049;
	[dreg:$0x1] =	wrdreg $0xFFFFFFFF  }
0xa7: {  	s28 =	simm.s32 $_size_execute0_lowered;
	s2 =	sadd.s32 s2, s4;
	[dreg:$0x0] =	wrdreg $0x0  }
0xa8: {  	s4 =	sshll.u32 s28, $0x1;
	[dreg:$0x2] =	wrdreg s2  }
0xa9: {  	[dreg:$0x3] =	wrdreg s4  }
0xaa: {  	[dreg:$0x4] =	wrdreg $0xC0  }
0xab: {  	_ =	task [dreg:s6], $0x5FFFF  }
0xac: {  	[dreg:$0x1] =	wrdreg $0xFFFFFFFF  }
0xad: {  	[dreg:$0x0] =	wrdreg $0x60  }
0xae: {  	[dreg:$0x2] =	wrdreg s24  }
0xaf: {  	[dreg:$0x3] =	wrdreg $0x0  }
0xb0: {  	[dreg:$0x4] =	wrdreg $0x9  }
0xb1: {  	_ =	task.clear_ibuf [dreg:s6], $0x5FFFF;
	_ =	strace $0x90000049  }
0xb2: {  	s29 =	simm.s32 $0x9;
	_ =	strace $0x8000004B  }
0xb3: {  	_ =	swait.ge [sflag:s29], $0x1  }
0xb4: {  	[sflag:s29] =	ssyncadd.s32 $0xFFFFFFFF  }
0xb5: {  	_ =	strace $0x9000004B  }
0xb6: {  	_ =	sfence  }
0xb7: {  	s30 =	sld [smem:$0x0];
	_ =	sdelay $0x2  }
0xb8: {  	s31 =	sshll.u32 s1, $0xD;
	s1 =	sshrl.u32 s1, $0x2  }
0xb9: {  	s3 =	sand.u32 $0x4000, s31;
	s1 =	sadd.s32 s1, s30  }
0xba: {  	s0 =	sor.u32 s3, s0;
	s1 =	sshll.u32 s1, $0x11  }
0xbb: {  	s0 =	sor.u32 s1, s0  }
0xbc: {  	s0 =	sadd.s32 $0x8F2B, s0  }
0xbd: {  	[sflag:s0] =	ssyncadd.remote.s32 $0x1  }
0xbe: {  	_ =	sfence.sel $0xFFFF  }
0xbf: {  	[dreg:$0x0] =	wrdreg $0xFFFFFFFF;
	(pc) =	sbr.abs _section_cstart, $3  }
0xc0: {  	[dreg:$0x1] =	wrdreg $0xFFFFFFFF  }
0xc1: {  	_ =	task.clear_ibuf [dreg:s6], $0x2FFFF;
	_ =	strace $0x9FFFFFFF  }
0xc2: {  	(tm) =	ssettm $0x7FFFFFFF  }
0xc3: {  	_ =	shalt  }
tec
execute0_lowered:
.L_overlay_start_1:
0x0: {  	(tag) =	ssettag $0x1  }
0x1: {  	s0 =	rddreg [dreg:$0x0]  }
0x2: {  	s1 =	rddreg [dreg:$0x1];
	s22 =	stileid.u32  }
0x3: {  	s2 =	simm.s32 $0x0;
	s3 =	srdreg.scid;
	s6 =	smul.u32 $0x280, s22  }
0x4: {  	[smem:$0x7FF] =	sst s2;
	s4 =	sadd.s32 $0x5AE00, s0;
	s11 =	smul.u32 $0x2800, s22  }
0x5: {  	s5 =	sadd.s32 $0x5E00, s0;
	s3 =	sand.u32 $0x1, s3;
	s14 =	smul.u32 $0x14000, s22  }
0x6: {  	s7 =	sadd.s32 $0xE00, s0;
	s0 =	sadd.s32 $0xA9000, s0;
	s17 =	smul.u32 $0x500, s22  }
0x7: {  	p0 =	seq.s32 s22, $0xF;
	s30 =	sadd.s32 $0x138000, s1;
	s10 =	smul.u32 $0x138800, s3  }
0x8: {  	_ =	strace $0x8000004A;
	s8 =	ssub.s32 $0x2, s3;
	s13 =	smul.u32 $0x27100, s3  }
0x9: {  	[dreg:$0x1a] =	wrdreg s30;
	s9 =	sshrl.u32 s8, $0x1;
	s11 =	sshrl.u32 s11, $0x3  }
0xa: {  	s15 =	sadd.s32 $0x100, s6;
	s16 =	sadd.s32 $0x180, s6;
	s21 =	sadd.s32 $0x200, s6  }
0xb: {  	s8 =	ssub.s32 s8, s9;
	s12 =	sshrl.u32 s10, $0x3;
	s9 =	smul.u32 $0x2710, s3  }
0xc: {  	s13 =	sadd.s32 s13, s4;
	s23 =	sadd.s32 s5, s11;
	s11 =	sadd.s32 s7, s11  }
0xd: {  	s19 =	sshll.u32 s15, $0x7;
	s20 =	sshll.u32 s16, $0x7;
	s14 =	sadd.s32 s10, s14  }
0xe: {  	s5 =	sadd.s32 s17, s5;
	s7 =	sadd.s32 s17, s7;
	s17 =	sshll.u32 s21, $0x7  }
0xf: {  	s3 =	sadd.s32 $0x25800, s12;
	[dreg:$0x5] =	wrdreg s11;
	s11 =	sadd.s32 s0, s12  }
0x10: {  	s12 =	sadd.s32 $0x80, s6;
	[dreg:$0x3] =	wrdreg s5;
	s14 =	sshrl.u32 s14, $0x3  }
0x11: {  	s24 =	sadd.s32 s10, s19;
	s25 =	sadd.s32 s10, s20;
	s31 =	sadd.s32 s19, s1  }
0x12: {  	[dreg:$0x4] =	wrdreg s23;
	s18 =	sshll.u32 s12, $0x7;
	s14 =	sadd.s32 s0, s14  }
0x13: {  	s26 =	sshrl.u32 s25, $0x3;
	s25 =	sadd.s32 $0x26000, s11;
	[dreg:$0x1b] =	wrdreg s31  }
0x14: {  	s28 =	sadd.s32 s10, s18;
	[dreg:$0x6] =	wrdreg s14;
	s10 =	sadd.s32 s10, s17  }
0x15: {  	s14 =	sadd.s32 $0x26800, s13;
	[dreg:$0x10] =	wrdreg s25;
	s5 =	sshrl.u32 s28, $0x3  }
0x16: {  	s10 =	sshrl.u32 s10, $0x3;
	[dreg:$0xe] =	wrdreg s14;
	s5 =	sadd.s32 s0, s5  }
0x17: {  	s19 =	simm.s32 $0x18000;
	s28 =	sadd.s32 s0, s10;
	[dreg:$0x7] =	wrdreg s5  }
0x18: {  	s15 =	sadd.s32 s9, s15;
	s10 =	sadd.s32 $0x26000, s13;
	[dreg:$0xa] =	wrdreg s28  }
0x19: {  	s5 =	sshrl.u32 s24, $0x3;
	[dreg:$0xd] =	wrdreg s10;
	s24 =	sadd.s32 $0x27000, s13  }
0x1a: {  	s16 =	sadd.s32 s9, s16;
	s28 =	sadd.s32 $0x27000, s11;
	[dreg:$0xf] =	wrdreg s24  }
0x1b: {  	s29 =	sadd.s32 s18, s1;
	s10 =	smax.u32 s8, $0x1;
	[dreg:$0x12] =	wrdreg s28  }
0x1c: {  	s18 =	sshll.u32 s16, $0x4;
	s5 =	sadd.s32 s0, s5;
	[dreg:$0x13] =	wrdreg s10  }
0x1d: {  	s25 =	sadd.s32 s9, s21;
	s28 =	sadd.s32 $0x10, s23;
	[dreg:$0x8] =	wrdreg s5  }
0x1e: {  	s16 =	simm.s32 $0x1;
	s5 =	sadd.s32 s0, s26;
	[dreg:$0x1c] =	wrdreg s28  }
0x1f: {  	s21 =	simm.s32 $0x2;
	s0 =	sadd.s32 s0, s3;
	[dreg:$0x9] =	wrdreg s5  }
0x20: {  	s26 =	sadd.s32 $0x26800, s11;
	s11 =	sadd.s32 s9, s12;
	[dreg:$0xb] =	wrdreg s0  }
0x21: {  	s5 =	sadd.s32 s4, s3;
	[dreg:$0x11] =	wrdreg s26;
	s3 =	sadd.s32 s9, s6  }
0x22: {  	s6 =	smul.u32 $0x50000, s22;
	s13 =	sshll.u32 s11, $0x4;
	s26 =	sshll.u32 s25, $0x4  }
0x23: {  	s25 =	sadd.s32 s20, s1;
	s20 =	simm.s32 $0x7;
	s22 =	simm.s32 $0x8  }
0x24: {  	[dreg:$0xc] =	wrdreg s5;
	s0 =	sshll.u32 s3, $0x4;
	s14 =	sadd.s32 s4, s13  }
0x25: {  	s3 =	sadd.s32 $0x130000, s1;
	s5 =	sadd.s32 $0x134000, s1;
	s13 =	simm.s32 $0x80  }
0x26: {  	s0 =	sadd.s32 s4, s0;
	s12 =	sshrl.u32 s6, $0x2;
	[dreg:$0x15] =	wrdreg s14  }
0x27: {  	s6 =	sadd.s32 $0x12C000, s1;
	s14 =	simm.s32 $0x14000;
	[dreg:$0x19] =	wrdreg s5  }
0x28: {  	[dreg:$0x14] =	wrdreg s0;
	s24 =	sadd.s32 s12, s1;
	s0 =	sshll.u32 s15, $0x4  }
0x29: {  	s12 =	simm.s32 $0x1C100;
	s15 =	simm.s32 $0x1C080;
	s0 =	sadd.s32 s4, s0  }
0x2a: {  	[dreg:$0x16] =	wrdreg s0;
	s0 =	sadd.s32 s4, s18;
	s18 =	simm.s32 $0x1C180  }
0x2b: {  	[dreg:$0x17] =	wrdreg s0;
	s0 =	sadd.s32 s4, s26;
	s26 =	simm.s32 $0x0  }
0x2c: {  	v0 =	vmov s9;
	[dreg:$0x18] =	wrdreg s0;
	s0 =	sadd.s32 s17, s1;
	s17 =	simm.s32 $0x6  }
.LBB2_1:
0x2d: {  	s9 =	simm.s32 @p0 $0x0;
	s10 =	simm.s32 @p0 $0x14000;
	s11 =	rddreg [dreg:$0xc]  }
0x2e: {  	[tilespmem:s10], [sflag:$0x9] =	stream.linear.gather @p0 [hbm4b:s11+s9], $0x4000, $0x38;
	[tilespmem:$0x1C200] =	vst v63  }
0x2f: {  	s11 =	simm.s32 @p0 $0x9  }
0x30: {  	_ =	swait.ge @p0 [sflag:s11], $0x4000  }
0x31: {  	[sflag:s11] =	ssyncset.done @p0 $0x0  }
0x32: {  	[sflag:s11] =	ssyncadd.s32 @p0 $0xFFFFC000  }
0x33: {  	[spmem:s6] =	stream.linear.scatter @p0 [tilespmem:s10], [sflag:$0x9], $0x4000, $0x38;
	[tilespmem:$0x1C200] =	vst v63  }
0x34: {  	_ =	swait.ge @p0 [sflag:s11], $0x4000  }
0x35: {  	[sflag:s11] =	ssyncset.done @p0 $0x0  }
0x36: {  	s23 =	rddreg [dreg:$0xd];
	[sflag:s11] =	ssyncadd.s32 @p0 $0xFFFFC000  }
0x37: {  	[tilespmem:s10], [sflag:$0x9] =	stream.linear.gather @p0 [hbm4b:s23+s9], $0x4000, $0x38;
	[tilespmem:$0x1C200] =	vst v63  }
0x38: {  	_ =	swait.ge @p0 [sflag:s11], $0x4000  }
0x39: {  	[sflag:s11] =	ssyncset.done @p0 $0x0  }
0x3a: {  	[sflag:s11] =	ssyncadd.s32 @p0 $0xFFFFC000  }
0x3b: {  	[spmem:s3] =	stream.linear.scatter @p0 [tilespmem:s10], [sflag:$0x9], $0x4000, $0x38;
	[tilespmem:$0x1C200] =	vst v63  }
0x3c: {  	_ =	swait.ge @p0 [sflag:s11], $0x4000  }
0x3d: {  	[sflag:s11] =	ssyncset.done @p0 $0x0  }
0x3e: {  	s23 =	rddreg [dreg:$0xe];
	[sflag:s11] =	ssyncadd.s32 @p0 $0xFFFFC000  }
0x3f: {  	[tilespmem:s10], [sflag:$0x9] =	stream.linear.gather @p0 [hbm4b:s23+s9], $0x4000, $0x38;
	[tilespmem:$0x1C200] =	vst v63  }
0x40: {  	_ =	swait.ge @p0 [sflag:s11], $0x4000  }
0x41: {  	[sflag:s11] =	ssyncset.done @p0 $0x0  }
0x42: {  	s28 =	smov.u32 s5;
	[sflag:s11] =	ssyncadd.s32 @p0 $0xFFFFC000  }
0x43: {  	[spmem:s28] =	stream.linear.scatter @p0 [tilespmem:s10], [sflag:$0x9], $0x4000, $0x38;
	[tilespmem:$0x1C200] =	vst v63  }
0x44: {  	_ =	swait.ge @p0 [sflag:s11], $0x4000  }
0x45: {  	[sflag:s11] =	ssyncset.done @p0 $0x0  }
0x46: {  	s23 =	rddreg [dreg:$0xf];
	[sflag:s11] =	ssyncadd.s32 @p0 $0xFFFFC000  }
0x47: {  	[tilespmem:s10], [sflag:$0x9] =	stream.linear.gather @p0 [hbm4b:s23+s9], $0x800, $0x38;
	[tilespmem:$0x1C200] =	vst v63  }
0x48: {  	_ =	swait.ge @p0 [sflag:s11], $0x800  }
0x49: {  	[sflag:s11] =	ssyncset.done @p0 $0x0  }
0x4a: {  	[sflag:s11] =	ssyncadd.s32 @p0 $0xFFFFF800  }
0x4b: {  	[spmem:s30] =	stream.linear.scatter @p0 [tilespmem:s10], [sflag:$0x9], $0x800, $0x38;
	[tilespmem:$0x1C200] =	vst v63  }
0x4c: {  	_ =	swait.ge @p0 [sflag:s11], $0x800  }
0x4d: {  	s9 =	simm.s32 @!p0 $0x0;
	[sflag:s11] =	ssyncset.done @p0 $0x0  }
0x4e: {  	s10 =	simm.s32 @!p0 $0x14000;
	[sflag:s11] =	ssyncadd.s32 @p0 $0xFFFFF800;
	s11 =	rddreg [dreg:$0x14]  }
0x4f: {  	[tilespmem:s10], [sflag:$0x9] =	stream.linear.gather @!p0 [hbm4b:s11+s9], $0x4000, $0x38;
	[tilespmem:$0x1C200] =	vst v63  }
0x50: {  	s11 =	simm.s32 @!p0 $0x9  }
0x51: {  	_ =	swait.ge @!p0 [sflag:s11], $0x4000  }
0x52: {  	[sflag:s11] =	ssyncset.done @!p0 $0x0  }
0x53: {  	[sflag:s11] =	ssyncadd.s32 @!p0 $0xFFFFC000  }
0x54: {  	[spmem:s24] =	stream.linear.scatter @!p0 [tilespmem:s10], [sflag:$0x9], $0x4000, $0x38;
	[tilespmem:$0x1C200] =	vst v63  }
0x55: {  	_ =	swait.ge @!p0 [sflag:s11], $0x4000  }
0x56: {  	[sflag:s11] =	ssyncset.done @!p0 $0x0  }
0x57: {  	s23 =	rddreg [dreg:$0x15];
	[sflag:s11] =	ssyncadd.s32 @!p0 $0xFFFFC000  }
0x58: {  	[tilespmem:s10], [sflag:$0x9] =	stream.linear.gather @!p0 [hbm4b:s23+s9], $0x4000, $0x38;
	[tilespmem:$0x1C200] =	vst v63  }
0x59: {  	_ =	swait.ge @!p0 [sflag:s11], $0x4000  }
0x5a: {  	[sflag:s11] =	ssyncset.done @!p0 $0x0  }
0x5b: {  	[sflag:s11] =	ssyncadd.s32 @!p0 $0xFFFFC000  }
0x5c: {  	[spmem:s29] =	stream.linear.scatter @!p0 [tilespmem:s10], [sflag:$0x9], $0x4000, $0x38;
	[tilespmem:$0x1C200] =	vst v63  }
0x5d: {  	_ =	swait.ge @!p0 [sflag:s11], $0x4000  }
0x5e: {  	[sflag:s11] =	ssyncset.done @!p0 $0x0  }
0x5f: {  	s23 =	rddreg [dreg:$0x16];
	[sflag:s11] =	ssyncadd.s32 @!p0 $0xFFFFC000  }
0x60: {  	[tilespmem:s10], [sflag:$0x9] =	stream.linear.gather @!p0 [hbm4b:s23+s9], $0x4000, $0x38;
	[tilespmem:$0x1C200] =	vst v63  }
0x61: {  	_ =	swait.ge @!p0 [sflag:s11], $0x4000  }
0x62: {  	[sflag:s11] =	ssyncset.done @!p0 $0x0  }
0x63: {  	[sflag:s11] =	ssyncadd.s32 @!p0 $0xFFFFC000  }
0x64: {  	[spmem:s31] =	stream.linear.scatter @!p0 [tilespmem:s10], [sflag:$0x9], $0x4000, $0x38;
	[tilespmem:$0x1C200] =	vst v63  }
0x65: {  	_ =	swait.ge @!p0 [sflag:s11], $0x4000  }
0x66: {  	[sflag:s11] =	ssyncset.done @!p0 $0x0  }
0x67: {  	s23 =	rddreg [dreg:$0x17];
	[sflag:s11] =	ssyncadd.s32 @!p0 $0xFFFFC000  }
0x68: {  	[tilespmem:s10], [sflag:$0x9] =	stream.linear.gather @!p0 [hbm4b:s23+s9], $0x4000, $0x38;
	[tilespmem:$0x1C200] =	vst v63  }
0x69: {  	_ =	swait.ge @!p0 [sflag:s11], $0x4000  }
0x6a: {  	s5 =	smov.u32 s6;
	[sflag:s11] =	ssyncset.done @!p0 $0x0  }
0x6b: {  	s6 =	smov.u32 s0;
	s0 =	smov.u32 s25;
	[sflag:s11] =	ssyncadd.s32 @!p0 $0xFFFFC000  }
0x6c: {  	[spmem:s0] =	stream.linear.scatter @!p0 [tilespmem:s10], [sflag:$0x9], $0x4000, $0x38;
	[tilespmem:$0x1C200] =	vst v63  }
0x6d: {  	_ =	swait.ge @!p0 [sflag:s11], $0x4000  }
0x6e: {  	s8 =	smov.u32 s3;
	[sflag:s11] =	ssyncset.done @!p0 $0x0  }
0x6f: {  	s3 =	smov.u32 s0;
	s0 =	rddreg [dreg:$0x18];
	[sflag:s11] =	ssyncadd.s32 @!p0 $0xFFFFC000  }
0x70: {  	[tilespmem:s10], [sflag:$0x9] =	stream.linear.gather @!p0 [hbm4b:s0+s9], $0x4000, $0x38;
	[tilespmem:$0x1C200] =	vst v63  }
0x71: {  	_ =	swait.ge @!p0 [sflag:s11], $0x4000  }
0x72: {  	[sflag:s11] =	ssyncset.done @!p0 $0x0  }
0x73: {  	[sflag:s11] =	ssyncadd.s32 @!p0 $0xFFFFC000  }
0x74: {  	[spmem:s6] =	stream.linear.scatter @!p0 [tilespmem:s10], [sflag:$0x9], $0x4000, $0x38;
	[tilespmem:$0x1C200] =	vst v63  }
0x75: {  	_ =	swait.ge @!p0 [sflag:s11], $0x4000  }
0x76: {  	[sflag:s11] =	ssyncset.done @!p0 $0x0  }
0x77: {  	[sflag:s11] =	ssyncadd.s32 @!p0 $0xFFFFC000  }
0x78: {  	s25 =	smov.u32 s24;
	[bflag:$0x0] =	sbarrier.arrive $0xFFFF  }
0x79: {  	s30 =	simm.s32 $0x5;
	s24 =	simm.s32 $0x1C000;
	s23 =	rddreg [dreg:$0x4]  }
0x7a: {  	[tilespmem:s24], [sflag:$0x5] =	stream.linear.gather [hbm4b:s23+s2], $0x80, $0x38;
	[tilespmem:$0x1C200] =	vst v63  }
0x7b: {  	_ =	swait.ge [sflag:s30], $0x80  }
0x7c: {  	[sflag:s30] =	ssyncset.done $0x0  }
0x7d: {  	[sflag:s30] =	ssyncadd.s32 $0xFFFFFF80  }
0x7e: {  	v1 =	vld [tilespmem:$0x1C000]  }
0x7f: {  	v2 =	vld [tilespmem:$0x1C010]  }
0x80: {  	v3 =	vld [tilespmem:$0x1C020]  }
0x81: {  	v4 =	vld [tilespmem:$0x1C030]  }
0x82: {  	v5 =	vld [tilespmem:$0x1C040]  }
0x83: {  	v6 =	vld [tilespmem:$0x1C050];
	v1 =	vadd.s32 v0, v1  }
0x84: {  	[tilespmem:$0x1C000] =	vst v1;
	v1 =	vadd.s32 v0, v2;
	v2 =	vld [tilespmem:$0x1C060]  }
0x85: {  	[tilespmem:$0x1C010] =	vst v1;
	v1 =	vadd.s32 v0, v3;
	v3 =	vld [tilespmem:$0x1C070]  }
0x86: {  	[tilespmem:$0x1C020] =	vst v1;
	v1 =	vadd.s32 v0, v4  }
0x87: {  	[tilespmem:$0x1C030] =	vst v1;
	v1 =	vadd.s32 v0, v5  }
0x88: {  	[tilespmem:$0x1C040] =	vst v1;
	v1 =	vadd.s32 v0, v6  }
0x89: {  	[tilespmem:$0x1C050] =	vst v1;
	v1 =	vadd.s32 v0, v2  }
0x8a: {  	[tilespmem:$0x1C060] =	vst v1;
	v1 =	vadd.s32 v0, v3  }
0x8b: {  	s10 =	rddreg [dreg:$0x5];
	[tilespmem:$0x1C070] =	vst v1  }
0x8c: {  	[tilespmem:s12], [sflag:$0x7] =	stream.linear.gather [hbm4b:s10+s2], $0x80, $0x38;
	[tilespmem:$0x1C200] =	vst v63  }
0x8d: {  	_ = 	snop  }
0x8e: {  	[tilespmem:s14], [sflag:$0x1] =	stream.indirect.gather [hbm4b:s4+s13], $0x80, s24, s13, $0xb8;
	[tilespmem:$0x1C200] =	vst v63  }
0x8f: {  	s11 =	rddreg [dreg:$0x1c]  }
0x90: {  	[tilespmem:s15], [sflag:$0x6] =	stream.linear.gather [hbm4b:s11+s2], $0x80, $0x38;
	[tilespmem:$0x1C200] =	vst v63  }
0x91: {  	_ =	swait.ge [sflag:s16], $0x4000  }
0x92: {  	p1 =	por $0x0, $0x0;
	s28 =	smov.u32 s29;
	s9 =	rddreg [dreg:$0x3]  }
0x93: {  	s29 =	simm.s32 @!p1 $0x1C000;
	[sflag:s16] =	ssyncset.done $0x0;
	s9 =	sadd.s32 @!p1 $0x0, s9  }
0x94: {  	s11 =	simm.s32 @!p1 $0x0;
	[sflag:s16] =	ssyncadd.s32 $0xFFFFC000;
	s10 =	sadd.s32 @!p1 $0x20, s9  }
0x95: {  	[tilespmem:s29], [sflag:$0x5] =	stream.linear.gather @!p1 [hbm4b:s10+s11], $0x80, $0x38;
	[tilespmem:$0x1C200] =	vst v63  }
0x96: {  	_ =	swait.ge [sflag:s17], $0x80  }
0x97: {  	[sflag:s17] =	ssyncset.done $0x0  }
0x98: {  	[sflag:s17] =	ssyncadd.s32 $0xFFFFFF80  }
0x99: {  	v1 =	vld [tilespmem:$0x1C0A0]  }
0x9a: {  	v2 =	vld [tilespmem:$0x1C090]  }
0x9b: {  	v3 =	vld [tilespmem:$0x1C080]  }
0x9c: {  	v61 =	vld [tilespmem:$0x1C0E0]  }
0x9d: {  	v63 =	vld [tilespmem:$0x1C0D0]  }
0x9e: {  	v62 =	vld [tilespmem:$0x1C0F0];
	v1 =	vadd.s32 v0, v1  }
0x9f: {  	v7 =	vld [tilespmem:$0x1C0B0];
	v2 =	vadd.s32 v0, v2;
	[tilespmem:$0x1C0A0] =	vst v1  }
0xa0: {  	v3 =	vadd.s32 v0, v3;
	v1 =	vld [tilespmem:$0x1C0C0];
	[tilespmem:$0x1C090] =	vst v2  }
0xa1: {  	[tilespmem:$0x1C080] =	vst v3;
	v2 =	vadd.s32 v0, v61  }
0xa2: {  	v3 =	vadd.s32 v0, v63;
	[tilespmem:$0x1C0E0] =	vst v2  }
0xa3: {  	v2 =	vadd.s32 v0, v62;
	[tilespmem:$0x1C0D0] =	vst v3  }
0xa4: {  	[tilespmem:$0x1C0F0] =	vst v2;
	v2 =	vadd.s32 v0, v7  }
0xa5: {  	p2 =	por $0x1, $0x1;
	[tilespmem:$0x1C0B0] =	vst v2;
	v1 =	vadd.s32 v0, v1  }
0xa6: {  	s10 =	simm.s32 @!p2 $0x4;
	[tilespmem:$0x1C0C0] =	vst v1  }
0xa7: {  	_ =	swait.ge @!p2 [sflag:s10], $0x4000  }
0xa8: {  	s23 =	sadd.s32 $0x0, s7;
	[sflag:s10] =	ssyncset.done @!p2 $0x0  }
0xa9: {  	s30 =	sadd.s32 $0x10, s23;
	[sflag:s10] =	ssyncadd.s32 @!p2 $0xFFFFC000  }
0xaa: {  	[tilespmem:s18], [sflag:$0x8] =	stream.linear.gather [hbm4b:s30+s2], $0x80, $0x38;
	[tilespmem:$0x1C200] =	vst v63  }
0xab: {  	_ = 	snop  }
0xac: {  	[tilespmem:s19], [sflag:$0x2] =	stream.indirect.gather [hbm4b:s4+s13], $0x80, s15, s13, $0xb8;
	[tilespmem:$0x1C200] =	vst v63  }
0xad: {  	_ =	swait.ge [sflag:s20], $0x80  }
0xae: {  	[sflag:s20] =	ssyncset.done $0x0  }
0xaf: {  	[sflag:s20] =	ssyncadd.s32 $0xFFFFFF80  }
0xb0: {  	[spmem:s1] =	stream.indirect.scatter.add.f32 [tilespmem:s14], [sflag:$0x3], $0x80, s12, s13, $0xb8;
	[tilespmem:$0x1C200] =	vst v63  }
0xb1: {  	_ =	swait.ge [sflag:s21], $0x4000  }
0xb2: {  	[sflag:s21] =	ssyncset.done $0x0  }
0xb3: {  	s10 =	simm.s32 @p1 $0x3;
	[sflag:s21] =	ssyncadd.s32 $0xFFFFC000  }
0xb4: {  	_ =	swait.ge @p1 [sflag:s10], $0x4000  }
0xb5: {  	[sflag:s10] =	ssyncset.done @p1 $0x0  }
0xb6: {  	s9 =	sadd.s32 @!p1 $0x30, s9;
	[sflag:s10] =	ssyncadd.s32 @p1 $0xFFFFC000;
	s10 =	simm.s32 @!p1 $0x1C080  }
0xb7: {  	[tilespmem:s10], [sflag:$0x6] =	stream.linear.gather @!p1 [hbm4b:s9+s11], $0x80, $0x38;
	[tilespmem:$0x1C200] =	vst v63  }
0xb8: {  	s9 =	simm.s32 @!p1 $0x3  }
0xb9: {  	_ =	swait.ge @!p1 [sflag:s9], $0x4000  }
0xba: {  	s10 =	sadd.s32 @!p1 $0x0, s7;
	[sflag:s9] =	ssyncset.done @!p1 $0x0  }
0xbb: {  	s10 =	sadd.s32 @!p1 $0x20, s10;
	[sflag:s9] =	ssyncadd.s32 @!p1 $0xFFFFC000;
	s9 =	simm.s32 @!p1 $0x1C100  }
0xbc: {  	[tilespmem:s9], [sflag:$0x7] =	stream.linear.gather @!p1 [hbm4b:s10+s11], $0x80, $0x38;
	[tilespmem:$0x1C200] =	vst v63  }
0xbd: {  	s9 =	simm.s32 @!p1 $0x5  }
0xbe: {  	_ =	swait.ge @!p1 [sflag:s9], $0x80  }
0xbf: {  	[sflag:s9] =	ssyncset.done @!p1 $0x0  }
0xc0: {  	s31 =	simm.s32 $0x20;
	s0 =	smov.u32 s6;
	[sflag:s9] =	ssyncadd.s32 @!p1 $0xFFFFFF80  }
.LBB2_2:
0xc1: {  	v1 =	vld @!p1 [tilespmem:$0x1C070]  }
0xc2: {  	v2 =	vld @!p1 [tilespmem:$0x1C060]  }
0xc3: {  	v3 =	vld @!p1 [tilespmem:$0x1C050]  }
0xc4: {  	v4 =	vld @!p1 [tilespmem:$0x1C040]  }
0xc5: {  	v5 =	vld @!p1 [tilespmem:$0x1C030]  }
0xc6: {  	v6 =	vld @!p1 [tilespmem:$0x1C020];
	v1 =	vadd.s32 @!p1 v0, v1  }
0xc7: {  	v7 =	vld @!p1 [tilespmem:$0x1C010];
	v2 =	vadd.s32 @!p1 v0, v2;
	[tilespmem:$0x1C070] =	vst @!p1 v1  }
0xc8: {  	v3 =	vadd.s32 @!p1 v0, v3;
	v1 =	vld @!p1 [tilespmem:$0x1C000];
	[tilespmem:$0x1C060] =	vst @!p1 v2  }
0xc9: {  	v2 =	vadd.s32 @!p1 v0, v4;
	[tilespmem:$0x1C050] =	vst @!p1 v3  }
0xca: {  	v3 =	vadd.s32 @!p1 v0, v5;
	[tilespmem:$0x1C040] =	vst @!p1 v2  }
0xcb: {  	v2 =	vadd.s32 @!p1 v0, v6;
	[tilespmem:$0x1C030] =	vst @!p1 v3  }
0xcc: {  	v3 =	vadd.s32 @!p1 v0, v7;
	[tilespmem:$0x1C020] =	vst @!p1 v2  }
0xcd: {  	[tilespmem:$0x1C010] =	vst @!p1 v3;
	v1 =	vadd.s32 @!p1 v0, v1  }
0xce: {  	s9 =	simm.s32 @!p1 $0x80;
	s11 =	simm.s32 @!p1 $0x14000;
	[tilespmem:$0x1C000] =	vst @!p1 v1  }
0xcf: {  	[tilespmem:s11], [sflag:$0x1] =	stream.indirect.gather @!p1 [hbm4b:s4+s9], $0x80, s29, s9, $0xb8;
	[tilespmem:$0x1C200] =	vst v63  }
0xd0: {  	_ =	swait.ge [sflag:s22], $0x80  }
0xd1: {  	[sflag:s22] =	ssyncset.done $0x0  }
0xd2: {  	[sflag:s22] =	ssyncadd.s32 $0xFFFFFF80  }
0xd3: {  	[spmem:s1] =	stream.indirect.scatter.add.f32 [tilespmem:s19], [sflag:$0x4], $0x80, s18, s13, $0xb8;
	[tilespmem:$0x1C200] =	vst v63  }
0xd4: {  	s10 =	smov.u32 s31;
	_ =	swait.ge [sflag:s16], $0x4000  }
0xd5: {  	p1 =	seq.s32 s10, $0x4E0;
	s9 =	rddreg [dreg:$0x3]  }
0xd6: {  	s29 =	simm.s32 @!p1 $0x1C000;
	[sflag:s16] =	ssyncset.done $0x0;
	s11 =	sadd.s32 @!p1 s10, s9  }
0xd7: {  	[sflag:s16] =	ssyncadd.s32 $0xFFFFC000;
	s9 =	simm.s32 @!p1 $0x0;
	s24 =	sadd.s32 @!p1 $0x20, s11  }
0xd8: {  	[tilespmem:s29], [sflag:$0x5] =	stream.linear.gather @!p1 [hbm4b:s24+s9], $0x80, $0x38;
	[tilespmem:$0x1C200] =	vst v63  }
0xd9: {  	_ =	swait.ge [sflag:s17], $0x80  }
0xda: {  	[sflag:s17] =	ssyncset.done $0x0  }
0xdb: {  	[sflag:s17] =	ssyncadd.s32 $0xFFFFFF80  }
0xdc: {  	v2 =	vld [tilespmem:$0x1C0A0]  }
0xdd: {  	v3 =	vld [tilespmem:$0x1C090]  }
0xde: {  	v59 =	vld [tilespmem:$0x1C080]  }
0xdf: {  	v62 =	vld [tilespmem:$0x1C0D0]  }
0xe0: {  	v1 =	vld [tilespmem:$0x1C0B0]  }
0xe1: {  	v60 =	vld [tilespmem:$0x1C0E0];
	v2 =	vadd.s32 v0, v2  }
0xe2: {  	v61 =	vld [tilespmem:$0x1C0F0];
	v3 =	vadd.s32 v0, v3;
	[tilespmem:$0x1C0A0] =	vst v2  }
0xe3: {  	v4 =	vadd.s32 v0, v59;
	v2 =	vld [tilespmem:$0x1C0C0];
	[tilespmem:$0x1C090] =	vst v3  }
0xe4: {  	v63 =	vadd.s32 v0, v62;
	[tilespmem:$0x1C080] =	vst v4  }
0xe5: {  	v1 =	vadd.s32 v0, v1;
	[tilespmem:$0x1C0D0] =	vst v63  }
0xe6: {  	v3 =	vadd.s32 v0, v60;
	[tilespmem:$0x1C0B0] =	vst v1  }
0xe7: {  	[tilespmem:$0x1C0E0] =	vst v3;
	v3 =	vadd.s32 v0, v61  }
0xe8: {  	p3 =	seq.s32 s10, $0x0;
	s23 =	sadd.s32 @!p1 s10, s7;
	[tilespmem:$0x1C0F0] =	vst v3;
	v2 =	vadd.s32 v0, v2  }
0xe9: {  	s24 =	sadd.s32 @!p1 $0x30, s11;
	s11 =	sadd.s32 @!p1 $0x20, s23;
	s23 =	simm.s32 @!p3 $0x4;
	[tilespmem:$0x1C0C0] =	vst v2  }
0xea: {  	_ =	swait.ge @!p3 [sflag:s23], $0x4000  }
0xeb: {  	s10 =	sadd.s32 s10, s7;
	[sflag:s23] =	ssyncset.done @!p3 $0x0  }
0xec: {  	s10 =	sadd.s32 $0x10, s10;
	[sflag:s23] =	ssyncadd.s32 @!p3 $0xFFFFC000  }
0xed: {  	[tilespmem:s18], [sflag:$0x8] =	stream.linear.gather [hbm4b:s10+s2], $0x80, $0x38;
	[tilespmem:$0x1C200] =	vst v63  }
0xee: {  	_ = 	snop  }
0xef: {  	[tilespmem:s19], [sflag:$0x2] =	stream.indirect.gather [hbm4b:s4+s13], $0x80, s15, s13, $0xb8;
	[tilespmem:$0x1C200] =	vst v63  }
0xf0: {  	_ =	swait.ge [sflag:s20], $0x80  }
0xf1: {  	[sflag:s20] =	ssyncset.done $0x0  }
0xf2: {  	[sflag:s20] =	ssyncadd.s32 $0xFFFFFF80  }
0xf3: {  	[spmem:s1] =	stream.indirect.scatter.add.f32 [tilespmem:s14], [sflag:$0x3], $0x80, s12, s13, $0xb8;
	[tilespmem:$0x1C200] =	vst v63  }
0xf4: {  	_ =	swait.ge [sflag:s21], $0x4000  }
0xf5: {  	[sflag:s21] =	ssyncset.done $0x0  }
0xf6: {  	s10 =	simm.s32 @p1 $0x3;
	[sflag:s21] =	ssyncadd.s32 $0xFFFFC000  }
0xf7: {  	_ =	swait.ge @p1 [sflag:s10], $0x4000  }
0xf8: {  	[sflag:s10] =	ssyncset.done @p1 $0x0  }
0xf9: {  	s23 =	simm.s32 @!p1 $0x3;
	[sflag:s10] =	ssyncadd.s32 @p1 $0xFFFFC000;
	s10 =	simm.s32 @!p1 $0x1C080  }
0xfa: {  	[tilespmem:s10], [sflag:$0x6] =	stream.linear.gather @!p1 [hbm4b:s24+s9], $0x80, $0x38;
	[tilespmem:$0x1C200] =	vst v63  }
0xfb: {  	s31 =	sadd.s32 $0x20, s31;
	_ =	swait.ge @!p1 [sflag:s23], $0x4000  }
0xfc: {  	p2 =	sne.s32 s31, $0x500;
	s10 =	simm.s32 @!p1 $0x1C100;
	[sflag:s23] =	ssyncset.done @!p1 $0x0  }
.Ltmp0:
0xfd: {  	[sflag:s23] =	ssyncadd.s32 @!p1 $0xFFFFC000;
	s23 =	simm.s32 @!p1 $0x5;
	(pc) =	sbr.rel @p2 .LBB2_2-.Ltmp0, $4  }
0xfe: {  	[tilespmem:s10], [sflag:$0x7] =	stream.linear.gather @!p1 [hbm4b:s11+s9], $0x80, $0x38;
	[tilespmem:$0x1C200] =	vst v63  }
0xff: {  	_ =	swait.ge @!p1 [sflag:s23], $0x80  }
0x100: {  	[sflag:s23] =	ssyncset.done @!p1 $0x0  }
0x101: {  	[sflag:s23] =	ssyncadd.s32 @!p1 $0xFFFFFF80  }
0x102: {  	v1 =	vld @!p1 [tilespmem:$0x1C070]  }
0x103: {  	v2 =	vld @!p1 [tilespmem:$0x1C060]  }
0x104: {  	v3 =	vld @!p1 [tilespmem:$0x1C050]  }
0x105: {  	v4 =	vld @!p1 [tilespmem:$0x1C040]  }
0x106: {  	v5 =	vld @!p1 [tilespmem:$0x1C030]  }
0x107: {  	v6 =	vld @!p1 [tilespmem:$0x1C020];
	v1 =	vadd.s32 @!p1 v0, v1  }
0x108: {  	v7 =	vld @!p1 [tilespmem:$0x1C010];
	v2 =	vadd.s32 @!p1 v0, v2;
	[tilespmem:$0x1C070] =	vst @!p1 v1  }
0x109: {  	v3 =	vadd.s32 @!p1 v0, v3;
	v1 =	vld @!p1 [tilespmem:$0x1C000];
	[tilespmem:$0x1C060] =	vst @!p1 v2  }
0x10a: {  	v2 =	vadd.s32 @!p1 v0, v4;
	[tilespmem:$0x1C050] =	vst @!p1 v3  }
0x10b: {  	v3 =	vadd.s32 @!p1 v0, v5;
	[tilespmem:$0x1C040] =	vst @!p1 v2  }
0x10c: {  	v2 =	vadd.s32 @!p1 v0, v6;
	[tilespmem:$0x1C030] =	vst @!p1 v3  }
0x10d: {  	v3 =	vadd.s32 @!p1 v0, v7;
	[tilespmem:$0x1C020] =	vst @!p1 v2  }
0x10e: {  	[tilespmem:$0x1C010] =	vst @!p1 v3;
	v1 =	vadd.s32 @!p1 v0, v1  }
0x10f: {  	s9 =	simm.s32 @!p1 $0x80;
	s10 =	simm.s32 @!p1 $0x14000;
	[tilespmem:$0x1C000] =	vst @!p1 v1  }
0x110: {  	[tilespmem:s10], [sflag:$0x1] =	stream.indirect.gather @!p1 [hbm4b:s4+s9], $0x80, s29, s9, $0xb8;
	[tilespmem:$0x1C200] =	vst v63  }
0x111: {  	_ =	swait.ge [sflag:s22], $0x80  }
0x112: {  	[sflag:s22] =	ssyncset.done $0x0  }
0x113: {  	s6 =	simm.s32 $0x4;
	[sflag:s22] =	ssyncadd.s32 $0xFFFFFF80  }
0x114: {  	[spmem:s1] =	stream.indirect.scatter.add.f32 [tilespmem:s19], [sflag:$0x4], $0x80, s18, s13, $0xb8;
	[tilespmem:$0x1C200] =	vst v63  }
0x115: {  	_ =	swait.ge [sflag:s6], $0x4000  }
0x116: {  	[sflag:s6] =	ssyncset.done $0x0  }
0x117: {  	[sflag:s6] =	ssyncadd.s32 $0xFFFFC000  }
0x118: {  	s9 =	simm.s32 @p0 $0x14000;
	s10 =	simm.s32 @p0 $0x9;
	[bflag:$0x0] =	sbarrier.arrive $0xFFFF  }
0x119: {  	[tilespmem:s9], [sflag:$0x9] =	stream.linear.gather @p0 [spmem:s5], $0x4000, $0x38;
	[tilespmem:$0x1C200] =	vst v63  }
0x11a: {  	_ =	swait.ge @p0 [sflag:s10], $0x4000  }
0x11b: {  	[sflag:s10] =	ssyncset.done @p0 $0x0  }
0x11c: {  	s11 =	simm.s32 @p0 $0x0;
	s23 =	rddreg [dreg:$0xb];
	[sflag:s10] =	ssyncadd.s32 @p0 $0xFFFFC000  }
0x11d: {  	[hbm4b:s23+s11] =	stream.linear.scatter @p0 [tilespmem:s9], [sflag:$0x9], $0x4000, $0x38;
	[tilespmem:$0x1C200] =	vst v63  }
0x11e: {  	_ =	swait.ge @p0 [sflag:s10], $0x4000  }
0x11f: {  	[sflag:s10] =	ssyncset.done @p0 $0x0  }
0x120: {  	[sflag:s10] =	ssyncadd.s32 @p0 $0xFFFFC000  }
0x121: {  	[tilespmem:s9], [sflag:$0x9] =	stream.linear.gather @p0 [spmem:s8], $0x4000, $0x38;
	[tilespmem:$0x1C200] =	vst v63  }
0x122: {  	_ =	swait.ge @p0 [sflag:s10], $0x4000  }
0x123: {  	[sflag:s10] =	ssyncset.done @p0 $0x0  }
0x124: {  	s23 =	rddreg [dreg:$0x10];
	[sflag:s10] =	ssyncadd.s32 @p0 $0xFFFFC000  }
0x125: {  	[hbm4b:s23+s11] =	stream.linear.scatter @p0 [tilespmem:s9], [sflag:$0x9], $0x4000, $0x38;
	[tilespmem:$0x1C200] =	vst v63  }
0x126: {  	_ =	swait.ge @p0 [sflag:s10], $0x4000  }
0x127: {  	[sflag:s10] =	ssyncset.done @p0 $0x0  }
0x128: {  	s6 =	smov.u32 s5;
	s5 =	rddreg [dreg:$0x19];
	[sflag:s10] =	ssyncadd.s32 @p0 $0xFFFFC000  }
0x129: {  	[tilespmem:s9], [sflag:$0x9] =	stream.linear.gather @p0 [spmem:s5], $0x4000, $0x38;
	[tilespmem:$0x1C200] =	vst v63  }
0x12a: {  	_ =	swait.ge @p0 [sflag:s10], $0x4000  }
0x12b: {  	[sflag:s10] =	ssyncset.done @p0 $0x0  }
0x12c: {  	s23 =	rddreg [dreg:$0x11];
	[sflag:s10] =	ssyncadd.s32 @p0 $0xFFFFC000  }
0x12d: {  	[hbm4b:s23+s11] =	stream.linear.scatter @p0 [tilespmem:s9], [sflag:$0x9], $0x4000, $0x38;
	[tilespmem:$0x1C200] =	vst v63  }
0x12e: {  	_ =	swait.ge @p0 [sflag:s10], $0x4000  }
0x12f: {  	[sflag:s10] =	ssyncset.done @p0 $0x0  }
0x130: {  	s30 =	rddreg [dreg:$0x1a];
	[sflag:s10] =	ssyncadd.s32 @p0 $0xFFFFC000  }
0x131: {  	[tilespmem:s9], [sflag:$0x9] =	stream.linear.gather @p0 [spmem:s30], $0x800, $0x38;
	[tilespmem:$0x1C200] =	vst v63  }
0x132: {  	_ =	swait.ge @p0 [sflag:s10], $0x800  }
0x133: {  	[sflag:s10] =	ssyncset.done @p0 $0x0  }
0x134: {  	s23 =	rddreg [dreg:$0x12];
	[sflag:s10] =	ssyncadd.s32 @p0 $0xFFFFF800  }
0x135: {  	[hbm4b:s23+s11] =	stream.linear.scatter @p0 [tilespmem:s9], [sflag:$0x9], $0x800, $0x38;
	[tilespmem:$0x1C200] =	vst v63  }
0x136: {  	_ =	swait.ge @p0 [sflag:s10], $0x800  }
0x137: {  	[sflag:s10] =	ssyncset.done @p0 $0x0  }
0x138: {  	s9 =	simm.s32 @!p0 $0x14000;
	[sflag:s10] =	ssyncadd.s32 @p0 $0xFFFFF800;
	s10 =	simm.s32 @!p0 $0x9  }
0x139: {  	[tilespmem:s9], [sflag:$0x9] =	stream.linear.gather @!p0 [spmem:s25], $0x4000, $0x38;
	[tilespmem:$0x1C200] =	vst v63  }
0x13a: {  	_ =	swait.ge @!p0 [sflag:s10], $0x4000  }
0x13b: {  	[sflag:s10] =	ssyncset.done @!p0 $0x0  }
0x13c: {  	s11 =	simm.s32 @!p0 $0x0;
	s23 =	rddreg [dreg:$0x6];
	[sflag:s10] =	ssyncadd.s32 @!p0 $0xFFFFC000  }
0x13d: {  	[hbm4b:s23+s11] =	stream.linear.scatter @!p0 [tilespmem:s9], [sflag:$0x9], $0x4000, $0x38;
	[tilespmem:$0x1C200] =	vst v63  }
0x13e: {  	_ =	swait.ge @!p0 [sflag:s10], $0x4000  }
0x13f: {  	[sflag:s10] =	ssyncset.done @!p0 $0x0  }
0x140: {  	[sflag:s10] =	ssyncadd.s32 @!p0 $0xFFFFC000  }
0x141: {  	[tilespmem:s9], [sflag:$0x9] =	stream.linear.gather @!p0 [spmem:s28], $0x4000, $0x38;
	[tilespmem:$0x1C200] =	vst v63  }
0x142: {  	_ =	swait.ge @!p0 [sflag:s10], $0x4000  }
0x143: {  	[sflag:s10] =	ssyncset.done @!p0 $0x0  }
0x144: {  	s23 =	rddreg [dreg:$0x7];
	[sflag:s10] =	ssyncadd.s32 @!p0 $0xFFFFC000  }
0x145: {  	[hbm4b:s23+s11] =	stream.linear.scatter @!p0 [tilespmem:s9], [sflag:$0x9], $0x4000, $0x38;
	[tilespmem:$0x1C200] =	vst v63  }
0x146: {  	_ =	swait.ge @!p0 [sflag:s10], $0x4000  }
0x147: {  	[sflag:s10] =	ssyncset.done @!p0 $0x0  }
0x148: {  	s31 =	rddreg [dreg:$0x1b];
	[sflag:s10] =	ssyncadd.s32 @!p0 $0xFFFFC000  }
0x149: {  	[tilespmem:s9], [sflag:$0x9] =	stream.linear.gather @!p0 [spmem:s31], $0x4000, $0x38;
	[tilespmem:$0x1C200] =	vst v63  }
0x14a: {  	_ =	swait.ge @!p0 [sflag:s10], $0x4000  }
0x14b: {  	[sflag:s10] =	ssyncset.done @!p0 $0x0  }
0x14c: {  	s23 =	rddreg [dreg:$0x8];
	[sflag:s10] =	ssyncadd.s32 @!p0 $0xFFFFC000  }
0x14d: {  	[hbm4b:s23+s11] =	stream.linear.scatter @!p0 [tilespmem:s9], [sflag:$0x9], $0x4000, $0x38;
	[tilespmem:$0x1C200] =	vst v63  }
0x14e: {  	_ =	swait.ge @!p0 [sflag:s10], $0x4000  }
0x14f: {  	[sflag:s10] =	ssyncset.done @!p0 $0x0  }
0x150: {  	s24 =	smov.u32 s25;
	s25 =	smov.u32 s3;
	[sflag:s10] =	ssyncadd.s32 @!p0 $0xFFFFC000  }
0x151: {  	[tilespmem:s9], [sflag:$0x9] =	stream.linear.gather @!p0 [spmem:s25], $0x4000, $0x38;
	[tilespmem:$0x1C200] =	vst v63  }
0x152: {  	_ =	swait.ge @!p0 [sflag:s10], $0x4000  }
0x153: {  	[sflag:s10] =	ssyncset.done @!p0 $0x0  }
0x154: {  	s23 =	rddreg [dreg:$0x9];
	[sflag:s10] =	ssyncadd.s32 @!p0 $0xFFFFC000  }
0x155: {  	[hbm4b:s23+s11] =	stream.linear.scatter @!p0 [tilespmem:s9], [sflag:$0x9], $0x4000, $0x38;
	[tilespmem:$0x1C200] =	vst v63  }
0x156: {  	_ =	swait.ge @!p0 [sflag:s10], $0x4000  }
0x157: {  	[sflag:s10] =	ssyncset.done @!p0 $0x0  }
0x158: {  	[sflag:s10] =	ssyncadd.s32 @!p0 $0xFFFFC000  }
0x159: {  	[tilespmem:s9], [sflag:$0x9] =	stream.linear.gather @!p0 [spmem:s0], $0x4000, $0x38;
	[tilespmem:$0x1C200] =	vst v63  }
0x15a: {  	_ =	swait.ge @!p0 [sflag:s10], $0x4000  }
0x15b: {  	[sflag:s10] =	ssyncset.done @!p0 $0x0  }
0x15c: {  	s23 =	rddreg [dreg:$0xa];
	[sflag:s10] =	ssyncadd.s32 @!p0 $0xFFFFC000  }
0x15d: {  	[hbm4b:s23+s11] =	stream.linear.scatter @!p0 [tilespmem:s9], [sflag:$0x9], $0x4000, $0x38;
	[tilespmem:$0x1C200] =	vst v63  }
0x15e: {  	_ =	swait.ge @!p0 [sflag:s10], $0x4000  }
0x15f: {  	s26 =	sadd.s32 $0x1, s26;
	s29 =	smov.u32 s28;
	s28 =	rddreg [dreg:$0x13]  }
0x160: {  	p1 =	sne.s32 s26, s28  }
.Ltmp1:
0x161: {  	_ = 	snop;
	(pc) =	sbr.rel @p1 .LBB2_1-.Ltmp1, $3  }
0x162: {  	_ =	sdelay $0x1  }
0x163: {  	[sflag:s10] =	ssyncset.done @!p0 $0x0  }
0x164: {  	s3 =	smov.u32 s8;
	[sflag:s10] =	ssyncadd.s32 @!p0 $0xFFFFC000  }
0x165: {  	_ =	sfence.sel $0x180000  }
0x166: {  	[bflag:$0x0] =	sbarrier.arrive $0xFFFF  }
0x167: {  	_ =	strace $0x9000004A  }
0x168: {  	s0 =	stileid.u32;
	[bflag:$0x2] =	sbarrier.arrive $0xFFFF  }
0x169: {  	p0 =	sne.s32 s0, $0x0;
	s0 =	rddreg [dreg:$0x2]  }
0x16a: {  	s0 =	sadd.s32 @!p0 $0x100000, s0  }
0x16b: {  	[sflag:s0] =	ssyncadd.tile.s32 @!p0 $0x1;
	_ =	shalt  }
.Lfunc_end2:
_tile_overlayer_lowered:
.L_overlay_start_2:
0x16c: {  	(tag) =	ssettag $0x2  }
0x16d: {  	s0 =	rddreg [dreg:$0x0];
	s2 =	stileid.u32  }
0x16e: {  	s1 =	rddreg [dreg:$0x1];
	p0 =	sne.s32 s2, $0x0  }
0x16f: {  	s3 =	rddreg [dreg:$0x2];
	[bflag:$0x3] =	sbarrier.arrive $0xFFFF;
	s2 =	simm.s32 @!p0 $0x1C09  }
0x170: {  	[timem:s3], [sflag:s2] =	dma.local @!p0 [hbm:s0], s1  }
0x171: {  	s0 =	simm.s32 @!p0 $0x9  }
0x172: {  	_ =	swait.ge @!p0 [sflag:s0], s1  }
0x173: {  	s1 =	ssub.s32 @!p0 $0x0, s1;
	[sflag:s0] =	ssyncset.done @!p0 $0x0  }
0x174: {  	[sflag:s0] =	ssyncadd.s32 @!p0 s1  }
0x175: {  	[bflag:$0x3] =	sbarrier.arrive $0xFFFF  }
0x176: {  	_ =	shalt  }

</sc_bundles>
